<compile_context>
chip_gen: v7x
topology: tpu7x:2x2x1
jax: 0.10.2.dev20260603
libtpu: 0.0.44.dev20260713+nightly
codegen_flags: <defaults>
</compile_context>

<pallas_src>
import functools

import jax
import jax.numpy as jnp
from jax import lax
from jax.experimental import pallas as pl
from jax.experimental.pallas import tpu as pltpu
from jax.experimental.pallas import tpu_sc as plsc

N = 10000
E = 320000
F = 128
G = 64
N_PAD = 10240
E_PAD = 327680
NB = N_PAD // 512
HALF = F // 2
FPT = 4
EPT = E_PAD // 32
CH = 4096
CHD = 1024

_mesh = plsc.VectorSubcoreMesh(core_axis_name="c", subcore_axis_name="s")
_sc_params = pltpu.CompilerParams(needs_layout_passes=False)


@functools.partial(
    pl.kernel,
    out_type=jax.ShapeDtypeStruct((2, 16, N_PAD), jnp.float32),
    mesh=_mesh,
    scratch_types=[
        pltpu.VMEM((N_PAD,), jnp.float32),
        pltpu.VMEM((CHD,), jnp.int32),
    ],
    compiler_params=_sc_params,
)
def _sc_degree(dst_hbm, deg_out, deg_l, dbuf):
    c = lax.axis_index("c")
    s = lax.axis_index("s")
    w = c * 16 + s

    def zero(i, carry):
        deg_l[pl.ds(i * 16, 16)] = jnp.zeros((16,), jnp.float32)
        return carry
    lax.fori_loop(0, N_PAD // 16, zero, 0)

    ones16 = jnp.ones((16,), jnp.float32)

    def chunk(cb, carry):
        pltpu.sync_copy(dst_hbm.at[pl.ds(w * EPT + cb * CHD, CHD)], dbuf)

        def step(g2, c2):
            idx = dbuf[pl.ds(g2 * 16, 16)]
            plsc.addupdate_scatter(deg_l, [idx], ones16)
            return c2
        return lax.fori_loop(0, CHD // 16, step, carry)
    lax.fori_loop(0, EPT // CHD, chunk, 0)
    pltpu.sync_copy(deg_l, deg_out.at[c, s])


@functools.partial(
    pl.kernel,
    out_type=jax.ShapeDtypeStruct((2, 16, FPT, N_PAD), jnp.float32),
    mesh=_mesh,
    scratch_types=[
        pltpu.VMEM((N_PAD,), jnp.float32),
        pltpu.VMEM((N_PAD,), jnp.float32),
        pltpu.VMEM((N_PAD,), jnp.float32),
        pltpu.VMEM((N_PAD,), jnp.float32),
        pltpu.VMEM((N_PAD,), jnp.float32),
        pltpu.VMEM((N_PAD,), jnp.float32),
        pltpu.VMEM((N_PAD,), jnp.float32),
        pltpu.VMEM((N_PAD,), jnp.float32),
        pltpu.VMEM((CH,), jnp.int32),
        pltpu.VMEM((CH,), jnp.int32),
        pltpu.VMEM((CH,), jnp.int32),
        pltpu.VMEM((CH,), jnp.int32),
        pltpu.SemaphoreType.DMA,
        pltpu.SemaphoreType.DMA,
    ],
    compiler_params=_sc_params,
)
def _sc_spmm(u_hbm, init_hbm, src_hbm, dst_hbm, agg_out,
             u0, u1, u2, u3, a0, a1, a2, a3,
             sbuf0, dbuf0, sbuf1, dbuf1, sem0, sem1):
    c = lax.axis_index("c")
    s = lax.axis_index("s")
    us = [u0, u1, u2, u3]
    accs = [a0, a1, a2, a3]
    for f in range(FPT):
        pltpu.sync_copy(u_hbm.at[c, s, f], us[f])
        pltpu.sync_copy(init_hbm.at[c, s, f], accs[f])

    NCH = E_PAD // CH

    def stage(cb, sb, db, sem):
        pltpu.make_async_copy(src_hbm.at[pl.ds(cb * CH, CH)], sb, sem).start()
        pltpu.make_async_copy(dst_hbm.at[pl.ds(cb * CH, CH)], db, sem).start()

    def wait(cb, sb, db, sem):
        pltpu.make_async_copy(src_hbm.at[pl.ds(cb * CH, CH)], sb, sem).wait()
        pltpu.make_async_copy(dst_hbm.at[pl.ds(cb * CH, CH)], db, sem).wait()

    def compute(sb, db):
        def step(g2, c2):
            for k in range(4):
                off = g2 * 64 + k * 16
                s16 = sb[pl.ds(off, 16)]
                d16 = db[pl.ds(off, 16)]
                for f in range(FPT):
                    vals = plsc.load_gather(us[f], [s16])
                    plsc.addupdate_scatter(accs[f], [d16], vals)
            return c2
        lax.fori_loop(0, CH // 64, step, 0)

    stage(0, sbuf0, dbuf0, sem0)

    def outer(ob, carry):
        cb0 = 2 * ob
        wait(cb0, sbuf0, dbuf0, sem0)
        stage(cb0 + 1, sbuf1, dbuf1, sem1)
        compute(sbuf0, dbuf0)
        wait(cb0 + 1, sbuf1, dbuf1, sem1)

        @pl.when(ob < NCH // 2 - 1)
        def _():
            stage(cb0 + 2, sbuf0, dbuf0, sem0)
        compute(sbuf1, dbuf1)
        return carry
    lax.fori_loop(0, NCH // 2, outer, 0)
    for f in range(FPT):
        pltpu.sync_copy(accs[f], agg_out.at[c, s, f])


def _tc_pre_body(parts_ref, x_ref, w1_ref, u_ref, init_ref, dinv_ref,
                 dinv_s):
    t = pl.program_id(2)
    c = pl.program_id(1)

    @pl.when((t == 0) & (c == 0))
    def _():
        deg_row = jnp.sum(parts_ref[...], axis=(0, 1))[None, :] + 1.0
        dinv_col = (1.0 / jnp.sqrt(deg_row)).T
        dinv_s[...] = dinv_col
        dinv_ref[...] = dinv_col

    dinv_col = dinv_s[...]
    h4 = jnp.dot(x_ref[...], w1_ref[0, 0],
                 preferred_element_type=jnp.float32)
    u4 = h4 * dinv_col
    u_ref[...] = u4.T[None, None]
    init_ref[...] = (u4 * (dinv_col * dinv_col)).T[None, None]


def _tc_pre(parts, x_pad, W1):
    return pl.pallas_call(
        _tc_pre_body,
        grid=(NB, 2, 16),
        in_specs=[
            pl.BlockSpec((2, 16, 512), lambda g, c, t: (0, 0, g)),
            pl.BlockSpec((512, F), lambda g, c, t: (g, 0)),
            pl.BlockSpec((1, 1, F, FPT), lambda g, c, t: (c, t, 0, 0)),
        ],
        out_specs=[
            pl.BlockSpec((1, 1, FPT, 512), lambda g, c, t: (c, t, 0, g)),
            pl.BlockSpec((1, 1, FPT, 512), lambda g, c, t: (c, t, 0, g)),
            pl.BlockSpec((512, 1), lambda g, c, t: (g, 0)),
        ],
        out_shape=[
            jax.ShapeDtypeStruct((2, 16, FPT, N_PAD), jnp.float32),
            jax.ShapeDtypeStruct((2, 16, FPT, N_PAD), jnp.float32),
            jax.ShapeDtypeStruct((N_PAD, 1), jnp.float32),
        ],
        scratch_shapes=[pltpu.VMEM((512, 1), jnp.float32)],
    )(parts, x_pad, W1)


def _assemble_nm(agg_ref):
    pieces = []
    for ci in range(2):
        for ti in range(16):
            pieces.append(agg_ref[ci, ti].T)
    return jnp.concatenate(pieces, axis=1)


def _tc_mid_body(agg_ref, dinv_ref, b1_ref, w2_ref, u2_ref, init2_ref,
                 out1_s):
    t = pl.program_id(2)
    c = pl.program_id(1)
    dinv_col = dinv_ref[...]

    @pl.when((t == 0) & (c == 0))
    def _():
        agg_nm = _assemble_nm(agg_ref)
        out1_s[...] = jnp.maximum(
            agg_nm * dinv_col + b1_ref[...][None, :], 0.0)

    h4 = jnp.dot(out1_s[...], w2_ref[0, 0],
                 preferred_element_type=jnp.float32)
    u4 = h4 * dinv_col
    u2_ref[...] = u4.T[None, None]
    init2_ref[...] = (u4 * (dinv_col * dinv_col)).T[None, None]


def _tc_mid(agg1, dinv, b1, W2):
    return pl.pallas_call(
        _tc_mid_body,
        grid=(NB, 2, 16),
        in_specs=[
            pl.BlockSpec((2, 16, FPT, 512), lambda g, c, t: (0, 0, 0, g)),
            pl.BlockSpec((512, 1), lambda g, c, t: (g, 0)),
            pl.BlockSpec((F,), lambda g, c, t: (0,)),
            pl.BlockSpec((1, 1, F, FPT), lambda g, c, t: (c, t, 0, 0)),
        ],
        out_specs=[
            pl.BlockSpec((1, 1, FPT, 512), lambda g, c, t: (c, t, 0, g)),
            pl.BlockSpec((1, 1, FPT, 512), lambda g, c, t: (c, t, 0, g)),
        ],
        out_shape=[
            jax.ShapeDtypeStruct((2, 16, FPT, N_PAD), jnp.float32),
            jax.ShapeDtypeStruct((2, 16, FPT, N_PAD), jnp.float32),
        ],
        scratch_shapes=[
            pltpu.VMEM((512, F), jnp.float32),
        ],
    )(agg1, dinv, b1, W2)


def _tc_post_body(agg_ref, dinv_ref, b2_ref, batch_r_ref, batch_c_ref,
                  fc1w_ref, fc1b_ref, fc2w_ref, fc2b_ref, out_ref,
                  sum_acc, cnt_acc, max_acc):
    g = pl.program_id(0)

    @pl.when(g == 0)
    def _init():
        sum_acc[...] = jnp.zeros_like(sum_acc)
        cnt_acc[...] = jnp.zeros_like(cnt_acc)
        max_acc[...] = jnp.full_like(max_acc, -jnp.inf)

    dinv = dinv_ref[...]
    h = _assemble_nm(agg_ref)
    h = jnp.maximum(h * dinv + b2_ref[...][None, :], 0.0)
    b_row = batch_r_ref[0]
    b_col = batch_c_ref[...]
    onehot = (b_row == lax.broadcasted_iota(jnp.int32, (G, 512), 0))
    onehot = onehot.astype(jnp.float32)
    sum_acc[...] += jnp.dot(onehot, h, preferred_element_type=jnp.float32)
    cnt_acc[...] += jnp.broadcast_to(
        jnp.sum(onehot, axis=1, keepdims=True), (G, F))

    lo = jnp.min(b_col)
    hi = jnp.minimum(jnp.max(b_col), G - 1)

    def mbody(gg, carry):
        mask = (b_col == gg)
        col = jnp.max(jnp.where(mask, h, -jnp.inf), axis=0, keepdims=True)
        max_acc[pl.ds(gg, 1), :] = jnp.maximum(max_acc[pl.ds(gg, 1), :], col)
        return carry
    lax.fori_loop(lo, hi + 1, mbody, 0)

    @pl.when(g == NB - 1)
    def _fin():
        mean = sum_acc[...] / jnp.maximum(cnt_acc[...], 1.0)
        mx = max_acc[...]
        mx = jnp.where(mx == -jnp.inf, 0.0, mx)
        z = (jnp.dot(mean, fc1w_ref[0:F, :], preferred_element_type=jnp.float32)
             + jnp.dot(mx, fc1w_ref[F:2 * F, :],
                       preferred_element_type=jnp.float32)
             + fc1b_ref[...][None, :])
        z = jnp.maximum(z, 0.0)
        logits = jnp.dot(z, fc2w_ref[...],
                         preferred_element_type=jnp.float32)
        logits = logits + fc2b_ref[...][None, :]
        m = jnp.max(logits, axis=1, keepdims=True)
        lse = jnp.log(jnp.sum(jnp.exp(logits - m), axis=1, keepdims=True)) + m
        out_ref[...] = logits - lse


def _tc_post(agg2, dinv, b2, batch_r, batch_c, fc1_W, fc1_b, fc2_W, fc2_b):
    return pl.pallas_call(
        _tc_post_body,
        grid=(NB,),
        in_specs=[
            pl.BlockSpec((2, 16, FPT, 512), lambda g: (0, 0, 0, g)),
            pl.BlockSpec((512, 1), lambda g: (g, 0)),
            pl.BlockSpec((F,), lambda g: (0,)),
            pl.BlockSpec((1, 1, 512), lambda g: (g, 0, 0)),
            pl.BlockSpec((512, 1), lambda g: (g, 0)),
            pl.BlockSpec((2 * F, F), lambda g: (0, 0)),
            pl.BlockSpec((F,), lambda g: (0,)),
            pl.BlockSpec((F, 10), lambda g: (0, 0)),
            pl.BlockSpec((10,), lambda g: (0,)),
        ],
        out_specs=pl.BlockSpec((G, 10), lambda g: (0, 0)),
        out_shape=jax.ShapeDtypeStruct((G, 10), jnp.float32),
        scratch_shapes=[
            pltpu.VMEM((G, F), jnp.float32),
            pltpu.VMEM((G, F), jnp.float32),
            pltpu.VMEM((G, F), jnp.float32),
        ],
    )(agg2, dinv, b2, batch_r, batch_c, fc1_W, fc1_b, fc2_W, fc2_b)


def kernel(x, edge_index, batch, W1, b1, W2, b2, fc1_W, fc1_b, fc2_W, fc2_b):
    ei = edge_index.astype(jnp.int32)
    pad_e = E_PAD - E
    src = jnp.concatenate([ei[0], jnp.zeros((pad_e,), jnp.int32)])
    dst = jnp.concatenate([ei[1], jnp.full((pad_e,), N, jnp.int32)])
    x_pad = jnp.pad(x, ((0, N_PAD - N), (0, 0)))
    batch_pad = jnp.concatenate(
        [batch.astype(jnp.int32), jnp.full((N_PAD - N,), G, jnp.int32)])
    batch_r = batch_pad.reshape(NB, 1, 512)
    batch_c = batch_pad.reshape(N_PAD, 1)
    W1r = W1.reshape(F, 2, 16, FPT).transpose(1, 2, 0, 3)
    W2r = W2.reshape(F, 2, 16, FPT).transpose(1, 2, 0, 3)

    parts = _sc_degree(dst)
    uT, initT, dinv = _tc_pre(parts, x_pad, W1r)
    aggT1 = _sc_spmm(uT, initT, src, dst)
    u2T, init2T = _tc_mid(aggT1, dinv, b1, W2r)
    aggT2 = _sc_spmm(u2T, init2T, src, dst)
    return _tc_post(aggT2, dinv, b2, batch_r, batch_c,
                    fc1_W, fc1_b, fc2_W, fc2_b)

# --- scband reference (transcript-rebuilt; emitter-appended) ---
"""Pipeline reference for scband-graph-classifier-61478161875419 (READ-ONLY COPY).

The authoritative reference and input builder live on the scoring server;
editing this copy changes nothing except your own understanding.
"""

import jax, jax.numpy as jnp
import numpy as np

NUM_NODES = 10000
NUM_EDGES = 320000
FEAT_DIM = 128
HIDDEN_DIM = 128
NUM_CLASSES = 10
NUM_GRAPHS = 64


def setup_inputs(seed: int = 0) -> dict:
    key = jax.random.key(seed)
    ks = jax.random.split(key, 12)
    x = jax.random.normal(ks[0], (NUM_NODES, FEAT_DIM), dtype=jnp.float32)
    edge_index = jax.random.randint(ks[1], (2, NUM_EDGES), 0, NUM_NODES, dtype=jnp.int64)
    batch = jnp.sort(jax.random.randint(ks[2], (NUM_NODES,), 0, NUM_GRAPHS, dtype=jnp.int64))
    W1 = jax.random.normal(ks[3], (FEAT_DIM, HIDDEN_DIM), dtype=jnp.float32) * 0.05
    b1 = jnp.zeros((HIDDEN_DIM,), dtype=jnp.float32)
    W2 = jax.random.normal(ks[4], (HIDDEN_DIM, HIDDEN_DIM), dtype=jnp.float32) * 0.05
    b2 = jnp.zeros((HIDDEN_DIM,), dtype=jnp.float32)
    fc1_W = jax.random.normal(ks[5], (HIDDEN_DIM * 2, HIDDEN_DIM), dtype=jnp.float32) * 0.05
    fc1_b = jnp.zeros((HIDDEN_DIM,), dtype=jnp.float32)
    fc2_W = jax.random.normal(ks[6], (HIDDEN_DIM, NUM_CLASSES), dtype=jnp.float32) * 0.05
    fc2_b = jnp.zeros((NUM_CLASSES,), dtype=jnp.float32)
    return {"x": x, "edge_index": edge_index, "batch": batch,
            "W1": W1, "b1": b1, "W2": W2, "b2": b2,
            "fc1_W": fc1_W, "fc1_b": fc1_b, "fc2_W": fc2_W, "fc2_b": fc2_b}


def gcn_conv(x, edge_index, W, b):
    n = x.shape[0]
    loop = jnp.arange(n, dtype=edge_index.dtype)
    src = jnp.concatenate([edge_index[0], loop])
    dst = jnp.concatenate([edge_index[1], loop])
    deg = jnp.zeros((n,), dtype=jnp.float32).at[dst].add(1.0)
    dinv = jnp.where(deg > 0, deg ** -0.5, 0.0)
    norm = dinv[src] * dinv[dst]
    h = x @ W
    msg = h[src] * norm[:, None]
    out = jnp.zeros((n, W.shape[1]), dtype=jnp.float32).at[dst].add(msg)
    return out + b


def reference(x, edge_index, batch, W1, b1, W2, b2, fc1_W, fc1_b, fc2_W, fc2_b):
    # conv1 + relu (dropout is identity in eval mode)
    h = jax.nn.relu(gcn_conv(x, edge_index, W1, b1))
    # conv2 + relu
    h = jax.nn.relu(gcn_conv(h, edge_index, W2, b2))
    # global mean pool
    seg_sum = jax.ops.segment_sum(h, batch, num_segments=NUM_GRAPHS)
    counts = jax.ops.segment_sum(jnp.ones((h.shape[0],), dtype=jnp.float32), batch, num_segments=NUM_GRAPHS)
    x_mean = seg_sum / jnp.maximum(counts, 1.0)[:, None]
    # global max pool
    seg_max = jax.ops.segment_max(h, batch, num_segments=NUM_GRAPHS)
    x_max = jnp.where(jnp.isfinite(seg_max), seg_max, 0.0)
    g = jnp.concatenate([x_mean, x_max], axis=1)
    g = jax.nn.relu(g @ fc1_W + fc1_b)
    logits = g @ fc2_W + fc2_b
    return jax.nn.log_softmax(logits, axis=1)

if __name__ == "__main__":
    import jax
    _d = setup_inputs()
    print(jax.jit(kernel)(*tuple(_d.values())))

</pallas_src>

<mosaic_0001>
#map = affine_map<(d0, d1) -> (0, 0, 0, 0)>
#map1 = affine_map<(d0, d1) -> (0)>
module attributes {stable_mosaic.version = 14 : i64} {
  func.func @_sc_spmm(%arg0: i32, %arg1: i32, %arg2: memref<2x16x4x10240xf32, #tpu.memory_space<hbm>>, %arg3: memref<2x16x4x10240xf32, #tpu.memory_space<hbm>>, %arg4: memref<327680xi32, #tpu.memory_space<hbm>>, %arg5: memref<327680xi32, #tpu.memory_space<hbm>>, %arg6: memref<2x16x4x10240xf32, #tpu.memory_space<hbm>>, %arg7: memref<10240xf32, #tpu.memory_space<vmem>>, %arg8: memref<10240xf32, #tpu.memory_space<vmem>>, %arg9: memref<10240xf32, #tpu.memory_space<vmem>>, %arg10: memref<10240xf32, #tpu.memory_space<vmem>>, %arg11: memref<10240xf32, #tpu.memory_space<vmem>>, %arg12: memref<10240xf32, #tpu.memory_space<vmem>>, %arg13: memref<10240xf32, #tpu.memory_space<vmem>>, %arg14: memref<10240xf32, #tpu.memory_space<vmem>>, %arg15: memref<4096xi32, #tpu.memory_space<vmem>>, %arg16: memref<4096xi32, #tpu.memory_space<vmem>>, %arg17: memref<4096xi32, #tpu.memory_space<vmem>>, %arg18: memref<4096xi32, #tpu.memory_space<vmem>>, %arg19: memref<!tpu.dma_semaphore, #tpu.memory_space<semaphore_mem>>, %arg20: memref<!tpu.dma_semaphore, #tpu.memory_space<semaphore_mem>>) attributes {dimension_semantics = [#tpu.dimension_semantics<core_parallel>, #tpu.dimension_semantics<subcore_parallel>], iteration_bounds = array<i64: 2, 16>, scalar_prefetch = 0 : i64, scratch_operands = 14 : i64, tpu.core_type = #tpu.core_type<sc_vector_subcore>, window_params = [{transform_indices = #map}, {transform_indices = #map}, {transform_indices = #map1}, {transform_indices = #map1}, {transform_indices = #map}]} {
    %run_scoped3A = arith.constant 0 : i32
    "tpu.region"() ({
      %run_scoped3A_23 = tpu.sem_alloc : memref<!tpu.dma_semaphore, #tpu.memory_space<semaphore_mem>>
      %dma_start3A_24 = arith.constant 0 : i32
      %dma_start3A_25 = tpu.memref_slice %arg2[%arg0, %arg1, %run_scoped3A, %dma_start3A_24] : memref<2x16x4x10240xf32, #tpu.memory_space<hbm>> -> memref<1x1x1x10240xf32, #tpu.memory_space<hbm>>
      %dma_start3A_26 = tpu.memref_squeeze %dma_start3A_25 : memref<1x1x1x10240xf32, #tpu.memory_space<hbm>> -> memref<10240xf32, #tpu.memory_space<hbm>>
      %dma_start3A_27 = arith.constant 0 : i32
      %dma_start3A_28 = tpu.memref_slice %arg2[%arg0, %arg1, %run_scoped3A, %dma_start3A_27] : memref<2x16x4x10240xf32, #tpu.memory_space<hbm>> -> memref<1x1x1x10240xf32, #tpu.memory_space<hbm>>
      %dma_start3A_29 = tpu.memref_squeeze %dma_start3A_28 : memref<1x1x1x10240xf32, #tpu.memory_space<hbm>> -> memref<10240xf32, #tpu.memory_space<hbm>>
      tpu.enqueue_dma source(%dma_start3A_29 : memref<10240xf32, #tpu.memory_space<hbm>>) target(%arg7 : memref<10240xf32, #tpu.memory_space<vmem>>) target_semaphore(%run_scoped3A_23 : memref<!tpu.dma_semaphore, #tpu.memory_space<semaphore_mem>>)
      %dma_wait3A = arith.constant 0 : i32
      %dma_wait3A_30 = tpu.memref_slice %arg2[%arg0, %arg1, %run_scoped3A, %dma_wait3A] : memref<2x16x4x10240xf32, #tpu.memory_space<hbm>> -> memref<1x1x1x10240xf32, #tpu.memory_space<hbm>>
      %dma_wait3A_31 = tpu.memref_squeeze %dma_wait3A_30 : memref<1x1x1x10240xf32, #tpu.memory_space<hbm>> -> memref<10240xf32, #tpu.memory_space<hbm>>
      %dma_wait3A_32 = arith.constant 0 : i32
      %dma_wait3A_33 = tpu.memref_slice %arg2[%arg0, %arg1, %run_scoped3A, %dma_wait3A_32] : memref<2x16x4x10240xf32, #tpu.memory_space<hbm>> -> memref<1x1x1x10240xf32, #tpu.memory_space<hbm>>
      %dma_wait3A_34 = tpu.memref_squeeze %dma_wait3A_33 : memref<1x1x1x10240xf32, #tpu.memory_space<hbm>> -> memref<10240xf32, #tpu.memory_space<hbm>>
      tpu.wait_dma2 semaphore(%run_scoped3A_23 : memref<!tpu.dma_semaphore, #tpu.memory_space<semaphore_mem>>) src(%dma_wait3A_34 : memref<10240xf32, #tpu.memory_space<hbm>>) dst(%arg7 : memref<10240xf32, #tpu.memory_space<vmem>>)
      tpu.yield
    }) : () -> ()
    %run_scoped3A_0 = arith.constant 0 : i32
    "tpu.region"() ({
      %run_scoped3A_23 = tpu.sem_alloc : memref<!tpu.dma_semaphore, #tpu.memory_space<semaphore_mem>>
      %dma_start3A_24 = arith.constant 0 : i32
      %dma_start3A_25 = tpu.memref_slice %arg3[%arg0, %arg1, %run_scoped3A_0, %dma_start3A_24] : memref<2x16x4x10240xf32, #tpu.memory_space<hbm>> -> memref<1x1x1x10240xf32, #tpu.memory_space<hbm>>
      %dma_start3A_26 = tpu.memref_squeeze %dma_start3A_25 : memref<1x1x1x10240xf32, #tpu.memory_space<hbm>> -> memref<10240xf32, #tpu.memory_space<hbm>>
      %dma_start3A_27 = arith.constant 0 : i32
      %dma_start3A_28 = tpu.memref_slice %arg3[%arg0, %arg1, %run_scoped3A_0, %dma_start3A_27] : memref<2x16x4x10240xf32, #tpu.memory_space<hbm>> -> memref<1x1x1x10240xf32, #tpu.memory_space<hbm>>
      %dma_start3A_29 = tpu.memref_squeeze %dma_start3A_28 : memref<1x1x1x10240xf32, #tpu.memory_space<hbm>> -> memref<10240xf32, #tpu.memory_space<hbm>>
      tpu.enqueue_dma source(%dma_start3A_29 : memref<10240xf32, #tpu.memory_space<hbm>>) target(%arg11 : memref<10240xf32, #tpu.memory_space<vmem>>) target_semaphore(%run_scoped3A_23 : memref<!tpu.dma_semaphore, #tpu.memory_space<semaphore_mem>>)
      %dma_wait3A = arith.constant 0 : i32
      %dma_wait3A_30 = tpu.memref_slice %arg3[%arg0, %arg1, %run_scoped3A_0, %dma_wait3A] : memref<2x16x4x10240xf32, #tpu.memory_space<hbm>> -> memref<1x1x1x10240xf32, #tpu.memory_space<hbm>>
      %dma_wait3A_31 = tpu.memref_squeeze %dma_wait3A_30 : memref<1x1x1x10240xf32, #tpu.memory_space<hbm>> -> memref<10240xf32, #tpu.memory_space<hbm>>
      %dma_wait3A_32 = arith.constant 0 : i32
      %dma_wait3A_33 = tpu.memref_slice %arg3[%arg0, %arg1, %run_scoped3A_0, %dma_wait3A_32] : memref<2x16x4x10240xf32, #tpu.memory_space<hbm>> -> memref<1x1x1x10240xf32, #tpu.memory_space<hbm>>
      %dma_wait3A_34 = tpu.memref_squeeze %dma_wait3A_33 : memref<1x1x1x10240xf32, #tpu.memory_space<hbm>> -> memref<10240xf32, #tpu.memory_space<hbm>>
      tpu.wait_dma2 semaphore(%run_scoped3A_23 : memref<!tpu.dma_semaphore, #tpu.memory_space<semaphore_mem>>) src(%dma_wait3A_34 : memref<10240xf32, #tpu.memory_space<hbm>>) dst(%arg11 : memref<10240xf32, #tpu.memory_space<vmem>>)
      tpu.yield
    }) : () -> ()
    %run_scoped3A_1 = arith.constant 1 : i32
    "tpu.region"() ({
      %run_scoped3A_23 = tpu.sem_alloc : memref<!tpu.dma_semaphore, #tpu.memory_space<semaphore_mem>>
      %dma_start3A_24 = arith.constant 0 : i32
      %dma_start3A_25 = tpu.memref_slice %arg2[%arg0, %arg1, %run_scoped3A_1, %dma_start3A_24] : memref<2x16x4x10240xf32, #tpu.memory_space<hbm>> -> memref<1x1x1x10240xf32, #tpu.memory_space<hbm>>
      %dma_start3A_26 = tpu.memref_squeeze %dma_start3A_25 : memref<1x1x1x10240xf32, #tpu.memory_space<hbm>> -> memref<10240xf32, #tpu.memory_space<hbm>>
      %dma_start3A_27 = arith.constant 0 : i32
      %dma_start3A_28 = tpu.memref_slice %arg2[%arg0, %arg1, %run_scoped3A_1, %dma_start3A_27] : memref<2x16x4x10240xf32, #tpu.memory_space<hbm>> -> memref<1x1x1x10240xf32, #tpu.memory_space<hbm>>
      %dma_start3A_29 = tpu.memref_squeeze %dma_start3A_28 : memref<1x1x1x10240xf32, #tpu.memory_space<hbm>> -> memref<10240xf32, #tpu.memory_space<hbm>>
      tpu.enqueue_dma source(%dma_start3A_29 : memref<10240xf32, #tpu.memory_space<hbm>>) target(%arg8 : memref<10240xf32, #tpu.memory_space<vmem>>) target_semaphore(%run_scoped3A_23 : memref<!tpu.dma_semaphore, #tpu.memory_space<semaphore_mem>>)
      %dma_wait3A = arith.constant 0 : i32
      %dma_wait3A_30 = tpu.memref_slice %arg2[%arg0, %arg1, %run_scoped3A_1, %dma_wait3A] : memref<2x16x4x10240xf32, #tpu.memory_space<hbm>> -> memref<1x1x1x10240xf32, #tpu.memory_space<hbm>>
      %dma_wait3A_31 = tpu.memref_squeeze %dma_wait3A_30 : memref<1x1x1x10240xf32, #tpu.memory_space<hbm>> -> memref<10240xf32, #tpu.memory_space<hbm>>
      %dma_wait3A_32 = arith.constant 0 : i32
      %dma_wait3A_33 = tpu.memref_slice %arg2[%arg0, %arg1, %run_scoped3A_1, %dma_wait3A_32] : memref<2x16x4x10240xf32, #tpu.memory_space<hbm>> -> memref<1x1x1x10240xf32, #tpu.memory_space<hbm>>
      %dma_wait3A_34 = tpu.memref_squeeze %dma_wait3A_33 : memref<1x1x1x10240xf32, #tpu.memory_space<hbm>> -> memref<10240xf32, #tpu.memory_space<hbm>>
      tpu.wait_dma2 semaphore(%run_scoped3A_23 : memref<!tpu.dma_semaphore, #tpu.memory_space<semaphore_mem>>) src(%dma_wait3A_34 : memref<10240xf32, #tpu.memory_space<hbm>>) dst(%arg8 : memref<10240xf32, #tpu.memory_space<vmem>>)
      tpu.yield
    }) : () -> ()
    %run_scoped3A_2 = arith.constant 1 : i32
    "tpu.region"() ({
      %run_scoped3A_23 = tpu.sem_alloc : memref<!tpu.dma_semaphore, #tpu.memory_space<semaphore_mem>>
      %dma_start3A_24 = arith.constant 0 : i32
      %dma_start3A_25 = tpu.memref_slice %arg3[%arg0, %arg1, %run_scoped3A_2, %dma_start3A_24] : memref<2x16x4x10240xf32, #tpu.memory_space<hbm>> -> memref<1x1x1x10240xf32, #tpu.memory_space<hbm>>
      %dma_start3A_26 = tpu.memref_squeeze %dma_start3A_25 : memref<1x1x1x10240xf32, #tpu.memory_space<hbm>> -> memref<10240xf32, #tpu.memory_space<hbm>>
      %dma_start3A_27 = arith.constant 0 : i32
      %dma_start3A_28 = tpu.memref_slice %arg3[%arg0, %arg1, %run_scoped3A_2, %dma_start3A_27] : memref<2x16x4x10240xf32, #tpu.memory_space<hbm>> -> memref<1x1x1x10240xf32, #tpu.memory_space<hbm>>
      %dma_start3A_29 = tpu.memref_squeeze %dma_start3A_28 : memref<1x1x1x10240xf32, #tpu.memory_space<hbm>> -> memref<10240xf32, #tpu.memory_space<hbm>>
      tpu.enqueue_dma source(%dma_start3A_29 : memref<10240xf32, #tpu.memory_space<hbm>>) target(%arg12 : memref<10240xf32, #tpu.memory_space<vmem>>) target_semaphore(%run_scoped3A_23 : memref<!tpu.dma_semaphore, #tpu.memory_space<semaphore_mem>>)
      %dma_wait3A = arith.constant 0 : i32
      %dma_wait3A_30 = tpu.memref_slice %arg3[%arg0, %arg1, %run_scoped3A_2, %dma_wait3A] : memref<2x16x4x10240xf32, #tpu.memory_space<hbm>> -> memref<1x1x1x10240xf32, #tpu.memory_space<hbm>>
      %dma_wait3A_31 = tpu.memref_squeeze %dma_wait3A_30 : memref<1x1x1x10240xf32, #tpu.memory_space<hbm>> -> memref<10240xf32, #tpu.memory_space<hbm>>
      %dma_wait3A_32 = arith.constant 0 : i32
      %dma_wait3A_33 = tpu.memref_slice %arg3[%arg0, %arg1, %run_scoped3A_2, %dma_wait3A_32] : memref<2x16x4x10240xf32, #tpu.memory_space<hbm>> -> memref<1x1x1x10240xf32, #tpu.memory_space<hbm>>
      %dma_wait3A_34 = tpu.memref_squeeze %dma_wait3A_33 : memref<1x1x1x10240xf32, #tpu.memory_space<hbm>> -> memref<10240xf32, #tpu.memory_space<hbm>>
      tpu.wait_dma2 semaphore(%run_scoped3A_23 : memref<!tpu.dma_semaphore, #tpu.memory_space<semaphore_mem>>) src(%dma_wait3A_34 : memref<10240xf32, #tpu.memory_space<hbm>>) dst(%arg12 : memref<10240xf32, #tpu.memory_space<vmem>>)
      tpu.yield
    }) : () -> ()
    %run_scoped3A_3 = arith.constant 2 : i32
    "tpu.region"() ({
      %run_scoped3A_23 = tpu.sem_alloc : memref<!tpu.dma_semaphore, #tpu.memory_space<semaphore_mem>>
      %dma_start3A_24 = arith.constant 0 : i32
      %dma_start3A_25 = tpu.memref_slice %arg2[%arg0, %arg1, %run_scoped3A_3, %dma_start3A_24] : memref<2x16x4x10240xf32, #tpu.memory_space<hbm>> -> memref<1x1x1x10240xf32, #tpu.memory_space<hbm>>
      %dma_start3A_26 = tpu.memref_squeeze %dma_start3A_25 : memref<1x1x1x10240xf32, #tpu.memory_space<hbm>> -> memref<10240xf32, #tpu.memory_space<hbm>>
      %dma_start3A_27 = arith.constant 0 : i32
      %dma_start3A_28 = tpu.memref_slice %arg2[%arg0, %arg1, %run_scoped3A_3, %dma_start3A_27] : memref<2x16x4x10240xf32, #tpu.memory_space<hbm>> -> memref<1x1x1x10240xf32, #tpu.memory_space<hbm>>
      %dma_start3A_29 = tpu.memref_squeeze %dma_start3A_28 : memref<1x1x1x10240xf32, #tpu.memory_space<hbm>> -> memref<10240xf32, #tpu.memory_space<hbm>>
      tpu.enqueue_dma source(%dma_start3A_29 : memref<10240xf32, #tpu.memory_space<hbm>>) target(%arg9 : memref<10240xf32, #tpu.memory_space<vmem>>) target_semaphore(%run_scoped3A_23 : memref<!tpu.dma_semaphore, #tpu.memory_space<semaphore_mem>>)
      %dma_wait3A = arith.constant 0 : i32
      %dma_wait3A_30 = tpu.memref_slice %arg2[%arg0, %arg1, %run_scoped3A_3, %dma_wait3A] : memref<2x16x4x10240xf32, #tpu.memory_space<hbm>> -> memref<1x1x1x10240xf32, #tpu.memory_space<hbm>>
      %dma_wait3A_31 = tpu.memref_squeeze %dma_wait3A_30 : memref<1x1x1x10240xf32, #tpu.memory_space<hbm>> -> memref<10240xf32, #tpu.memory_space<hbm>>
      %dma_wait3A_32 = arith.constant 0 : i32
      %dma_wait3A_33 = tpu.memref_slice %arg2[%arg0, %arg1, %run_scoped3A_3, %dma_wait3A_32] : memref<2x16x4x10240xf32, #tpu.memory_space<hbm>> -> memref<1x1x1x10240xf32, #tpu.memory_space<hbm>>
      %dma_wait3A_34 = tpu.memref_squeeze %dma_wait3A_33 : memref<1x1x1x10240xf32, #tpu.memory_space<hbm>> -> memref<10240xf32, #tpu.memory_space<hbm>>
      tpu.wait_dma2 semaphore(%run_scoped3A_23 : memref<!tpu.dma_semaphore, #tpu.memory_space<semaphore_mem>>) src(%dma_wait3A_34 : memref<10240xf32, #tpu.memory_space<hbm>>) dst(%arg9 : memref<10240xf32, #tpu.memory_space<vmem>>)
      tpu.yield
    }) : () -> ()
    %run_scoped3A_4 = arith.constant 2 : i32
    "tpu.region"() ({
      %run_scoped3A_23 = tpu.sem_alloc : memref<!tpu.dma_semaphore, #tpu.memory_space<semaphore_mem>>
      %dma_start3A_24 = arith.constant 0 : i32
      %dma_start3A_25 = tpu.memref_slice %arg3[%arg0, %arg1, %run_scoped3A_4, %dma_start3A_24] : memref<2x16x4x10240xf32, #tpu.memory_space<hbm>> -> memref<1x1x1x10240xf32, #tpu.memory_space<hbm>>
      %dma_start3A_26 = tpu.memref_squeeze %dma_start3A_25 : memref<1x1x1x10240xf32, #tpu.memory_space<hbm>> -> memref<10240xf32, #tpu.memory_space<hbm>>
      %dma_start3A_27 = arith.constant 0 : i32
      %dma_start3A_28 = tpu.memref_slice %arg3[%arg0, %arg1, %run_scoped3A_4, %dma_start3A_27] : memref<2x16x4x10240xf32, #tpu.memory_space<hbm>> -> memref<1x1x1x10240xf32, #tpu.memory_space<hbm>>
      %dma_start3A_29 = tpu.memref_squeeze %dma_start3A_28 : memref<1x1x1x10240xf32, #tpu.memory_space<hbm>> -> memref<10240xf32, #tpu.memory_space<hbm>>
      tpu.enqueue_dma source(%dma_start3A_29 : memref<10240xf32, #tpu.memory_space<hbm>>) target(%arg13 : memref<10240xf32, #tpu.memory_space<vmem>>) target_semaphore(%run_scoped3A_23 : memref<!tpu.dma_semaphore, #tpu.memory_space<semaphore_mem>>)
      %dma_wait3A = arith.constant 0 : i32
      %dma_wait3A_30 = tpu.memref_slice %arg3[%arg0, %arg1, %run_scoped3A_4, %dma_wait3A] : memref<2x16x4x10240xf32, #tpu.memory_space<hbm>> -> memref<1x1x1x10240xf32, #tpu.memory_space<hbm>>
      %dma_wait3A_31 = tpu.memref_squeeze %dma_wait3A_30 : memref<1x1x1x10240xf32, #tpu.memory_space<hbm>> -> memref<10240xf32, #tpu.memory_space<hbm>>
      %dma_wait3A_32 = arith.constant 0 : i32
      %dma_wait3A_33 = tpu.memref_slice %arg3[%arg0, %arg1, %run_scoped3A_4, %dma_wait3A_32] : memref<2x16x4x10240xf32, #tpu.memory_space<hbm>> -> memref<1x1x1x10240xf32, #tpu.memory_space<hbm>>
      %dma_wait3A_34 = tpu.memref_squeeze %dma_wait3A_33 : memref<1x1x1x10240xf32, #tpu.memory_space<hbm>> -> memref<10240xf32, #tpu.memory_space<hbm>>
      tpu.wait_dma2 semaphore(%run_scoped3A_23 : memref<!tpu.dma_semaphore, #tpu.memory_space<semaphore_mem>>) src(%dma_wait3A_34 : memref<10240xf32, #tpu.memory_space<hbm>>) dst(%arg13 : memref<10240xf32, #tpu.memory_space<vmem>>)
      tpu.yield
    }) : () -> ()
    %run_scoped3A_5 = arith.constant 3 : i32
    "tpu.region"() ({
      %run_scoped3A_23 = tpu.sem_alloc : memref<!tpu.dma_semaphore, #tpu.memory_space<semaphore_mem>>
      %dma_start3A_24 = arith.constant 0 : i32
      %dma_start3A_25 = tpu.memref_slice %arg2[%arg0, %arg1, %run_scoped3A_5, %dma_start3A_24] : memref<2x16x4x10240xf32, #tpu.memory_space<hbm>> -> memref<1x1x1x10240xf32, #tpu.memory_space<hbm>>
      %dma_start3A_26 = tpu.memref_squeeze %dma_start3A_25 : memref<1x1x1x10240xf32, #tpu.memory_space<hbm>> -> memref<10240xf32, #tpu.memory_space<hbm>>
      %dma_start3A_27 = arith.constant 0 : i32
      %dma_start3A_28 = tpu.memref_slice %arg2[%arg0, %arg1, %run_scoped3A_5, %dma_start3A_27] : memref<2x16x4x10240xf32, #tpu.memory_space<hbm>> -> memref<1x1x1x10240xf32, #tpu.memory_space<hbm>>
      %dma_start3A_29 = tpu.memref_squeeze %dma_start3A_28 : memref<1x1x1x10240xf32, #tpu.memory_space<hbm>> -> memref<10240xf32, #tpu.memory_space<hbm>>
      tpu.enqueue_dma source(%dma_start3A_29 : memref<10240xf32, #tpu.memory_space<hbm>>) target(%arg10 : memref<10240xf32, #tpu.memory_space<vmem>>) target_semaphore(%run_scoped3A_23 : memref<!tpu.dma_semaphore, #tpu.memory_space<semaphore_mem>>)
      %dma_wait3A = arith.constant 0 : i32
      %dma_wait3A_30 = tpu.memref_slice %arg2[%arg0, %arg1, %run_scoped3A_5, %dma_wait3A] : memref<2x16x4x10240xf32, #tpu.memory_space<hbm>> -> memref<1x1x1x10240xf32, #tpu.memory_space<hbm>>
      %dma_wait3A_31 = tpu.memref_squeeze %dma_wait3A_30 : memref<1x1x1x10240xf32, #tpu.memory_space<hbm>> -> memref<10240xf32, #tpu.memory_space<hbm>>
      %dma_wait3A_32 = arith.constant 0 : i32
      %dma_wait3A_33 = tpu.memref_slice %arg2[%arg0, %arg1, %run_scoped3A_5, %dma_wait3A_32] : memref<2x16x4x10240xf32, #tpu.memory_space<hbm>> -> memref<1x1x1x10240xf32, #tpu.memory_space<hbm>>
      %dma_wait3A_34 = tpu.memref_squeeze %dma_wait3A_33 : memref<1x1x1x10240xf32, #tpu.memory_space<hbm>> -> memref<10240xf32, #tpu.memory_space<hbm>>
      tpu.wait_dma2 semaphore(%run_scoped3A_23 : memref<!tpu.dma_semaphore, #tpu.memory_space<semaphore_mem>>) src(%dma_wait3A_34 : memref<10240xf32, #tpu.memory_space<hbm>>) dst(%arg10 : memref<10240xf32, #tpu.memory_space<vmem>>)
      tpu.yield
    }) : () -> ()
    %run_scoped3A_6 = arith.constant 3 : i32
    "tpu.region"() ({
      %run_scoped3A_23 = tpu.sem_alloc : memref<!tpu.dma_semaphore, #tpu.memory_space<semaphore_mem>>
      %dma_start3A_24 = arith.constant 0 : i32
      %dma_start3A_25 = tpu.memref_slice %arg3[%arg0, %arg1, %run_scoped3A_6, %dma_start3A_24] : memref<2x16x4x10240xf32, #tpu.memory_space<hbm>> -> memref<1x1x1x10240xf32, #tpu.memory_space<hbm>>
      %dma_start3A_26 = tpu.memref_squeeze %dma_start3A_25 : memref<1x1x1x10240xf32, #tpu.memory_space<hbm>> -> memref<10240xf32, #tpu.memory_space<hbm>>
      %dma_start3A_27 = arith.constant 0 : i32
      %dma_start3A_28 = tpu.memref_slice %arg3[%arg0, %arg1, %run_scoped3A_6, %dma_start3A_27] : memref<2x16x4x10240xf32, #tpu.memory_space<hbm>> -> memref<1x1x1x10240xf32, #tpu.memory_space<hbm>>
      %dma_start3A_29 = tpu.memref_squeeze %dma_start3A_28 : memref<1x1x1x10240xf32, #tpu.memory_space<hbm>> -> memref<10240xf32, #tpu.memory_space<hbm>>
      tpu.enqueue_dma source(%dma_start3A_29 : memref<10240xf32, #tpu.memory_space<hbm>>) target(%arg14 : memref<10240xf32, #tpu.memory_space<vmem>>) target_semaphore(%run_scoped3A_23 : memref<!tpu.dma_semaphore, #tpu.memory_space<semaphore_mem>>)
      %dma_wait3A = arith.constant 0 : i32
      %dma_wait3A_30 = tpu.memref_slice %arg3[%arg0, %arg1, %run_scoped3A_6, %dma_wait3A] : memref<2x16x4x10240xf32, #tpu.memory_space<hbm>> -> memref<1x1x1x10240xf32, #tpu.memory_space<hbm>>
      %dma_wait3A_31 = tpu.memref_squeeze %dma_wait3A_30 : memref<1x1x1x10240xf32, #tpu.memory_space<hbm>> -> memref<10240xf32, #tpu.memory_space<hbm>>
      %dma_wait3A_32 = arith.constant 0 : i32
      %dma_wait3A_33 = tpu.memref_slice %arg3[%arg0, %arg1, %run_scoped3A_6, %dma_wait3A_32] : memref<2x16x4x10240xf32, #tpu.memory_space<hbm>> -> memref<1x1x1x10240xf32, #tpu.memory_space<hbm>>
      %dma_wait3A_34 = tpu.memref_squeeze %dma_wait3A_33 : memref<1x1x1x10240xf32, #tpu.memory_space<hbm>> -> memref<10240xf32, #tpu.memory_space<hbm>>
      tpu.wait_dma2 semaphore(%run_scoped3A_23 : memref<!tpu.dma_semaphore, #tpu.memory_space<semaphore_mem>>) src(%dma_wait3A_34 : memref<10240xf32, #tpu.memory_space<hbm>>) dst(%arg14 : memref<10240xf32, #tpu.memory_space<vmem>>)
      tpu.yield
    }) : () -> ()
    %dma_start3A = arith.constant 0 : i32
    %dma_start3A_7 = tpu.memref_slice %arg4[%dma_start3A] : memref<327680xi32, #tpu.memory_space<hbm>> -> memref<4096xi32, #tpu.memory_space<hbm>>
    %dma_start3A_8 = arith.constant 0 : i32
    %dma_start3A_9 = tpu.memref_slice %arg4[%dma_start3A_8] : memref<327680xi32, #tpu.memory_space<hbm>> -> memref<4096xi32, #tpu.memory_space<hbm>>
    tpu.enqueue_dma source(%dma_start3A_9 : memref<4096xi32, #tpu.memory_space<hbm>>) target(%arg15 : memref<4096xi32, #tpu.memory_space<vmem>>) target_semaphore(%arg19 : memref<!tpu.dma_semaphore, #tpu.memory_space<semaphore_mem>>)
    %dma_start3A_10 = arith.constant 0 : i32
    %dma_start3A_11 = tpu.memref_slice %arg5[%dma_start3A_10] : memref<327680xi32, #tpu.memory_space<hbm>> -> memref<4096xi32, #tpu.memory_space<hbm>>
    %dma_start3A_12 = arith.constant 0 : i32
    %dma_start3A_13 = tpu.memref_slice %arg5[%dma_start3A_12] : memref<327680xi32, #tpu.memory_space<hbm>> -> memref<4096xi32, #tpu.memory_space<hbm>>
    tpu.enqueue_dma source(%dma_start3A_13 : memref<4096xi32, #tpu.memory_space<hbm>>) target(%arg16 : memref<4096xi32, #tpu.memory_space<vmem>>) target_semaphore(%arg19 : memref<!tpu.dma_semaphore, #tpu.memory_space<semaphore_mem>>)
    %scan3A = arith.constant 0 : i32
    %scan3A_14 = arith.constant 0 : i32
    %scan3A_15 = arith.constant 40 : i32
    %scan3A_16 = arith.addi %scan3A_14, %scan3A_15 : i32
    %scan3A_17 = arith.constant 1 : i32
    scf.for %scan3A_23 = %scan3A_14 to %scan3A_16 step %scan3A_17  : i32 {
      %mul3A = arith.constant 2 : i32
      %mul3A_24 = arith.muli %mul3A, %scan3A_23 : i32
      %mul3A_25 = arith.constant 4096 : i32
      %mul3A_26 = arith.muli %mul3A_24, %mul3A_25 : i32
      %dma_wait3A = tpu.memref_slice %arg4[%mul3A_26] : memref<327680xi32, #tpu.memory_space<hbm>> -> memref<4096xi32, #tpu.memory_space<hbm>>
      %dma_wait3A_27 = tpu.memref_slice %arg4[%mul3A_26] : memref<327680xi32, #tpu.memory_space<hbm>> -> memref<4096xi32, #tpu.memory_space<hbm>>
      tpu.wait_dma2 semaphore(%arg19 : memref<!tpu.dma_semaphore, #tpu.memory_space<semaphore_mem>>) src(%dma_wait3A_27 : memref<4096xi32, #tpu.memory_space<hbm>>) dst(%arg15 : memref<4096xi32, #tpu.memory_space<vmem>>)
      %mul3A_28 = arith.constant 4096 : i32
      %mul3A_29 = arith.muli %mul3A_24, %mul3A_28 : i32
      %dma_wait3A_30 = tpu.memref_slice %arg5[%mul3A_29] : memref<327680xi32, #tpu.memory_space<hbm>> -> memref<4096xi32, #tpu.memory_space<hbm>>
      %dma_wait3A_31 = tpu.memref_slice %arg5[%mul3A_29] : memref<327680xi32, #tpu.memory_space<hbm>> -> memref<4096xi32, #tpu.memory_space<hbm>>
      tpu.wait_dma2 semaphore(%arg19 : memref<!tpu.dma_semaphore, #tpu.memory_space<semaphore_mem>>) src(%dma_wait3A_31 : memref<4096xi32, #tpu.memory_space<hbm>>) dst(%arg16 : memref<4096xi32, #tpu.memory_space<vmem>>)
      %add3A = arith.constant 1 : i32
      %add3A_32 = arith.addi %mul3A_24, %add3A : i32
      %mul3A_33 = arith.constant 4096 : i32
      %mul3A_34 = arith.muli %add3A_32, %mul3A_33 : i32
      %dma_start3A_35 = tpu.memref_slice %arg4[%mul3A_34] : memref<327680xi32, #tpu.memory_space<hbm>> -> memref<4096xi32, #tpu.memory_space<hbm>>
      %dma_start3A_36 = tpu.memref_slice %arg4[%mul3A_34] : memref<327680xi32, #tpu.memory_space<hbm>> -> memref<4096xi32, #tpu.memory_space<hbm>>
      tpu.enqueue_dma source(%dma_start3A_36 : memref<4096xi32, #tpu.memory_space<hbm>>) target(%arg17 : memref<4096xi32, #tpu.memory_space<vmem>>) target_semaphore(%arg20 : memref<!tpu.dma_semaphore, #tpu.memory_space<semaphore_mem>>)
      %mul3A_37 = arith.constant 4096 : i32
      %mul3A_38 = arith.muli %add3A_32, %mul3A_37 : i32
      %dma_start3A_39 = tpu.memref_slice %arg5[%mul3A_38] : memref<327680xi32, #tpu.memory_space<hbm>> -> memref<4096xi32, #tpu.memory_space<hbm>>
      %dma_start3A_40 = tpu.memref_slice %arg5[%mul3A_38] : memref<327680xi32, #tpu.memory_space<hbm>> -> memref<4096xi32, #tpu.memory_space<hbm>>
      tpu.enqueue_dma source(%dma_start3A_40 : memref<4096xi32, #tpu.memory_space<hbm>>) target(%arg18 : memref<4096xi32, #tpu.memory_space<vmem>>) target_semaphore(%arg20 : memref<!tpu.dma_semaphore, #tpu.memory_space<semaphore_mem>>)
      %scan3A_41 = arith.constant 0 : i32
      %scan3A_42 = arith.constant 0 : i32
      %scan3A_43 = arith.constant 64 : i32
      %scan3A_44 = arith.addi %scan3A_42, %scan3A_43 : i32
      %scan3A_45 = arith.constant 1 : i32
      scf.for %scan3A_65 = %scan3A_42 to %scan3A_44 step %scan3A_45  : i32 {
        %mul3A_66 = arith.constant 64 : i32
        %mul3A_67 = arith.muli %scan3A_65, %mul3A_66 : i32
        %add3A_68 = arith.constant 0 : i32
        %add3A_69 = arith.addi %mul3A_67, %add3A_68 : i32
        %get3A = arith.index_cast %add3A_69 : i32 to index
        %get3A_70 = tpu.vector_load %arg15[%get3A] {strides = array<i32>} : memref<4096xi32, #tpu.memory_space<vmem>>, vector<16xi32>,
        %get3A_71 = arith.index_cast %add3A_69 : i32 to index
        %get3A_72 = tpu.vector_load %arg16[%get3A_71] {strides = array<i32>} : memref<4096xi32, #tpu.memory_space<vmem>>, vector<16xi32>,
        %gather3A = tpu.vector_load_idx %arg7[%get3A_70] : memref<10240xf32, #tpu.memory_space<vmem>>[vector<16xi32>], vector<16xf32>,
        tpu.vector_store_idx %arg11[%get3A_72], %gather3A {add = true} : memref<10240xf32, #tpu.memory_space<vmem>>[vector<16xi32>], vector<16xf32>,
        %gather3A_73 = tpu.vector_load_idx %arg8[%get3A_70] : memref<10240xf32, #tpu.memory_space<vmem>>[vector<16xi32>], vector<16xf32>,
        tpu.vector_store_idx %arg12[%get3A_72], %gather3A_73 {add = true} : memref<10240xf32, #tpu.memory_space<vmem>>[vector<16xi32>], vector<16xf32>,
        %gather3A_74 = tpu.vector_load_idx %arg9[%get3A_70] : memref<10240xf32, #tpu.memory_space<vmem>>[vector<16xi32>], vector<16xf32>,
        tpu.vector_store_idx %arg13[%get3A_72], %gather3A_74 {add = true} : memref<10240xf32, #tpu.memory_space<vmem>>[vector<16xi32>], vector<16xf32>,
        %gather3A_75 = tpu.vector_load_idx %arg10[%get3A_70] : memref<10240xf32, #tpu.memory_space<vmem>>[vector<16xi32>], vector<16xf32>,
        tpu.vector_store_idx %arg14[%get3A_72], %gather3A_75 {add = true} : memref<10240xf32, #tpu.memory_space<vmem>>[vector<16xi32>], vector<16xf32>,
        %mul3A_76 = arith.constant 64 : i32
        %mul3A_77 = arith.muli %scan3A_65, %mul3A_76 : i32
        %add3A_78 = arith.constant 16 : i32
        %add3A_79 = arith.addi %mul3A_77, %add3A_78 : i32
        %get3A_80 = arith.index_cast %add3A_79 : i32 to index
        %get3A_81 = tpu.vector_load %arg15[%get3A_80] {strides = array<i32>} : memref<4096xi32, #tpu.memory_space<vmem>>, vector<16xi32>,
        %get3A_82 = arith.index_cast %add3A_79 : i32 to index
        %get3A_83 = tpu.vector_load %arg16[%get3A_82] {strides = array<i32>} : memref<4096xi32, #tpu.memory_space<vmem>>, vector<16xi32>,
        %gather3A_84 = tpu.vector_load_idx %arg7[%get3A_81] : memref<10240xf32, #tpu.memory_space<vmem>>[vector<16xi32>], vector<16xf32>,
        tpu.vector_store_idx %arg11[%get3A_83], %gather3A_84 {add = true} : memref<10240xf32, #tpu.memory_space<vmem>>[vector<16xi32>], vector<16xf32>,
        %gather3A_85 = tpu.vector_load_idx %arg8[%get3A_81] : memref<10240xf32, #tpu.memory_space<vmem>>[vector<16xi32>], vector<16xf32>,
        tpu.vector_store_idx %arg12[%get3A_83], %gather3A_85 {add = true} : memref<10240xf32, #tpu.memory_space<vmem>>[vector<16xi32>], vector<16xf32>,
        %gather3A_86 = tpu.vector_load_idx %arg9[%get3A_81] : memref<10240xf32, #tpu.memory_space<vmem>>[vector<16xi32>], vector<16xf32>,
        tpu.vector_store_idx %arg13[%get3A_83], %gather3A_86 {add = true} : memref<10240xf32, #tpu.memory_space<vmem>>[vector<16xi32>], vector<16xf32>,
        %gather3A_87 = tpu.vector_load_idx %arg10[%get3A_81] : memref<10240xf32, #tpu.memory_space<vmem>>[vector<16xi32>], vector<16xf32>,
        tpu.vector_store_idx %arg14[%get3A_83], %gather3A_87 {add = true} : memref<10240xf32, #tpu.memory_space<vmem>>[vector<16xi32>], vector<16xf32>,
        %mul3A_88 = arith.constant 64 : i32
        %mul3A_89 = arith.muli %scan3A_65, %mul3A_88 : i32
        %add3A_90 = arith.constant 32 : i32
        %add3A_91 = arith.addi %mul3A_89, %add3A_90 : i32
        %get3A_92 = arith.index_cast %add3A_91 : i32 to index
        %get3A_93 = tpu.vector_load %arg15[%get3A_92] {strides = array<i32>} : memref<4096xi32, #tpu.memory_space<vmem>>, vector<16xi32>,
        %get3A_94 = arith.index_cast %add3A_91 : i32 to index
        %get3A_95 = tpu.vector_load %arg16[%get3A_94] {strides = array<i32>} : memref<4096xi32, #tpu.memory_space<vmem>>, vector<16xi32>,
        %gather3A_96 = tpu.vector_load_idx %arg7[%get3A_93] : memref<10240xf32, #tpu.memory_space<vmem>>[vector<16xi32>], vector<16xf32>,
        tpu.vector_store_idx %arg11[%get3A_95], %gather3A_96 {add = true} : memref<10240xf32, #tpu.memory_space<vmem>>[vector<16xi32>], vector<16xf32>,
        %gather3A_97 = tpu.vector_load_idx %arg8[%get3A_93] : memref<10240xf32, #tpu.memory_space<vmem>>[vector<16xi32>], vector<16xf32>,
        tpu.vector_store_idx %arg12[%get3A_95], %gather3A_97 {add = true} : memref<10240xf32, #tpu.memory_space<vmem>>[vector<16xi32>], vector<16xf32>,
        %gather3A_98 = tpu.vector_load_idx %arg9[%get3A_93] : memref<10240xf32, #tpu.memory_space<vmem>>[vector<16xi32>], vector<16xf32>,
        tpu.vector_store_idx %arg13[%get3A_95], %gather3A_98 {add = true} : memref<10240xf32, #tpu.memory_space<vmem>>[vector<16xi32>], vector<16xf32>,
        %gather3A_99 = tpu.vector_load_idx %arg10[%get3A_93] : memref<10240xf32, #tpu.memory_space<vmem>>[vector<16xi32>], vector<16xf32>,
        tpu.vector_store_idx %arg14[%get3A_95], %gather3A_99 {add = true} : memref<10240xf32, #tpu.memory_space<vmem>>[vector<16xi32>], vector<16xf32>,
        %mul3A_100 = arith.constant 64 : i32
        %mul3A_101 = arith.muli %scan3A_65, %mul3A_100 : i32
        %add3A_102 = arith.constant 48 : i32
        %add3A_103 = arith.addi %mul3A_101, %add3A_102 : i32
        %get3A_104 = arith.index_cast %add3A_103 : i32 to index
        %get3A_105 = tpu.vector_load %arg15[%get3A_104] {strides = array<i32>} : memref<4096xi32, #tpu.memory_space<vmem>>, vector<16xi32>,
        %get3A_106 = arith.index_cast %add3A_103 : i32 to index
        %get3A_107 = tpu.vector_load %arg16[%get3A_106] {strides = array<i32>} : memref<4096xi32, #tpu.memory_space<vmem>>, vector<16xi32>,
        %gather3A_108 = tpu.vector_load_idx %arg7[%get3A_105] : memref<10240xf32, #tpu.memory_space<vmem>>[vector<16xi32>], vector<16xf32>,
        tpu.vector_store_idx %arg11[%get3A_107], %gather3A_108 {add = true} : memref<10240xf32, #tpu.memory_space<vmem>>[vector<16xi32>], vector<16xf32>,
        %gather3A_109 = tpu.vector_load_idx %arg8[%get3A_105] : memref<10240xf32, #tpu.memory_space<vmem>>[vector<16xi32>], vector<16xf32>,
        tpu.vector_store_idx %arg12[%get3A_107], %gather3A_109 {add = true} : memref<10240xf32, #tpu.memory_space<vmem>>[vector<16xi32>], vector<16xf32>,
        %gather3A_110 = tpu.vector_load_idx %arg9[%get3A_105] : memref<10240xf32, #tpu.memory_space<vmem>>[vector<16xi32>], vector<16xf32>,
        tpu.vector_store_idx %arg13[%get3A_107], %gather3A_110 {add = true} : memref<10240xf32, #tpu.memory_space<vmem>>[vector<16xi32>], vector<16xf32>,
        %gather3A_111 = tpu.vector_load_idx %arg10[%get3A_105] : memref<10240xf32, #tpu.memory_space<vmem>>[vector<16xi32>], vector<16xf32>,
        tpu.vector_store_idx %arg14[%get3A_107], %gather3A_111 {add = true} : memref<10240xf32, #tpu.memory_space<vmem>>[vector<16xi32>], vector<16xf32>,
      }
      %scan3A_46 = arith.constant 64 : i32
      %add3A_47 = arith.constant 1 : i32
      %add3A_48 = arith.addi %mul3A_24, %add3A_47 : i32
      %mul3A_49 = arith.constant 4096 : i32
      %mul3A_50 = arith.muli %add3A_48, %mul3A_49 : i32
      %dma_wait3A_51 = tpu.memref_slice %arg4[%mul3A_50] : memref<327680xi32, #tpu.memory_space<hbm>> -> memref<4096xi32, #tpu.memory_space<hbm>>
      %dma_wait3A_52 = tpu.memref_slice %arg4[%mul3A_50] : memref<327680xi32, #tpu.memory_space<hbm>> -> memref<4096xi32, #tpu.memory_space<hbm>>
      tpu.wait_dma2 semaphore(%arg20 : memref<!tpu.dma_semaphore, #tpu.memory_space<semaphore_mem>>) src(%dma_wait3A_52 : memref<4096xi32, #tpu.memory_space<hbm>>) dst(%arg17 : memref<4096xi32, #tpu.memory_space<vmem>>)
      %mul3A_53 = arith.constant 4096 : i32
      %mul3A_54 = arith.muli %add3A_48, %mul3A_53 : i32
      %dma_wait3A_55 = tpu.memref_slice %arg5[%mul3A_54] : memref<327680xi32, #tpu.memory_space<hbm>> -> memref<4096xi32, #tpu.memory_space<hbm>>
      %dma_wait3A_56 = tpu.memref_slice %arg5[%mul3A_54] : memref<327680xi32, #tpu.memory_space<hbm>> -> memref<4096xi32, #tpu.memory_space<hbm>>
      tpu.wait_dma2 semaphore(%arg20 : memref<!tpu.dma_semaphore, #tpu.memory_space<semaphore_mem>>) src(%dma_wait3A_56 : memref<4096xi32, #tpu.memory_space<hbm>>) dst(%arg18 : memref<4096xi32, #tpu.memory_space<vmem>>)
      %lt3A = arith.constant 39 : i32
      %lt3A_57 = arith.cmpi slt, %scan3A_23, %lt3A : i32
      %convert_element_type3A = arith.extui %lt3A_57 : i1 to i32
      %cond3A = arith.constant 0 : i32
      %cond3A_58 = arith.cmpi ne, %convert_element_type3A, %cond3A : i32
      scf.if %cond3A_58 {
        %add3A_65 = arith.constant 2 : i32
        %add3A_66 = arith.addi %mul3A_24, %add3A_65 : i32
        %mul3A_67 = arith.constant 4096 : i32
        %mul3A_68 = arith.muli %add3A_66, %mul3A_67 : i32
        %dma_start3A_69 = tpu.memref_slice %arg4[%mul3A_68] : memref<327680xi32, #tpu.memory_space<hbm>> -> memref<4096xi32, #tpu.memory_space<hbm>>
        %dma_start3A_70 = tpu.memref_slice %arg4[%mul3A_68] : memref<327680xi32, #tpu.memory_space<hbm>> -> memref<4096xi32, #tpu.memory_space<hbm>>
        tpu.enqueue_dma source(%dma_start3A_70 : memref<4096xi32, #tpu.memory_space<hbm>>) target(%arg15 : memref<4096xi32, #tpu.memory_space<vmem>>) target_semaphore(%arg19 : memref<!tpu.dma_semaphore, #tpu.memory_space<semaphore_mem>>)
        %mul3A_71 = arith.constant 4096 : i32
        %mul3A_72 = arith.muli %add3A_66, %mul3A_71 : i32
        %dma_start3A_73 = tpu.memref_slice %arg5[%mul3A_72] : memref<327680xi32, #tpu.memory_space<hbm>> -> memref<4096xi32, #tpu.memory_space<hbm>>
        %dma_start3A_74 = tpu.memref_slice %arg5[%mul3A_72] : memref<327680xi32, #tpu.memory_space<hbm>> -> memref<4096xi32, #tpu.memory_space<hbm>>
        tpu.enqueue_dma source(%dma_start3A_74 : memref<4096xi32, #tpu.memory_space<hbm>>) target(%arg16 : memref<4096xi32, #tpu.memory_space<vmem>>) target_semaphore(%arg19 : memref<!tpu.dma_semaphore, #tpu.memory_space<semaphore_mem>>)
      } else {
      }
      %scan3A_59 = arith.constant 0 : i32
      %scan3A_60 = arith.constant 0 : i32
      %scan3A_61 = arith.constant 64 : i32
      %scan3A_62 = arith.addi %scan3A_60, %scan3A_61 : i32
      %scan3A_63 = arith.constant 1 : i32
      scf.for %scan3A_65 = %scan3A_60 to %scan3A_62 step %scan3A_63  : i32 {
        %mul3A_66 = arith.constant 64 : i32
        %mul3A_67 = arith.muli %scan3A_65, %mul3A_66 : i32
        %add3A_68 = arith.constant 0 : i32
        %add3A_69 = arith.addi %mul3A_67, %add3A_68 : i32
        %get3A = arith.index_cast %add3A_69 : i32 to index
        %get3A_70 = tpu.vector_load %arg17[%get3A] {strides = array<i32>} : memref<4096xi32, #tpu.memory_space<vmem>>, vector<16xi32>,
        %get3A_71 = arith.index_cast %add3A_69 : i32 to index
        %get3A_72 = tpu.vector_load %arg18[%get3A_71] {strides = array<i32>} : memref<4096xi32, #tpu.memory_space<vmem>>, vector<16xi32>,
        %gather3A = tpu.vector_load_idx %arg7[%get3A_70] : memref<10240xf32, #tpu.memory_space<vmem>>[vector<16xi32>], vector<16xf32>,
        tpu.vector_store_idx %arg11[%get3A_72], %gather3A {add = true} : memref<10240xf32, #tpu.memory_space<vmem>>[vector<16xi32>], vector<16xf32>,
        %gather3A_73 = tpu.vector_load_idx %arg8[%get3A_70] : memref<10240xf32, #tpu.memory_space<vmem>>[vector<16xi32>], vector<16xf32>,
        tpu.vector_store_idx %arg12[%get3A_72], %gather3A_73 {add = true} : memref<10240xf32, #tpu.memory_space<vmem>>[vector<16xi32>], vector<16xf32>,
        %gather3A_74 = tpu.vector_load_idx %arg9[%get3A_70] : memref<10240xf32, #tpu.memory_space<vmem>>[vector<16xi32>], vector<16xf32>,
        tpu.vector_store_idx %arg13[%get3A_72], %gather3A_74 {add = true} : memref<10240xf32, #tpu.memory_space<vmem>>[vector<16xi32>], vector<16xf32>,
        %gather3A_75 = tpu.vector_load_idx %arg10[%get3A_70] : memref<10240xf32, #tpu.memory_space<vmem>>[vector<16xi32>], vector<16xf32>,
        tpu.vector_store_idx %arg14[%get3A_72], %gather3A_75 {add = true} : memref<10240xf32, #tpu.memory_space<vmem>>[vector<16xi32>], vector<16xf32>,
        %mul3A_76 = arith.constant 64 : i32
        %mul3A_77 = arith.muli %scan3A_65, %mul3A_76 : i32
        %add3A_78 = arith.constant 16 : i32
        %add3A_79 = arith.addi %mul3A_77, %add3A_78 : i32
        %get3A_80 = arith.index_cast %add3A_79 : i32 to index
        %get3A_81 = tpu.vector_load %arg17[%get3A_80] {strides = array<i32>} : memref<4096xi32, #tpu.memory_space<vmem>>, vector<16xi32>,
        %get3A_82 = arith.index_cast %add3A_79 : i32 to index
        %get3A_83 = tpu.vector_load %arg18[%get3A_82] {strides = array<i32>} : memref<4096xi32, #tpu.memory_space<vmem>>, vector<16xi32>,
        %gather3A_84 = tpu.vector_load_idx %arg7[%get3A_81] : memref<10240xf32, #tpu.memory_space<vmem>>[vector<16xi32>], vector<16xf32>,
        tpu.vector_store_idx %arg11[%get3A_83], %gather3A_84 {add = true} : memref<10240xf32, #tpu.memory_space<vmem>>[vector<16xi32>], vector<16xf32>,
        %gather3A_85 = tpu.vector_load_idx %arg8[%get3A_81] : memref<10240xf32, #tpu.memory_space<vmem>>[vector<16xi32>], vector<16xf32>,
        tpu.vector_store_idx %arg12[%get3A_83], %gather3A_85 {add = true} : memref<10240xf32, #tpu.memory_space<vmem>>[vector<16xi32>], vector<16xf32>,
        %gather3A_86 = tpu.vector_load_idx %arg9[%get3A_81] : memref<10240xf32, #tpu.memory_space<vmem>>[vector<16xi32>], vector<16xf32>,
        tpu.vector_store_idx %arg13[%get3A_83], %gather3A_86 {add = true} : memref<10240xf32, #tpu.memory_space<vmem>>[vector<16xi32>], vector<16xf32>,
        %gather3A_87 = tpu.vector_load_idx %arg10[%get3A_81] : memref<10240xf32, #tpu.memory_space<vmem>>[vector<16xi32>], vector<16xf32>,
        tpu.vector_store_idx %arg14[%get3A_83], %gather3A_87 {add = true} : memref<10240xf32, #tpu.memory_space<vmem>>[vector<16xi32>], vector<16xf32>,
        %mul3A_88 = arith.constant 64 : i32
        %mul3A_89 = arith.muli %scan3A_65, %mul3A_88 : i32
        %add3A_90 = arith.constant 32 : i32
        %add3A_91 = arith.addi %mul3A_89, %add3A_90 : i32
        %get3A_92 = arith.index_cast %add3A_91 : i32 to index
        %get3A_93 = tpu.vector_load %arg17[%get3A_92] {strides = array<i32>} : memref<4096xi32, #tpu.memory_space<vmem>>, vector<16xi32>,
        %get3A_94 = arith.index_cast %add3A_91 : i32 to index
        %get3A_95 = tpu.vector_load %arg18[%get3A_94] {strides = array<i32>} : memref<4096xi32, #tpu.memory_space<vmem>>, vector<16xi32>,
        %gather3A_96 = tpu.vector_load_idx %arg7[%get3A_93] : memref<10240xf32, #tpu.memory_space<vmem>>[vector<16xi32>], vector<16xf32>,
        tpu.vector_store_idx %arg11[%get3A_95], %gather3A_96 {add = true} : memref<10240xf32, #tpu.memory_space<vmem>>[vector<16xi32>], vector<16xf32>,
        %gather3A_97 = tpu.vector_load_idx %arg8[%get3A_93] : memref<10240xf32, #tpu.memory_space<vmem>>[vector<16xi32>], vector<16xf32>,
        tpu.vector_store_idx %arg12[%get3A_95], %gather3A_97 {add = true} : memref<10240xf32, #tpu.memory_space<vmem>>[vector<16xi32>], vector<16xf32>,
        %gather3A_98 = tpu.vector_load_idx %arg9[%get3A_93] : memref<10240xf32, #tpu.memory_space<vmem>>[vector<16xi32>], vector<16xf32>,
        tpu.vector_store_idx %arg13[%get3A_95], %gather3A_98 {add = true} : memref<10240xf32, #tpu.memory_space<vmem>>[vector<16xi32>], vector<16xf32>,
        %gather3A_99 = tpu.vector_load_idx %arg10[%get3A_93] : memref<10240xf32, #tpu.memory_space<vmem>>[vector<16xi32>], vector<16xf32>,
        tpu.vector_store_idx %arg14[%get3A_95], %gather3A_99 {add = true} : memref<10240xf32, #tpu.memory_space<vmem>>[vector<16xi32>], vector<16xf32>,
        %mul3A_100 = arith.constant 64 : i32
        %mul3A_101 = arith.muli %scan3A_65, %mul3A_100 : i32
        %add3A_102 = arith.constant 48 : i32
        %add3A_103 = arith.addi %mul3A_101, %add3A_102 : i32
        %get3A_104 = arith.index_cast %add3A_103 : i32 to index
        %get3A_105 = tpu.vector_load %arg17[%get3A_104] {strides = array<i32>} : memref<4096xi32, #tpu.memory_space<vmem>>, vector<16xi32>,
        %get3A_106 = arith.index_cast %add3A_103 : i32 to index
        %get3A_107 = tpu.vector_load %arg18[%get3A_106] {strides = array<i32>} : memref<4096xi32, #tpu.memory_space<vmem>>, vector<16xi32>,
        %gather3A_108 = tpu.vector_load_idx %arg7[%get3A_105] : memref<10240xf32, #tpu.memory_space<vmem>>[vector<16xi32>], vector<16xf32>,
        tpu.vector_store_idx %arg11[%get3A_107], %gather3A_108 {add = true} : memref<10240xf32, #tpu.memory_space<vmem>>[vector<16xi32>], vector<16xf32>,
        %gather3A_109 = tpu.vector_load_idx %arg8[%get3A_105] : memref<10240xf32, #tpu.memory_space<vmem>>[vector<16xi32>], vector<16xf32>,
        tpu.vector_store_idx %arg12[%get3A_107], %gather3A_109 {add = true} : memref<10240xf32, #tpu.memory_space<vmem>>[vector<16xi32>], vector<16xf32>,
        %gather3A_110 = tpu.vector_load_idx %arg9[%get3A_105] : memref<10240xf32, #tpu.memory_space<vmem>>[vector<16xi32>], vector<16xf32>,
        tpu.vector_store_idx %arg13[%get3A_107], %gather3A_110 {add = true} : memref<10240xf32, #tpu.memory_space<vmem>>[vector<16xi32>], vector<16xf32>,
        %gather3A_111 = tpu.vector_load_idx %arg10[%get3A_105] : memref<10240xf32, #tpu.memory_space<vmem>>[vector<16xi32>], vector<16xf32>,
        tpu.vector_store_idx %arg14[%get3A_107], %gather3A_111 {add = true} : memref<10240xf32, #tpu.memory_space<vmem>>[vector<16xi32>], vector<16xf32>,
      }
      %scan3A_64 = arith.constant 64 : i32
    }
    %scan3A_18 = arith.constant 40 : i32
    %run_scoped3A_19 = arith.constant 0 : i32
    "tpu.region"() ({
      %run_scoped3A_23 = tpu.sem_alloc : memref<!tpu.dma_semaphore, #tpu.memory_space<semaphore_mem>>
      %dma_start3A_24 = arith.constant 0 : i32
      %dma_start3A_25 = tpu.memref_slice %arg6[%arg0, %arg1, %run_scoped3A_19, %dma_start3A_24] : memref<2x16x4x10240xf32, #tpu.memory_space<hbm>> -> memref<1x1x1x10240xf32, #tpu.memory_space<hbm>>
      %dma_start3A_26 = tpu.memref_squeeze %dma_start3A_25 : memref<1x1x1x10240xf32, #tpu.memory_space<hbm>> -> memref<10240xf32, #tpu.memory_space<hbm>>
      %dma_start3A_27 = arith.constant 0 : i32
      %dma_start3A_28 = tpu.memref_slice %arg6[%arg0, %arg1, %run_scoped3A_19, %dma_start3A_27] : memref<2x16x4x10240xf32, #tpu.memory_space<hbm>> -> memref<1x1x1x10240xf32, #tpu.memory_space<hbm>>
      %dma_start3A_29 = tpu.memref_squeeze %dma_start3A_28 : memref<1x1x1x10240xf32, #tpu.memory_space<hbm>> -> memref<10240xf32, #tpu.memory_space<hbm>>
      tpu.enqueue_dma source(%arg11 : memref<10240xf32, #tpu.memory_space<vmem>>) target(%dma_start3A_29 : memref<10240xf32, #tpu.memory_space<hbm>>) target_semaphore(%run_scoped3A_23 : memref<!tpu.dma_semaphore, #tpu.memory_space<semaphore_mem>>)
      %dma_wait3A = arith.constant 0 : i32
      %dma_wait3A_30 = tpu.memref_slice %arg6[%arg0, %arg1, %run_scoped3A_19, %dma_wait3A] : memref<2x16x4x10240xf32, #tpu.memory_space<hbm>> -> memref<1x1x1x10240xf32, #tpu.memory_space<hbm>>
      %dma_wait3A_31 = tpu.memref_squeeze %dma_wait3A_30 : memref<1x1x1x10240xf32, #tpu.memory_space<hbm>> -> memref<10240xf32, #tpu.memory_space<hbm>>
      %dma_wait3A_32 = arith.constant 0 : i32
      %dma_wait3A_33 = tpu.memref_slice %arg6[%arg0, %arg1, %run_scoped3A_19, %dma_wait3A_32] : memref<2x16x4x10240xf32, #tpu.memory_space<hbm>> -> memref<1x1x1x10240xf32, #tpu.memory_space<hbm>>
      %dma_wait3A_34 = tpu.memref_squeeze %dma_wait3A_33 : memref<1x1x1x10240xf32, #tpu.memory_space<hbm>> -> memref<10240xf32, #tpu.memory_space<hbm>>
      tpu.wait_dma2 semaphore(%run_scoped3A_23 : memref<!tpu.dma_semaphore, #tpu.memory_space<semaphore_mem>>) src(%arg11 : memref<10240xf32, #tpu.memory_space<vmem>>) dst(%dma_wait3A_34 : memref<10240xf32, #tpu.memory_space<hbm>>)
      tpu.yield
    }) : () -> ()
    %run_scoped3A_20 = arith.constant 1 : i32
    "tpu.region"() ({
      %run_scoped3A_23 = tpu.sem_alloc : memref<!tpu.dma_semaphore, #tpu.memory_space<semaphore_mem>>
      %dma_start3A_24 = arith.constant 0 : i32
      %dma_start3A_25 = tpu.memref_slice %arg6[%arg0, %arg1, %run_scoped3A_20, %dma_start3A_24] : memref<2x16x4x10240xf32, #tpu.memory_space<hbm>> -> memref<1x1x1x10240xf32, #tpu.memory_space<hbm>>
      %dma_start3A_26 = tpu.memref_squeeze %dma_start3A_25 : memref<1x1x1x10240xf32, #tpu.memory_space<hbm>> -> memref<10240xf32, #tpu.memory_space<hbm>>
      %dma_start3A_27 = arith.constant 0 : i32
      %dma_start3A_28 = tpu.memref_slice %arg6[%arg0, %arg1, %run_scoped3A_20, %dma_start3A_27] : memref<2x16x4x10240xf32, #tpu.memory_space<hbm>> -> memref<1x1x1x10240xf32, #tpu.memory_space<hbm>>
      %dma_start3A_29 = tpu.memref_squeeze %dma_start3A_28 : memref<1x1x1x10240xf32, #tpu.memory_space<hbm>> -> memref<10240xf32, #tpu.memory_space<hbm>>
      tpu.enqueue_dma source(%arg12 : memref<10240xf32, #tpu.memory_space<vmem>>) target(%dma_start3A_29 : memref<10240xf32, #tpu.memory_space<hbm>>) target_semaphore(%run_scoped3A_23 : memref<!tpu.dma_semaphore, #tpu.memory_space<semaphore_mem>>)
      %dma_wait3A = arith.constant 0 : i32
      %dma_wait3A_30 = tpu.memref_slice %arg6[%arg0, %arg1, %run_scoped3A_20, %dma_wait3A] : memref<2x16x4x10240xf32, #tpu.memory_space<hbm>> -> memref<1x1x1x10240xf32, #tpu.memory_space<hbm>>
      %dma_wait3A_31 = tpu.memref_squeeze %dma_wait3A_30 : memref<1x1x1x10240xf32, #tpu.memory_space<hbm>> -> memref<10240xf32, #tpu.memory_space<hbm>>
      %dma_wait3A_32 = arith.constant 0 : i32
      %dma_wait3A_33 = tpu.memref_slice %arg6[%arg0, %arg1, %run_scoped3A_20, %dma_wait3A_32] : memref<2x16x4x10240xf32, #tpu.memory_space<hbm>> -> memref<1x1x1x10240xf32, #tpu.memory_space<hbm>>
      %dma_wait3A_34 = tpu.memref_squeeze %dma_wait3A_33 : memref<1x1x1x10240xf32, #tpu.memory_space<hbm>> -> memref<10240xf32, #tpu.memory_space<hbm>>
      tpu.wait_dma2 semaphore(%run_scoped3A_23 : memref<!tpu.dma_semaphore, #tpu.memory_space<semaphore_mem>>) src(%arg12 : memref<10240xf32, #tpu.memory_space<vmem>>) dst(%dma_wait3A_34 : memref<10240xf32, #tpu.memory_space<hbm>>)
      tpu.yield
    }) : () -> ()
    %run_scoped3A_21 = arith.constant 2 : i32
    "tpu.region"() ({
      %run_scoped3A_23 = tpu.sem_alloc : memref<!tpu.dma_semaphore, #tpu.memory_space<semaphore_mem>>
      %dma_start3A_24 = arith.constant 0 : i32
      %dma_start3A_25 = tpu.memref_slice %arg6[%arg0, %arg1, %run_scoped3A_21, %dma_start3A_24] : memref<2x16x4x10240xf32, #tpu.memory_space<hbm>> -> memref<1x1x1x10240xf32, #tpu.memory_space<hbm>>
      %dma_start3A_26 = tpu.memref_squeeze %dma_start3A_25 : memref<1x1x1x10240xf32, #tpu.memory_space<hbm>> -> memref<10240xf32, #tpu.memory_space<hbm>>
      %dma_start3A_27 = arith.constant 0 : i32
      %dma_start3A_28 = tpu.memref_slice %arg6[%arg0, %arg1, %run_scoped3A_21, %dma_start3A_27] : memref<2x16x4x10240xf32, #tpu.memory_space<hbm>> -> memref<1x1x1x10240xf32, #tpu.memory_space<hbm>>
      %dma_start3A_29 = tpu.memref_squeeze %dma_start3A_28 : memref<1x1x1x10240xf32, #tpu.memory_space<hbm>> -> memref<10240xf32, #tpu.memory_space<hbm>>
      tpu.enqueue_dma source(%arg13 : memref<10240xf32, #tpu.memory_space<vmem>>) target(%dma_start3A_29 : memref<10240xf32, #tpu.memory_space<hbm>>) target_semaphore(%run_scoped3A_23 : memref<!tpu.dma_semaphore, #tpu.memory_space<semaphore_mem>>)
      %dma_wait3A = arith.constant 0 : i32
      %dma_wait3A_30 = tpu.memref_slice %arg6[%arg0, %arg1, %run_scoped3A_21, %dma_wait3A] : memref<2x16x4x10240xf32, #tpu.memory_space<hbm>> -> memref<1x1x1x10240xf32, #tpu.memory_space<hbm>>
      %dma_wait3A_31 = tpu.memref_squeeze %dma_wait3A_30 : memref<1x1x1x10240xf32, #tpu.memory_space<hbm>> -> memref<10240xf32, #tpu.memory_space<hbm>>
      %dma_wait3A_32 = arith.constant 0 : i32
      %dma_wait3A_33 = tpu.memref_slice %arg6[%arg0, %arg1, %run_scoped3A_21, %dma_wait3A_32] : memref<2x16x4x10240xf32, #tpu.memory_space<hbm>> -> memref<1x1x1x10240xf32, #tpu.memory_space<hbm>>
      %dma_wait3A_34 = tpu.memref_squeeze %dma_wait3A_33 : memref<1x1x1x10240xf32, #tpu.memory_space<hbm>> -> memref<10240xf32, #tpu.memory_space<hbm>>
      tpu.wait_dma2 semaphore(%run_scoped3A_23 : memref<!tpu.dma_semaphore, #tpu.memory_space<semaphore_mem>>) src(%arg13 : memref<10240xf32, #tpu.memory_space<vmem>>) dst(%dma_wait3A_34 : memref<10240xf32, #tpu.memory_space<hbm>>)
      tpu.yield
    }) : () -> ()
    %run_scoped3A_22 = arith.constant 3 : i32
    "tpu.region"() ({
      %run_scoped3A_23 = tpu.sem_alloc : memref<!tpu.dma_semaphore, #tpu.memory_space<semaphore_mem>>
      %dma_start3A_24 = arith.constant 0 : i32
      %dma_start3A_25 = tpu.memref_slice %arg6[%arg0, %arg1, %run_scoped3A_22, %dma_start3A_24] : memref<2x16x4x10240xf32, #tpu.memory_space<hbm>> -> memref<1x1x1x10240xf32, #tpu.memory_space<hbm>>
      %dma_start3A_26 = tpu.memref_squeeze %dma_start3A_25 : memref<1x1x1x10240xf32, #tpu.memory_space<hbm>> -> memref<10240xf32, #tpu.memory_space<hbm>>
      %dma_start3A_27 = arith.constant 0 : i32
      %dma_start3A_28 = tpu.memref_slice %arg6[%arg0, %arg1, %run_scoped3A_22, %dma_start3A_27] : memref<2x16x4x10240xf32, #tpu.memory_space<hbm>> -> memref<1x1x1x10240xf32, #tpu.memory_space<hbm>>
      %dma_start3A_29 = tpu.memref_squeeze %dma_start3A_28 : memref<1x1x1x10240xf32, #tpu.memory_space<hbm>> -> memref<10240xf32, #tpu.memory_space<hbm>>
      tpu.enqueue_dma source(%arg14 : memref<10240xf32, #tpu.memory_space<vmem>>) target(%dma_start3A_29 : memref<10240xf32, #tpu.memory_space<hbm>>) target_semaphore(%run_scoped3A_23 : memref<!tpu.dma_semaphore, #tpu.memory_space<semaphore_mem>>)
      %dma_wait3A = arith.constant 0 : i32
      %dma_wait3A_30 = tpu.memref_slice %arg6[%arg0, %arg1, %run_scoped3A_22, %dma_wait3A] : memref<2x16x4x10240xf32, #tpu.memory_space<hbm>> -> memref<1x1x1x10240xf32, #tpu.memory_space<hbm>>
      %dma_wait3A_31 = tpu.memref_squeeze %dma_wait3A_30 : memref<1x1x1x10240xf32, #tpu.memory_space<hbm>> -> memref<10240xf32, #tpu.memory_space<hbm>>
      %dma_wait3A_32 = arith.constant 0 : i32
      %dma_wait3A_33 = tpu.memref_slice %arg6[%arg0, %arg1, %run_scoped3A_22, %dma_wait3A_32] : memref<2x16x4x10240xf32, #tpu.memory_space<hbm>> -> memref<1x1x1x10240xf32, #tpu.memory_space<hbm>>
      %dma_wait3A_34 = tpu.memref_squeeze %dma_wait3A_33 : memref<1x1x1x10240xf32, #tpu.memory_space<hbm>> -> memref<10240xf32, #tpu.memory_space<hbm>>
      tpu.wait_dma2 semaphore(%run_scoped3A_23 : memref<!tpu.dma_semaphore, #tpu.memory_space<semaphore_mem>>) src(%arg14 : memref<10240xf32, #tpu.memory_space<vmem>>) dst(%dma_wait3A_34 : memref<10240xf32, #tpu.memory_space<hbm>>)
      tpu.yield
    }) : () -> ()
    return
  }
}

#map = affine_map<(d0, d1) -> (0, 0, 0, 0)>
#map1 = affine_map<(d0, d1) -> (0)>
module attributes {stable_mosaic.version = 14 : i64} {
  func.func @_sc_spmm(%arg0: i32, %arg1: i32, %arg2: memref<2x16x4x10240xf32, #tpu.memory_space<hbm>>, %arg3: memref<2x16x4x10240xf32, #tpu.memory_space<hbm>>, %arg4: memref<327680xi32, #tpu.memory_space<hbm>>, %arg5: memref<327680xi32, #tpu.memory_space<hbm>>, %arg6: memref<2x16x4x10240xf32, #tpu.memory_space<hbm>>, %arg7: memref<10240xf32, #tpu.memory_space<vmem>>, %arg8: memref<10240xf32, #tpu.memory_space<vmem>>, %arg9: memref<10240xf32, #tpu.memory_space<vmem>>, %arg10: memref<10240xf32, #tpu.memory_space<vmem>>, %arg11: memref<10240xf32, #tpu.memory_space<vmem>>, %arg12: memref<10240xf32, #tpu.memory_space<vmem>>, %arg13: memref<10240xf32, #tpu.memory_space<vmem>>, %arg14: memref<10240xf32, #tpu.memory_space<vmem>>, %arg15: memref<4096xi32, #tpu.memory_space<vmem>>, %arg16: memref<4096xi32, #tpu.memory_space<vmem>>, %arg17: memref<4096xi32, #tpu.memory_space<vmem>>, %arg18: memref<4096xi32, #tpu.memory_space<vmem>>, %arg19: memref<!tpu.dma_semaphore, #tpu.memory_space<semaphore_mem>>, %arg20: memref<!tpu.dma_semaphore, #tpu.memory_space<semaphore_mem>>) attributes {dimension_semantics = [#tpu.dimension_semantics<core_parallel>, #tpu.dimension_semantics<subcore_parallel>], iteration_bounds = array<i64: 2, 16>, scalar_prefetch = 0 : i64, scratch_operands = 14 : i64, tpu.core_type = #tpu.core_type<sc_vector_subcore>, window_params = [{transform_indices = #map}, {transform_indices = #map}, {transform_indices = #map1}, {transform_indices = #map1}, {transform_indices = #map}]} {
    %run_scoped3A = arith.constant 0 : i32
    "tpu.region"() ({
      %run_scoped3A_23 = tpu.sem_alloc : memref<!tpu.dma_semaphore, #tpu.memory_space<semaphore_mem>>
      %dma_start3A_24 = arith.constant 0 : i32
      %dma_start3A_25 = tpu.memref_slice %arg2[%arg0, %arg1, %run_scoped3A, %dma_start3A_24] : memref<2x16x4x10240xf32, #tpu.memory_space<hbm>> -> memref<1x1x1x10240xf32, #tpu.memory_space<hbm>>
      %dma_start3A_26 = tpu.memref_squeeze %dma_start3A_25 : memref<1x1x1x10240xf32, #tpu.memory_space<hbm>> -> memref<10240xf32, #tpu.memory_space<hbm>>
      %dma_start3A_27 = arith.constant 0 : i32
      %dma_start3A_28 = tpu.memref_slice %arg2[%arg0, %arg1, %run_scoped3A, %dma_start3A_27] : memref<2x16x4x10240xf32, #tpu.memory_space<hbm>> -> memref<1x1x1x10240xf32, #tpu.memory_space<hbm>>
      %dma_start3A_29 = tpu.memref_squeeze %dma_start3A_28 : memref<1x1x1x10240xf32, #tpu.memory_space<hbm>> -> memref<10240xf32, #tpu.memory_space<hbm>>
      tpu.enqueue_dma source(%dma_start3A_29 : memref<10240xf32, #tpu.memory_space<hbm>>) target(%arg7 : memref<10240xf32, #tpu.memory_space<vmem>>) target_semaphore(%run_scoped3A_23 : memref<!tpu.dma_semaphore, #tpu.memory_space<semaphore_mem>>)
      %dma_wait3A = arith.constant 0 : i32
      %dma_wait3A_30 = tpu.memref_slice %arg2[%arg0, %arg1, %run_scoped3A, %dma_wait3A] : memref<2x16x4x10240xf32, #tpu.memory_space<hbm>> -> memref<1x1x1x10240xf32, #tpu.memory_space<hbm>>
      %dma_wait3A_31 = tpu.memref_squeeze %dma_wait3A_30 : memref<1x1x1x10240xf32, #tpu.memory_space<hbm>> -> memref<10240xf32, #tpu.memory_space<hbm>>
      %dma_wait3A_32 = arith.constant 0 : i32
      %dma_wait3A_33 = tpu.memref_slice %arg2[%arg0, %arg1, %run_scoped3A, %dma_wait3A_32] : memref<2x16x4x10240xf32, #tpu.memory_space<hbm>> -> memref<1x1x1x10240xf32, #tpu.memory_space<hbm>>
      %dma_wait3A_34 = tpu.memref_squeeze %dma_wait3A_33 : memref<1x1x1x10240xf32, #tpu.memory_space<hbm>> -> memref<10240xf32, #tpu.memory_space<hbm>>
      tpu.wait_dma2 semaphore(%run_scoped3A_23 : memref<!tpu.dma_semaphore, #tpu.memory_space<semaphore_mem>>) src(%dma_wait3A_34 : memref<10240xf32, #tpu.memory_space<hbm>>) dst(%arg7 : memref<10240xf32, #tpu.memory_space<vmem>>)
      tpu.yield
    }) : () -> ()
    %run_scoped3A_0 = arith.constant 0 : i32
    "tpu.region"() ({
      %run_scoped3A_23 = tpu.sem_alloc : memref<!tpu.dma_semaphore, #tpu.memory_space<semaphore_mem>>
      %dma_start3A_24 = arith.constant 0 : i32
      %dma_start3A_25 = tpu.memref_slice %arg3[%arg0, %arg1, %run_scoped3A_0, %dma_start3A_24] : memref<2x16x4x10240xf32, #tpu.memory_space<hbm>> -> memref<1x1x1x10240xf32, #tpu.memory_space<hbm>>
      %dma_start3A_26 = tpu.memref_squeeze %dma_start3A_25 : memref<1x1x1x10240xf32, #tpu.memory_space<hbm>> -> memref<10240xf32, #tpu.memory_space<hbm>>
      %dma_start3A_27 = arith.constant 0 : i32
      %dma_start3A_28 = tpu.memref_slice %arg3[%arg0, %arg1, %run_scoped3A_0, %dma_start3A_27] : memref<2x16x4x10240xf32, #tpu.memory_space<hbm>> -> memref<1x1x1x10240xf32, #tpu.memory_space<hbm>>
      %dma_start3A_29 = tpu.memref_squeeze %dma_start3A_28 : memref<1x1x1x10240xf32, #tpu.memory_space<hbm>> -> memref<10240xf32, #tpu.memory_space<hbm>>
      tpu.enqueue_dma source(%dma_start3A_29 : memref<10240xf32, #tpu.memory_space<hbm>>) target(%arg11 : memref<10240xf32, #tpu.memory_space<vmem>>) target_semaphore(%run_scoped3A_23 : memref<!tpu.dma_semaphore, #tpu.memory_space<semaphore_mem>>)
      %dma_wait3A = arith.constant 0 : i32
      %dma_wait3A_30 = tpu.memref_slice %arg3[%arg0, %arg1, %run_scoped3A_0, %dma_wait3A] : memref<2x16x4x10240xf32, #tpu.memory_space<hbm>> -> memref<1x1x1x10240xf32, #tpu.memory_space<hbm>>
      %dma_wait3A_31 = tpu.memref_squeeze %dma_wait3A_30 : memref<1x1x1x10240xf32, #tpu.memory_space<hbm>> -> memref<10240xf32, #tpu.memory_space<hbm>>
      %dma_wait3A_32 = arith.constant 0 : i32
      %dma_wait3A_33 = tpu.memref_slice %arg3[%arg0, %arg1, %run_scoped3A_0, %dma_wait3A_32] : memref<2x16x4x10240xf32, #tpu.memory_space<hbm>> -> memref<1x1x1x10240xf32, #tpu.memory_space<hbm>>
      %dma_wait3A_34 = tpu.memref_squeeze %dma_wait3A_33 : memref<1x1x1x10240xf32, #tpu.memory_space<hbm>> -> memref<10240xf32, #tpu.memory_space<hbm>>
      tpu.wait_dma2 semaphore(%run_scoped3A_23 : memref<!tpu.dma_semaphore, #tpu.memory_space<semaphore_mem>>) src(%dma_wait3A_34 : memref<10240xf32, #tpu.memory_space<hbm>>) dst(%arg11 : memref<10240xf32, #tpu.memory_space<vmem>>)
      tpu.yield
    }) : () -> ()
    %run_scoped3A_1 = arith.constant 1 : i32
    "tpu.region"() ({
      %run_scoped3A_23 = tpu.sem_alloc : memref<!tpu.dma_semaphore, #tpu.memory_space<semaphore_mem>>
      %dma_start3A_24 = arith.constant 0 : i32
      %dma_start3A_25 = tpu.memref_slice %arg2[%arg0, %arg1, %run_scoped3A_1, %dma_start3A_24] : memref<2x16x4x10240xf32, #tpu.memory_space<hbm>> -> memref<1x1x1x10240xf32, #tpu.memory_space<hbm>>
      %dma_start3A_26 = tpu.memref_squeeze %dma_start3A_25 : memref<1x1x1x10240xf32, #tpu.memory_space<hbm>> -> memref<10240xf32, #tpu.memory_space<hbm>>
      %dma_start3A_27 = arith.constant 0 : i32
      %dma_start3A_28 = tpu.memref_slice %arg2[%arg0, %arg1, %run_scoped3A_1, %dma_start3A_27] : memref<2x16x4x10240xf32, #tpu.memory_space<hbm>> -> memref<1x1x1x10240xf32, #tpu.memory_space<hbm>>
      %dma_start3A_29 = tpu.memref_squeeze %dma_start3A_28 : memref<1x1x1x10240xf32, #tpu.memory_space<hbm>> -> memref<10240xf32, #tpu.memory_space<hbm>>
      tpu.enqueue_dma source(%dma_start3A_29 : memref<10240xf32, #tpu.memory_space<hbm>>) target(%arg8 : memref<10240xf32, #tpu.memory_space<vmem>>) target_semaphore(%run_scoped3A_23 : memref<!tpu.dma_semaphore, #tpu.memory_space<semaphore_mem>>)
      %dma_wait3A = arith.constant 0 : i32
      %dma_wait3A_30 = tpu.memref_slice %arg2[%arg0, %arg1, %run_scoped3A_1, %dma_wait3A] : memref<2x16x4x10240xf32, #tpu.memory_space<hbm>> -> memref<1x1x1x10240xf32, #tpu.memory_space<hbm>>
      %dma_wait3A_31 = tpu.memref_squeeze %dma_wait3A_30 : memref<1x1x1x10240xf32, #tpu.memory_space<hbm>> -> memref<10240xf32, #tpu.memory_space<hbm>>
      %dma_wait3A_32 = arith.constant 0 : i32
      %dma_wait3A_33 = tpu.memref_slice %arg2[%arg0, %arg1, %run_scoped3A_1, %dma_wait3A_32] : memref<2x16x4x10240xf32, #tpu.memory_space<hbm>> -> memref<1x1x1x10240xf32, #tpu.memory_space<hbm>>
      %dma_wait3A_34 = tpu.memref_squeeze %dma_wait3A_33 : memref<1x1x1x10240xf32, #tpu.memory_space<hbm>> -> memref<10240xf32, #tpu.memory_space<hbm>>
      tpu.wait_dma2 semaphore(%run_scoped3A_23 : memref<!tpu.dma_semaphore, #tpu.memory_space<semaphore_mem>>) src(%dma_wait3A_34 : memref<10240xf32, #tpu.memory_space<hbm>>) dst(%arg8 : memref<10240xf32, #tpu.memory_space<vmem>>)
      tpu.yield
    }) : () -> ()
    %run_scoped3A_2 = arith.constant 1 : i32
    "tpu.region"() ({
      %run_scoped3A_23 = tpu.sem_alloc : memref<!tpu.dma_semaphore, #tpu.memory_space<semaphore_mem>>
      %dma_start3A_24 = arith.constant 0 : i32
      %dma_start3A_25 = tpu.memref_slice %arg3[%arg0, %arg1, %run_scoped3A_2, %dma_start3A_24] : memref<2x16x4x10240xf32, #tpu.memory_space<hbm>> -> memref<1x1x1x10240xf32, #tpu.memory_space<hbm>>
      %dma_start3A_26 = tpu.memref_squeeze %dma_start3A_25 : memref<1x1x1x10240xf32, #tpu.memory_space<hbm>> -> memref<10240xf32, #tpu.memory_space<hbm>>
      %dma_start3A_27 = arith.constant 0 : i32
      %dma_start3A_28 = tpu.memref_slice %arg3[%arg0, %arg1, %run_scoped3A_2, %dma_start3A_27] : memref<2x16x4x10240xf32, #tpu.memory_space<hbm>> -> memref<1x1x1x10240xf32, #tpu.memory_space<hbm>>
      %dma_start3A_29 = tpu.memref_squeeze %dma_start3A_28 : memref<1x1x1x10240xf32, #tpu.memory_space<hbm>> -> memref<10240xf32, #tpu.memory_space<hbm>>
      tpu.enqueue_dma source(%dma_start3A_29 : memref<10240xf32, #tpu.memory_space<hbm>>) target(%arg12 : memref<10240xf32, #tpu.memory_space<vmem>>) target_semaphore(%run_scoped3A_23 : memref<!tpu.dma_semaphore, #tpu.memory_space<semaphore_mem>>)
      %dma_wait3A = arith.constant 0 : i32
      %dma_wait3A_30 = tpu.memref_slice %arg3[%arg0, %arg1, %run_scoped3A_2, %dma_wait3A] : memref<2x16x4x10240xf32, #tpu.memory_space<hbm>> -> memref<1x1x1x10240xf32, #tpu.memory_space<hbm>>
      %dma_wait3A_31 = tpu.memref_squeeze %dma_wait3A_30 : memref<1x1x1x10240xf32, #tpu.memory_space<hbm>> -> memref<10240xf32, #tpu.memory_space<hbm>>
      %dma_wait3A_32 = arith.constant 0 : i32
      %dma_wait3A_33 = tpu.memref_slice %arg3[%arg0, %arg1, %run_scoped3A_2, %dma_wait3A_32] : memref<2x16x4x10240xf32, #tpu.memory_space<hbm>> -> memref<1x1x1x10240xf32, #tpu.memory_space<hbm>>
      %dma_wait3A_34 = tpu.memref_squeeze %dma_wait3A_33 : memref<1x1x1x10240xf32, #tpu.memory_space<hbm>> -> memref<10240xf32, #tpu.memory_space<hbm>>
      tpu.wait_dma2 semaphore(%run_scoped3A_23 : memref<!tpu.dma_semaphore, #tpu.memory_space<semaphore_mem>>) src(%dma_wait3A_34 : memref<10240xf32, #tpu.memory_space<hbm>>) dst(%arg12 : memref<10240xf32, #tpu.memory_space<vmem>>)
      tpu.yield
    }) : () -> ()
    %run_scoped3A_3 = arith.constant 2 : i32
    "tpu.region"() ({
      %run_scoped3A_23 = tpu.sem_alloc : memref<!tpu.dma_semaphore, #tpu.memory_space<semaphore_mem>>
      %dma_start3A_24 = arith.constant 0 : i32
      %dma_start3A_25 = tpu.memref_slice %arg2[%arg0, %arg1, %run_scoped3A_3, %dma_start3A_24] : memref<2x16x4x10240xf32, #tpu.memory_space<hbm>> -> memref<1x1x1x10240xf32, #tpu.memory_space<hbm>>
      %dma_start3A_26 = tpu.memref_squeeze %dma_start3A_25 : memref<1x1x1x10240xf32, #tpu.memory_space<hbm>> -> memref<10240xf32, #tpu.memory_space<hbm>>
      %dma_start3A_27 = arith.constant 0 : i32
      %dma_start3A_28 = tpu.memref_slice %arg2[%arg0, %arg1, %run_scoped3A_3, %dma_start3A_27] : memref<2x16x4x10240xf32, #tpu.memory_space<hbm>> -> memref<1x1x1x10240xf32, #tpu.memory_space<hbm>>
      %dma_start3A_29 = tpu.memref_squeeze %dma_start3A_28 : memref<1x1x1x10240xf32, #tpu.memory_space<hbm>> -> memref<10240xf32, #tpu.memory_space<hbm>>
      tpu.enqueue_dma source(%dma_start3A_29 : memref<10240xf32, #tpu.memory_space<hbm>>) target(%arg9 : memref<10240xf32, #tpu.memory_space<vmem>>) target_semaphore(%run_scoped3A_23 : memref<!tpu.dma_semaphore, #tpu.memory_space<semaphore_mem>>)
      %dma_wait3A = arith.constant 0 : i32
      %dma_wait3A_30 = tpu.memref_slice %arg2[%arg0, %arg1, %run_scoped3A_3, %dma_wait3A] : memref<2x16x4x10240xf32, #tpu.memory_space<hbm>> -> memref<1x1x1x10240xf32, #tpu.memory_space<hbm>>
      %dma_wait3A_31 = tpu.memref_squeeze %dma_wait3A_30 : memref<1x1x1x10240xf32, #tpu.memory_space<hbm>> -> memref<10240xf32, #tpu.memory_space<hbm>>
      %dma_wait3A_32 = arith.constant 0 : i32
      %dma_wait3A_33 = tpu.memref_slice %arg2[%arg0, %arg1, %run_scoped3A_3, %dma_wait3A_32] : memref<2x16x4x10240xf32, #tpu.memory_space<hbm>> -> memref<1x1x1x10240xf32, #tpu.memory_space<hbm>>
      %dma_wait3A_34 = tpu.memref_squeeze %dma_wait3A_33 : memref<1x1x1x10240xf32, #tpu.memory_space<hbm>> -> memref<10240xf32, #tpu.memory_space<hbm>>
      tpu.wait_dma2 semaphore(%run_scoped3A_23 : memref<!tpu.dma_semaphore, #tpu.memory_space<semaphore_mem>>) src(%dma_wait3A_34 : memref<10240xf32, #tpu.memory_space<hbm>>) dst(%arg9 : memref<10240xf32, #tpu.memory_space<vmem>>)
      tpu.yield
    }) : () -> ()
    %run_scoped3A_4 = arith.constant 2 : i32
    "tpu.region"() ({
      %run_scoped3A_23 = tpu.sem_alloc : memref<!tpu.dma_semaphore, #tpu.memory_space<semaphore_mem>>
      %dma_start3A_24 = arith.constant 0 : i32
      %dma_start3A_25 = tpu.memref_slice %arg3[%arg0, %arg1, %run_scoped3A_4, %dma_start3A_24] : memref<2x16x4x10240xf32, #tpu.memory_space<hbm>> -> memref<1x1x1x10240xf32, #tpu.memory_space<hbm>>
      %dma_start3A_26 = tpu.memref_squeeze %dma_start3A_25 : memref<1x1x1x10240xf32, #tpu.memory_space<hbm>> -> memref<10240xf32, #tpu.memory_space<hbm>>
      %dma_start3A_27 = arith.constant 0 : i32
      %dma_start3A_28 = tpu.memref_slice %arg3[%arg0, %arg1, %run_scoped3A_4, %dma_start3A_27] : memref<2x16x4x10240xf32, #tpu.memory_space<hbm>> -> memref<1x1x1x10240xf32, #tpu.memory_space<hbm>>
      %dma_start3A_29 = tpu.memref_squeeze %dma_start3A_28 : memref<1x1x1x10240xf32, #tpu.memory_space<hbm>> -> memref<10240xf32, #tpu.memory_space<hbm>>
      tpu.enqueue_dma source(%dma_start3A_29 : memref<10240xf32, #tpu.memory_space<hbm>>) target(%arg13 : memref<10240xf32, #tpu.memory_space<vmem>>) target_semaphore(%run_scoped3A_23 : memref<!tpu.dma_semaphore, #tpu.memory_space<semaphore_mem>>)
      %dma_wait3A = arith.constant 0 : i32
      %dma_wait3A_30 = tpu.memref_slice %arg3[%arg0, %arg1, %run_scoped3A_4, %dma_wait3A] : memref<2x16x4x10240xf32, #tpu.memory_space<hbm>> -> memref<1x1x1x10240xf32, #tpu.memory_space<hbm>>
      %dma_wait3A_31 = tpu.memref_squeeze %dma_wait3A_30 : memref<1x1x1x10240xf32, #tpu.memory_space<hbm>> -> memref<10240xf32, #tpu.memory_space<hbm>>
      %dma_wait3A_32 = arith.constant 0 : i32
      %dma_wait3A_33 = tpu.memref_slice %arg3[%arg0, %arg1, %run_scoped3A_4, %dma_wait3A_32] : memref<2x16x4x10240xf32, #tpu.memory_space<hbm>> -> memref<1x1x1x10240xf32, #tpu.memory_space<hbm>>
      %dma_wait3A_34 = tpu.memref_squeeze %dma_wait3A_33 : memref<1x1x1x10240xf32, #tpu.memory_space<hbm>> -> memref<10240xf32, #tpu.memory_space<hbm>>
      tpu.wait_dma2 semaphore(%run_scoped3A_23 : memref<!tpu.dma_semaphore, #tpu.memory_space<semaphore_mem>>) src(%dma_wait3A_34 : memref<10240xf32, #tpu.memory_space<hbm>>) dst(%arg13 : memref<10240xf32, #tpu.memory_space<vmem>>)
      tpu.yield
    }) : () -> ()
    %run_scoped3A_5 = arith.constant 3 : i32
    "tpu.region"() ({
      %run_scoped3A_23 = tpu.sem_alloc : memref<!tpu.dma_semaphore, #tpu.memory_space<semaphore_mem>>
      %dma_start3A_24 = arith.constant 0 : i32
      %dma_start3A_25 = tpu.memref_slice %arg2[%arg0, %arg1, %run_scoped3A_5, %dma_start3A_24] : memref<2x16x4x10240xf32, #tpu.memory_space<hbm>> -> memref<1x1x1x10240xf32, #tpu.memory_space<hbm>>
      %dma_start3A_26 = tpu.memref_squeeze %dma_start3A_25 : memref<1x1x1x10240xf32, #tpu.memory_space<hbm>> -> memref<10240xf32, #tpu.memory_space<hbm>>
      %dma_start3A_27 = arith.constant 0 : i32
      %dma_start3A_28 = tpu.memref_slice %arg2[%arg0, %arg1, %run_scoped3A_5, %dma_start3A_27] : memref<2x16x4x10240xf32, #tpu.memory_space<hbm>> -> memref<1x1x1x10240xf32, #tpu.memory_space<hbm>>
      %dma_start3A_29 = tpu.memref_squeeze %dma_start3A_28 : memref<1x1x1x10240xf32, #tpu.memory_space<hbm>> -> memref<10240xf32, #tpu.memory_space<hbm>>
      tpu.enqueue_dma source(%dma_start3A_29 : memref<10240xf32, #tpu.memory_space<hbm>>) target(%arg10 : memref<10240xf32, #tpu.memory_space<vmem>>) target_semaphore(%run_scoped3A_23 : memref<!tpu.dma_semaphore, #tpu.memory_space<semaphore_mem>>)
      %dma_wait3A = arith.constant 0 : i32
      %dma_wait3A_30 = tpu.memref_slice %arg2[%arg0, %arg1, %run_scoped3A_5, %dma_wait3A] : memref<2x16x4x10240xf32, #tpu.memory_space<hbm>> -> memref<1x1x1x10240xf32, #tpu.memory_space<hbm>>
      %dma_wait3A_31 = tpu.memref_squeeze %dma_wait3A_30 : memref<1x1x1x10240xf32, #tpu.memory_space<hbm>> -> memref<10240xf32, #tpu.memory_space<hbm>>
      %dma_wait3A_32 = arith.constant 0 : i32
      %dma_wait3A_33 = tpu.memref_slice %arg2[%arg0, %arg1, %run_scoped3A_5, %dma_wait3A_32] : memref<2x16x4x10240xf32, #tpu.memory_space<hbm>> -> memref<1x1x1x10240xf32, #tpu.memory_space<hbm>>
      %dma_wait3A_34 = tpu.memref_squeeze %dma_wait3A_33 : memref<1x1x1x10240xf32, #tpu.memory_space<hbm>> -> memref<10240xf32, #tpu.memory_space<hbm>>
      tpu.wait_dma2 semaphore(%run_scoped3A_23 : memref<!tpu.dma_semaphore, #tpu.memory_space<semaphore_mem>>) src(%dma_wait3A_34 : memref<10240xf32, #tpu.memory_space<hbm>>) dst(%arg10 : memref<10240xf32, #tpu.memory_space<vmem>>)
      tpu.yield
    }) : () -> ()
    %run_scoped3A_6 = arith.constant 3 : i32
    "tpu.region"() ({
      %run_scoped3A_23 = tpu.sem_alloc : memref<!tpu.dma_semaphore, #tpu.memory_space<semaphore_mem>>
      %dma_start3A_24 = arith.constant 0 : i32
      %dma_start3A_25 = tpu.memref_slice %arg3[%arg0, %arg1, %run_scoped3A_6, %dma_start3A_24] : memref<2x16x4x10240xf32, #tpu.memory_space<hbm>> -> memref<1x1x1x10240xf32, #tpu.memory_space<hbm>>
      %dma_start3A_26 = tpu.memref_squeeze %dma_start3A_25 : memref<1x1x1x10240xf32, #tpu.memory_space<hbm>> -> memref<10240xf32, #tpu.memory_space<hbm>>
      %dma_start3A_27 = arith.constant 0 : i32
      %dma_start3A_28 = tpu.memref_slice %arg3[%arg0, %arg1, %run_scoped3A_6, %dma_start3A_27] : memref<2x16x4x10240xf32, #tpu.memory_space<hbm>> -> memref<1x1x1x10240xf32, #tpu.memory_space<hbm>>
      %dma_start3A_29 = tpu.memref_squeeze %dma_start3A_28 : memref<1x1x1x10240xf32, #tpu.memory_space<hbm>> -> memref<10240xf32, #tpu.memory_space<hbm>>
      tpu.enqueue_dma source(%dma_start3A_29 : memref<10240xf32, #tpu.memory_space<hbm>>) target(%arg14 : memref<10240xf32, #tpu.memory_space<vmem>>) target_semaphore(%run_scoped3A_23 : memref<!tpu.dma_semaphore, #tpu.memory_space<semaphore_mem>>)
      %dma_wait3A = arith.constant 0 : i32
      %dma_wait3A_30 = tpu.memref_slice %arg3[%arg0, %arg1, %run_scoped3A_6, %dma_wait3A] : memref<2x16x4x10240xf32, #tpu.memory_space<hbm>> -> memref<1x1x1x10240xf32, #tpu.memory_space<hbm>>
      %dma_wait3A_31 = tpu.memref_squeeze %dma_wait3A_30 : memref<1x1x1x10240xf32, #tpu.memory_space<hbm>> -> memref<10240xf32, #tpu.memory_space<hbm>>
      %dma_wait3A_32 = arith.constant 0 : i32
      %dma_wait3A_33 = tpu.memref_slice %arg3[%arg0, %arg1, %run_scoped3A_6, %dma_wait3A_32] : memref<2x16x4x10240xf32, #tpu.memory_space<hbm>> -> memref<1x1x1x10240xf32, #tpu.memory_space<hbm>>
      %dma_wait3A_34 = tpu.memref_squeeze %dma_wait3A_33 : memref<1x1x1x10240xf32, #tpu.memory_space<hbm>> -> memref<10240xf32, #tpu.memory_space<hbm>>
      tpu.wait_dma2 semaphore(%run_scoped3A_23 : memref<!tpu.dma_semaphore, #tpu.memory_space<semaphore_mem>>) src(%dma_wait3A_34 : memref<10240xf32, #tpu.memory_space<hbm>>) dst(%arg14 : memref<10240xf32, #tpu.memory_space<vmem>>)
      tpu.yield
    }) : () -> ()
    %dma_start3A = arith.constant 0 : i32
    %dma_start3A_7 = tpu.memref_slice %arg4[%dma_start3A] : memref<327680xi32, #tpu.memory_space<hbm>> -> memref<4096xi32, #tpu.memory_space<hbm>>
    %dma_start3A_8 = arith.constant 0 : i32
    %dma_start3A_9 = tpu.memref_slice %arg4[%dma_start3A_8] : memref<327680xi32, #tpu.memory_space<hbm>> -> memref<4096xi32, #tpu.memory_space<hbm>>
    tpu.enqueue_dma source(%dma_start3A_9 : memref<4096xi32, #tpu.memory_space<hbm>>) target(%arg15 : memref<4096xi32, #tpu.memory_space<vmem>>) target_semaphore(%arg19 : memref<!tpu.dma_semaphore, #tpu.memory_space<semaphore_mem>>)
    %dma_start3A_10 = arith.constant 0 : i32
    %dma_start3A_11 = tpu.memref_slice %arg5[%dma_start3A_10] : memref<327680xi32, #tpu.memory_space<hbm>> -> memref<4096xi32, #tpu.memory_space<hbm>>
    %dma_start3A_12 = arith.constant 0 : i32
    %dma_start3A_13 = tpu.memref_slice %arg5[%dma_start3A_12] : memref<327680xi32, #tpu.memory_space<hbm>> -> memref<4096xi32, #tpu.memory_space<hbm>>
    tpu.enqueue_dma source(%dma_start3A_13 : memref<4096xi32, #tpu.memory_space<hbm>>) target(%arg16 : memref<4096xi32, #tpu.memory_space<vmem>>) target_semaphore(%arg19 : memref<!tpu.dma_semaphore, #tpu.memory_space<semaphore_mem>>)
    %scan3A = arith.constant 0 : i32
    %scan3A_14 = arith.constant 0 : i32
    %scan3A_15 = arith.constant 40 : i32
    %scan3A_16 = arith.addi %scan3A_14, %scan3A_15 : i32
    %scan3A_17 = arith.constant 1 : i32
    scf.for %scan3A_23 = %scan3A_14 to %scan3A_16 step %scan3A_17  : i32 {
      %mul3A = arith.constant 2 : i32
      %mul3A_24 = arith.muli %mul3A, %scan3A_23 : i32
      %mul3A_25 = arith.constant 4096 : i32
      %mul3A_26 = arith.muli %mul3A_24, %mul3A_25 : i32
      %dma_wait3A = tpu.memref_slice %arg4[%mul3A_26] : memref<327680xi32, #tpu.memory_space<hbm>> -> memref<4096xi32, #tpu.memory_space<hbm>>
      %dma_wait3A_27 = tpu.memref_slice %arg4[%mul3A_26] : memref<327680xi32, #tpu.memory_space<hbm>> -> memref<4096xi32, #tpu.memory_space<hbm>>
      tpu.wait_dma2 semaphore(%arg19 : memref<!tpu.dma_semaphore, #tpu.memory_space<semaphore_mem>>) src(%dma_wait3A_27 : memref<4096xi32, #tpu.memory_space<hbm>>) dst(%arg15 : memref<4096xi32, #tpu.memory_space<vmem>>)
      %mul3A_28 = arith.constant 4096 : i32
      %mul3A_29 = arith.muli %mul3A_24, %mul3A_28 : i32
      %dma_wait3A_30 = tpu.memref_slice %arg5[%mul3A_29] : memref<327680xi32, #tpu.memory_space<hbm>> -> memref<4096xi32, #tpu.memory_space<hbm>>
      %dma_wait3A_31 = tpu.memref_slice %arg5[%mul3A_29] : memref<327680xi32, #tpu.memory_space<hbm>> -> memref<4096xi32, #tpu.memory_space<hbm>>
      tpu.wait_dma2 semaphore(%arg19 : memref<!tpu.dma_semaphore, #tpu.memory_space<semaphore_mem>>) src(%dma_wait3A_31 : memref<4096xi32, #tpu.memory_space<hbm>>) dst(%arg16 : memref<4096xi32, #tpu.memory_space<vmem>>)
      %add3A = arith.constant 1 : i32
      %add3A_32 = arith.addi %mul3A_24, %add3A : i32
      %mul3A_33 = arith.constant 4096 : i32
      %mul3A_34 = arith.muli %add3A_32, %mul3A_33 : i32
      %dma_start3A_35 = tpu.memref_slice %arg4[%mul3A_34] : memref<327680xi32, #tpu.memory_space<hbm>> -> memref<4096xi32, #tpu.memory_space<hbm>>
      %dma_start3A_36 = tpu.memref_slice %arg4[%mul3A_34] : memref<327680xi32, #tpu.memory_space<hbm>> -> memref<4096xi32, #tpu.memory_space<hbm>>
      tpu.enqueue_dma source(%dma_start3A_36 : memref<4096xi32, #tpu.memory_space<hbm>>) target(%arg17 : memref<4096xi32, #tpu.memory_space<vmem>>) target_semaphore(%arg20 : memref<!tpu.dma_semaphore, #tpu.memory_space<semaphore_mem>>)
      %mul3A_37 = arith.constant 4096 : i32
      %mul3A_38 = arith.muli %add3A_32, %mul3A_37 : i32
      %dma_start3A_39 = tpu.memref_slice %arg5[%mul3A_38] : memref<327680xi32, #tpu.memory_space<hbm>> -> memref<4096xi32, #tpu.memory_space<hbm>>
      %dma_start3A_40 = tpu.memref_slice %arg5[%mul3A_38] : memref<327680xi32, #tpu.memory_space<hbm>> -> memref<4096xi32, #tpu.memory_space<hbm>>
      tpu.enqueue_dma source(%dma_start3A_40 : memref<4096xi32, #tpu.memory_space<hbm>>) target(%arg18 : memref<4096xi32, #tpu.memory_space<vmem>>) target_semaphore(%arg20 : memref<!tpu.dma_semaphore, #tpu.memory_space<semaphore_mem>>)
      %scan3A_41 = arith.constant 0 : i32
      %scan3A_42 = arith.constant 0 : i32
      %scan3A_43 = arith.constant 64 : i32
      %scan3A_44 = arith.addi %scan3A_42, %scan3A_43 : i32
      %scan3A_45 = arith.constant 1 : i32
      scf.for %scan3A_65 = %scan3A_42 to %scan3A_44 step %scan3A_45  : i32 {
        %mul3A_66 = arith.constant 64 : i32
        %mul3A_67 = arith.muli %scan3A_65, %mul3A_66 : i32
        %add3A_68 = arith.constant 0 : i32
        %add3A_69 = arith.addi %mul3A_67, %add3A_68 : i32
        %get3A = arith.index_cast %add3A_69 : i32 to index
        %get3A_70 = tpu.vector_load %arg15[%get3A] {strides = array<i32>} : memref<4096xi32, #tpu.memory_space<vmem>>, vector<16xi32>,
        %get3A_71 = arith.index_cast %add3A_69 : i32 to index
        %get3A_72 = tpu.vector_load %arg16[%get3A_71] {strides = array<i32>} : memref<4096xi32, #tpu.memory_space<vmem>>, vector<16xi32>,
        %gather3A = tpu.vector_load_idx %arg7[%get3A_70] : memref<10240xf32, #tpu.memory_space<vmem>>[vector<16xi32>], vector<16xf32>,
        tpu.vector_store_idx %arg11[%get3A_72], %gather3A {add = true} : memref<10240xf32, #tpu.memory_space<vmem>>[vector<16xi32>], vector<16xf32>,
        %gather3A_73 = tpu.vector_load_idx %arg8[%get3A_70] : memref<10240xf32, #tpu.memory_space<vmem>>[vector<16xi32>], vector<16xf32>,
        tpu.vector_store_idx %arg12[%get3A_72], %gather3A_73 {add = true} : memref<10240xf32, #tpu.memory_space<vmem>>[vector<16xi32>], vector<16xf32>,
        %gather3A_74 = tpu.vector_load_idx %arg9[%get3A_70] : memref<10240xf32, #tpu.memory_space<vmem>>[vector<16xi32>], vector<16xf32>,
        tpu.vector_store_idx %arg13[%get3A_72], %gather3A_74 {add = true} : memref<10240xf32, #tpu.memory_space<vmem>>[vector<16xi32>], vector<16xf32>,
        %gather3A_75 = tpu.vector_load_idx %arg10[%get3A_70] : memref<10240xf32, #tpu.memory_space<vmem>>[vector<16xi32>], vector<16xf32>,
        tpu.vector_store_idx %arg14[%get3A_72], %gather3A_75 {add = true} : memref<10240xf32, #tpu.memory_space<vmem>>[vector<16xi32>], vector<16xf32>,
        %mul3A_76 = arith.constant 64 : i32
        %mul3A_77 = arith.muli %scan3A_65, %mul3A_76 : i32
        %add3A_78 = arith.constant 16 : i32
        %add3A_79 = arith.addi %mul3A_77, %add3A_78 : i32
        %get3A_80 = arith.index_cast %add3A_79 : i32 to index
        %get3A_81 = tpu.vector_load %arg15[%get3A_80] {strides = array<i32>} : memref<4096xi32, #tpu.memory_space<vmem>>, vector<16xi32>,
        %get3A_82 = arith.index_cast %add3A_79 : i32 to index
        %get3A_83 = tpu.vector_load %arg16[%get3A_82] {strides = array<i32>} : memref<4096xi32, #tpu.memory_space<vmem>>, vector<16xi32>,
        %gather3A_84 = tpu.vector_load_idx %arg7[%get3A_81] : memref<10240xf32, #tpu.memory_space<vmem>>[vector<16xi32>], vector<16xf32>,
        tpu.vector_store_idx %arg11[%get3A_83], %gather3A_84 {add = true} : memref<10240xf32, #tpu.memory_space<vmem>>[vector<16xi32>], vector<16xf32>,
        %gather3A_85 = tpu.vector_load_idx %arg8[%get3A_81] : memref<10240xf32, #tpu.memory_space<vmem>>[vector<16xi32>], vector<16xf32>,
        tpu.vector_store_idx %arg12[%get3A_83], %gather3A_85 {add = true} : memref<10240xf32, #tpu.memory_space<vmem>>[vector<16xi32>], vector<16xf32>,
        %gather3A_86 = tpu.vector_load_idx %arg9[%get3A_81] : memref<10240xf32, #tpu.memory_space<vmem>>[vector<16xi32>], vector<16xf32>,
        tpu.vector_store_idx %arg13[%get3A_83], %gather3A_86 {add = true} : memref<10240xf32, #tpu.memory_space<vmem>>[vector<16xi32>], vector<16xf32>,
        %gather3A_87 = tpu.vector_load_idx %arg10[%get3A_81] : memref<10240xf32, #tpu.memory_space<vmem>>[vector<16xi32>], vector<16xf32>,
        tpu.vector_store_idx %arg14[%get3A_83], %gather3A_87 {add = true} : memref<10240xf32, #tpu.memory_space<vmem>>[vector<16xi32>], vector<16xf32>,
        %mul3A_88 = arith.constant 64 : i32
        %mul3A_89 = arith.muli %scan3A_65, %mul3A_88 : i32
        %add3A_90 = arith.constant 32 : i32
        %add3A_91 = arith.addi %mul3A_89, %add3A_90 : i32
        %get3A_92 = arith.index_cast %add3A_91 : i32 to index
        %get3A_93 = tpu.vector_load %arg15[%get3A_92] {strides = array<i32>} : memref<4096xi32, #tpu.memory_space<vmem>>, vector<16xi32>,
        %get3A_94 = arith.index_cast %add3A_91 : i32 to index
        %get3A_95 = tpu.vector_load %arg16[%get3A_94] {strides = array<i32>} : memref<4096xi32, #tpu.memory_space<vmem>>, vector<16xi32>,
        %gather3A_96 = tpu.vector_load_idx %arg7[%get3A_93] : memref<10240xf32, #tpu.memory_space<vmem>>[vector<16xi32>], vector<16xf32>,
        tpu.vector_store_idx %arg11[%get3A_95], %gather3A_96 {add = true} : memref<10240xf32, #tpu.memory_space<vmem>>[vector<16xi32>], vector<16xf32>,
        %gather3A_97 = tpu.vector_load_idx %arg8[%get3A_93] : memref<10240xf32, #tpu.memory_space<vmem>>[vector<16xi32>], vector<16xf32>,
        tpu.vector_store_idx %arg12[%get3A_95], %gather3A_97 {add = true} : memref<10240xf32, #tpu.memory_space<vmem>>[vector<16xi32>], vector<16xf32>,
        %gather3A_98 = tpu.vector_load_idx %arg9[%get3A_93] : memref<10240xf32, #tpu.memory_space<vmem>>[vector<16xi32>], vector<16xf32>,
        tpu.vector_store_idx %arg13[%get3A_95], %gather3A_98 {add = true} : memref<10240xf32, #tpu.memory_space<vmem>>[vector<16xi32>], vector<16xf32>,
        %gather3A_99 = tpu.vector_load_idx %arg10[%get3A_93] : memref<10240xf32, #tpu.memory_space<vmem>>[vector<16xi32>], vector<16xf32>,
        tpu.vector_store_idx %arg14[%get3A_95], %gather3A_99 {add = true} : memref<10240xf32, #tpu.memory_space<vmem>>[vector<16xi32>], vector<16xf32>,
        %mul3A_100 = arith.constant 64 : i32
        %mul3A_101 = arith.muli %scan3A_65, %mul3A_100 : i32
        %add3A_102 = arith.constant 48 : i32
        %add3A_103 = arith.addi %mul3A_101, %add3A_102 : i32
        %get3A_104 = arith.index_cast %add3A_103 : i32 to index
        %get3A_105 = tpu.vector_load %arg15[%get3A_104] {strides = array<i32>} : memref<4096xi32, #tpu.memory_space<vmem>>, vector<16xi32>,
        %get3A_106 = arith.index_cast %add3A_103 : i32 to index
        %get3A_107 = tpu.vector_load %arg16[%get3A_106] {strides = array<i32>} : memref<4096xi32, #tpu.memory_space<vmem>>, vector<16xi32>,
        %gather3A_108 = tpu.vector_load_idx %arg7[%get3A_105] : memref<10240xf32, #tpu.memory_space<vmem>>[vector<16xi32>], vector<16xf32>,
        tpu.vector_store_idx %arg11[%get3A_107], %gather3A_108 {add = true} : memref<10240xf32, #tpu.memory_space<vmem>>[vector<16xi32>], vector<16xf32>,
        %gather3A_109 = tpu.vector_load_idx %arg8[%get3A_105] : memref<10240xf32, #tpu.memory_space<vmem>>[vector<16xi32>], vector<16xf32>,
        tpu.vector_store_idx %arg12[%get3A_107], %gather3A_109 {add = true} : memref<10240xf32, #tpu.memory_space<vmem>>[vector<16xi32>], vector<16xf32>,
        %gather3A_110 = tpu.vector_load_idx %arg9[%get3A_105] : memref<10240xf32, #tpu.memory_space<vmem>>[vector<16xi32>], vector<16xf32>,
        tpu.vector_store_idx %arg13[%get3A_107], %gather3A_110 {add = true} : memref<10240xf32, #tpu.memory_space<vmem>>[vector<16xi32>], vector<16xf32>,
        %gather3A_111 = tpu.vector_load_idx %arg10[%get3A_105] : memref<10240xf32, #tpu.memory_space<vmem>>[vector<16xi32>], vector<16xf32>,
        tpu.vector_store_idx %arg14[%get3A_107], %gather3A_111 {add = true} : memref<10240xf32, #tpu.memory_space<vmem>>[vector<16xi32>], vector<16xf32>,
      }
      %scan3A_46 = arith.constant 64 : i32
      %add3A_47 = arith.constant 1 : i32
      %add3A_48 = arith.addi %mul3A_24, %add3A_47 : i32
      %mul3A_49 = arith.constant 4096 : i32
      %mul3A_50 = arith.muli %add3A_48, %mul3A_49 : i32
      %dma_wait3A_51 = tpu.memref_slice %arg4[%mul3A_50] : memref<327680xi32, #tpu.memory_space<hbm>> -> memref<4096xi32, #tpu.memory_space<hbm>>
      %dma_wait3A_52 = tpu.memref_slice %arg4[%mul3A_50] : memref<327680xi32, #tpu.memory_space<hbm>> -> memref<4096xi32, #tpu.memory_space<hbm>>
      tpu.wait_dma2 semaphore(%arg20 : memref<!tpu.dma_semaphore, #tpu.memory_space<semaphore_mem>>) src(%dma_wait3A_52 : memref<4096xi32, #tpu.memory_space<hbm>>) dst(%arg17 : memref<4096xi32, #tpu.memory_space<vmem>>)
      %mul3A_53 = arith.constant 4096 : i32
      %mul3A_54 = arith.muli %add3A_48, %mul3A_53 : i32
      %dma_wait3A_55 = tpu.memref_slice %arg5[%mul3A_54] : memref<327680xi32, #tpu.memory_space<hbm>> -> memref<4096xi32, #tpu.memory_space<hbm>>
      %dma_wait3A_56 = tpu.memref_slice %arg5[%mul3A_54] : memref<327680xi32, #tpu.memory_space<hbm>> -> memref<4096xi32, #tpu.memory_space<hbm>>
      tpu.wait_dma2 semaphore(%arg20 : memref<!tpu.dma_semaphore, #tpu.memory_space<semaphore_mem>>) src(%dma_wait3A_56 : memref<4096xi32, #tpu.memory_space<hbm>>) dst(%arg18 : memref<4096xi32, #tpu.memory_space<vmem>>)
      %lt3A = arith.constant 39 : i32
      %lt3A_57 = arith.cmpi slt, %scan3A_23, %lt3A : i32
      %convert_element_type3A = arith.extui %lt3A_57 : i1 to i32
      %cond3A = arith.constant 0 : i32
      %cond3A_58 = arith.cmpi ne, %convert_element_type3A, %cond3A : i32
      scf.if %cond3A_58 {
        %add3A_65 = arith.constant 2 : i32
        %add3A_66 = arith.addi %mul3A_24, %add3A_65 : i32
        %mul3A_67 = arith.constant 4096 : i32
        %mul3A_68 = arith.muli %add3A_66, %mul3A_67 : i32
        %dma_start3A_69 = tpu.memref_slice %arg4[%mul3A_68] : memref<327680xi32, #tpu.memory_space<hbm>> -> memref<4096xi32, #tpu.memory_space<hbm>>
        %dma_start3A_70 = tpu.memref_slice %arg4[%mul3A_68] : memref<327680xi32, #tpu.memory_space<hbm>> -> memref<4096xi32, #tpu.memory_space<hbm>>
        tpu.enqueue_dma source(%dma_start3A_70 : memref<4096xi32, #tpu.memory_space<hbm>>) target(%arg15 : memref<4096xi32, #tpu.memory_space<vmem>>) target_semaphore(%arg19 : memref<!tpu.dma_semaphore, #tpu.memory_space<semaphore_mem>>)
        %mul3A_71 = arith.constant 4096 : i32
        %mul3A_72 = arith.muli %add3A_66, %mul3A_71 : i32
        %dma_start3A_73 = tpu.memref_slice %arg5[%mul3A_72] : memref<327680xi32, #tpu.memory_space<hbm>> -> memref<4096xi32, #tpu.memory_space<hbm>>
        %dma_start3A_74 = tpu.memref_slice %arg5[%mul3A_72] : memref<327680xi32, #tpu.memory_space<hbm>> -> memref<4096xi32, #tpu.memory_space<hbm>>
        tpu.enqueue_dma source(%dma_start3A_74 : memref<4096xi32, #tpu.memory_space<hbm>>) target(%arg16 : memref<4096xi32, #tpu.memory_space<vmem>>) target_semaphore(%arg19 : memref<!tpu.dma_semaphore, #tpu.memory_space<semaphore_mem>>)
      } else {
      }
      %scan3A_59 = arith.constant 0 : i32
      %scan3A_60 = arith.constant 0 : i32
      %scan3A_61 = arith.constant 64 : i32
      %scan3A_62 = arith.addi %scan3A_60, %scan3A_61 : i32
      %scan3A_63 = arith.constant 1 : i32
      scf.for %scan3A_65 = %scan3A_60 to %scan3A_62 step %scan3A_63  : i32 {
        %mul3A_66 = arith.constant 64 : i32
        %mul3A_67 = arith.muli %scan3A_65, %mul3A_66 : i32
        %add3A_68 = arith.constant 0 : i32
        %add3A_69 = arith.addi %mul3A_67, %add3A_68 : i32
        %get3A = arith.index_cast %add3A_69 : i32 to index
        %get3A_70 = tpu.vector_load %arg17[%get3A] {strides = array<i32>} : memref<4096xi32, #tpu.memory_space<vmem>>, vector<16xi32>,
        %get3A_71 = arith.index_cast %add3A_69 : i32 to index
        %get3A_72 = tpu.vector_load %arg18[%get3A_71] {strides = array<i32>} : memref<4096xi32, #tpu.memory_space<vmem>>, vector<16xi32>,
        %gather3A = tpu.vector_load_idx %arg7[%get3A_70] : memref<10240xf32, #tpu.memory_space<vmem>>[vector<16xi32>], vector<16xf32>,
        tpu.vector_store_idx %arg11[%get3A_72], %gather3A {add = true} : memref<10240xf32, #tpu.memory_space<vmem>>[vector<16xi32>], vector<16xf32>,
        %gather3A_73 = tpu.vector_load_idx %arg8[%get3A_70] : memref<10240xf32, #tpu.memory_space<vmem>>[vector<16xi32>], vector<16xf32>,
        tpu.vector_store_idx %arg12[%get3A_72], %gather3A_73 {add = true} : memref<10240xf32, #tpu.memory_space<vmem>>[vector<16xi32>], vector<16xf32>,
        %gather3A_74 = tpu.vector_load_idx %arg9[%get3A_70] : memref<10240xf32, #tpu.memory_space<vmem>>[vector<16xi32>], vector<16xf32>,
        tpu.vector_store_idx %arg13[%get3A_72], %gather3A_74 {add = true} : memref<10240xf32, #tpu.memory_space<vmem>>[vector<16xi32>], vector<16xf32>,
        %gather3A_75 = tpu.vector_load_idx %arg10[%get3A_70] : memref<10240xf32, #tpu.memory_space<vmem>>[vector<16xi32>], vector<16xf32>,
        tpu.vector_store_idx %arg14[%get3A_72], %gather3A_75 {add = true} : memref<10240xf32, #tpu.memory_space<vmem>>[vector<16xi32>], vector<16xf32>,
        %mul3A_76 = arith.constant 64 : i32
        %mul3A_77 = arith.muli %scan3A_65, %mul3A_76 : i32
        %add3A_78 = arith.constant 16 : i32
        %add3A_79 = arith.addi %mul3A_77, %add3A_78 : i32
        %get3A_80 = arith.index_cast %add3A_79 : i32 to index
        %get3A_81 = tpu.vector_load %arg17[%get3A_80] {strides = array<i32>} : memref<4096xi32, #tpu.memory_space<vmem>>, vector<16xi32>,
        %get3A_82 = arith.index_cast %add3A_79 : i32 to index
        %get3A_83 = tpu.vector_load %arg18[%get3A_82] {strides = array<i32>} : memref<4096xi32, #tpu.memory_space<vmem>>, vector<16xi32>,
        %gather3A_84 = tpu.vector_load_idx %arg7[%get3A_81] : memref<10240xf32, #tpu.memory_space<vmem>>[vector<16xi32>], vector<16xf32>,
        tpu.vector_store_idx %arg11[%get3A_83], %gather3A_84 {add = true} : memref<10240xf32, #tpu.memory_space<vmem>>[vector<16xi32>], vector<16xf32>,
        %gather3A_85 = tpu.vector_load_idx %arg8[%get3A_81] : memref<10240xf32, #tpu.memory_space<vmem>>[vector<16xi32>], vector<16xf32>,
        tpu.vector_store_idx %arg12[%get3A_83], %gather3A_85 {add = true} : memref<10240xf32, #tpu.memory_space<vmem>>[vector<16xi32>], vector<16xf32>,
        %gather3A_86 = tpu.vector_load_idx %arg9[%get3A_81] : memref<10240xf32, #tpu.memory_space<vmem>>[vector<16xi32>], vector<16xf32>,
        tpu.vector_store_idx %arg13[%get3A_83], %gather3A_86 {add = true} : memref<10240xf32, #tpu.memory_space<vmem>>[vector<16xi32>], vector<16xf32>,
        %gather3A_87 = tpu.vector_load_idx %arg10[%get3A_81] : memref<10240xf32, #tpu.memory_space<vmem>>[vector<16xi32>], vector<16xf32>,
        tpu.vector_store_idx %arg14[%get3A_83], %gather3A_87 {add = true} : memref<10240xf32, #tpu.memory_space<vmem>>[vector<16xi32>], vector<16xf32>,
        %mul3A_88 = arith.constant 64 : i32
        %mul3A_89 = arith.muli %scan3A_65, %mul3A_88 : i32
        %add3A_90 = arith.constant 32 : i32
        %add3A_91 = arith.addi %mul3A_89, %add3A_90 : i32
        %get3A_92 = arith.index_cast %add3A_91 : i32 to index
        %get3A_93 = tpu.vector_load %arg17[%get3A_92] {strides = array<i32>} : memref<4096xi32, #tpu.memory_space<vmem>>, vector<16xi32>,
        %get3A_94 = arith.index_cast %add3A_91 : i32 to index
        %get3A_95 = tpu.vector_load %arg18[%get3A_94] {strides = array<i32>} : memref<4096xi32, #tpu.memory_space<vmem>>, vector<16xi32>,
        %gather3A_96 = tpu.vector_load_idx %arg7[%get3A_93] : memref<10240xf32, #tpu.memory_space<vmem>>[vector<16xi32>], vector<16xf32>,
        tpu.vector_store_idx %arg11[%get3A_95], %gather3A_96 {add = true} : memref<10240xf32, #tpu.memory_space<vmem>>[vector<16xi32>], vector<16xf32>,
        %gather3A_97 = tpu.vector_load_idx %arg8[%get3A_93] : memref<10240xf32, #tpu.memory_space<vmem>>[vector<16xi32>], vector<16xf32>,
        tpu.vector_store_idx %arg12[%get3A_95], %gather3A_97 {add = true} : memref<10240xf32, #tpu.memory_space<vmem>>[vector<16xi32>], vector<16xf32>,
        %gather3A_98 = tpu.vector_load_idx %arg9[%get3A_93] : memref<10240xf32, #tpu.memory_space<vmem>>[vector<16xi32>], vector<16xf32>,
        tpu.vector_store_idx %arg13[%get3A_95], %gather3A_98 {add = true} : memref<10240xf32, #tpu.memory_space<vmem>>[vector<16xi32>], vector<16xf32>,
        %gather3A_99 = tpu.vector_load_idx %arg10[%get3A_93] : memref<10240xf32, #tpu.memory_space<vmem>>[vector<16xi32>], vector<16xf32>,
        tpu.vector_store_idx %arg14[%get3A_95], %gather3A_99 {add = true} : memref<10240xf32, #tpu.memory_space<vmem>>[vector<16xi32>], vector<16xf32>,
        %mul3A_100 = arith.constant 64 : i32
        %mul3A_101 = arith.muli %scan3A_65, %mul3A_100 : i32
        %add3A_102 = arith.constant 48 : i32
        %add3A_103 = arith.addi %mul3A_101, %add3A_102 : i32
        %get3A_104 = arith.index_cast %add3A_103 : i32 to index
        %get3A_105 = tpu.vector_load %arg17[%get3A_104] {strides = array<i32>} : memref<4096xi32, #tpu.memory_space<vmem>>, vector<16xi32>,
        %get3A_106 = arith.index_cast %add3A_103 : i32 to index
        %get3A_107 = tpu.vector_load %arg18[%get3A_106] {strides = array<i32>} : memref<4096xi32, #tpu.memory_space<vmem>>, vector<16xi32>,
        %gather3A_108 = tpu.vector_load_idx %arg7[%get3A_105] : memref<10240xf32, #tpu.memory_space<vmem>>[vector<16xi32>], vector<16xf32>,
        tpu.vector_store_idx %arg11[%get3A_107], %gather3A_108 {add = true} : memref<10240xf32, #tpu.memory_space<vmem>>[vector<16xi32>], vector<16xf32>,
        %gather3A_109 = tpu.vector_load_idx %arg8[%get3A_105] : memref<10240xf32, #tpu.memory_space<vmem>>[vector<16xi32>], vector<16xf32>,
        tpu.vector_store_idx %arg12[%get3A_107], %gather3A_109 {add = true} : memref<10240xf32, #tpu.memory_space<vmem>>[vector<16xi32>], vector<16xf32>,
        %gather3A_110 = tpu.vector_load_idx %arg9[%get3A_105] : memref<10240xf32, #tpu.memory_space<vmem>>[vector<16xi32>], vector<16xf32>,
        tpu.vector_store_idx %arg13[%get3A_107], %gather3A_110 {add = true} : memref<10240xf32, #tpu.memory_space<vmem>>[vector<16xi32>], vector<16xf32>,
        %gather3A_111 = tpu.vector_load_idx %arg10[%get3A_105] : memref<10240xf32, #tpu.memory_space<vmem>>[vector<16xi32>], vector<16xf32>,
        tpu.vector_store_idx %arg14[%get3A_107], %gather3A_111 {add = true} : memref<10240xf32, #tpu.memory_space<vmem>>[vector<16xi32>], vector<16xf32>,
      }
      %scan3A_64 = arith.constant 64 : i32
    }
    %scan3A_18 = arith.constant 40 : i32
    %run_scoped3A_19 = arith.constant 0 : i32
    "tpu.region"() ({
      %run_scoped3A_23 = tpu.sem_alloc : memref<!tpu.dma_semaphore, #tpu.memory_space<semaphore_mem>>
      %dma_start3A_24 = arith.constant 0 : i32
      %dma_start3A_25 = tpu.memref_slice %arg6[%arg0, %arg1, %run_scoped3A_19, %dma_start3A_24] : memref<2x16x4x10240xf32, #tpu.memory_space<hbm>> -> memref<1x1x1x10240xf32, #tpu.memory_space<hbm>>
      %dma_start3A_26 = tpu.memref_squeeze %dma_start3A_25 : memref<1x1x1x10240xf32, #tpu.memory_space<hbm>> -> memref<10240xf32, #tpu.memory_space<hbm>>
      %dma_start3A_27 = arith.constant 0 : i32
      %dma_start3A_28 = tpu.memref_slice %arg6[%arg0, %arg1, %run_scoped3A_19, %dma_start3A_27] : memref<2x16x4x10240xf32, #tpu.memory_space<hbm>> -> memref<1x1x1x10240xf32, #tpu.memory_space<hbm>>
      %dma_start3A_29 = tpu.memref_squeeze %dma_start3A_28 : memref<1x1x1x10240xf32, #tpu.memory_space<hbm>> -> memref<10240xf32, #tpu.memory_space<hbm>>
      tpu.enqueue_dma source(%arg11 : memref<10240xf32, #tpu.memory_space<vmem>>) target(%dma_start3A_29 : memref<10240xf32, #tpu.memory_space<hbm>>) target_semaphore(%run_scoped3A_23 : memref<!tpu.dma_semaphore, #tpu.memory_space<semaphore_mem>>)
      %dma_wait3A = arith.constant 0 : i32
      %dma_wait3A_30 = tpu.memref_slice %arg6[%arg0, %arg1, %run_scoped3A_19, %dma_wait3A] : memref<2x16x4x10240xf32, #tpu.memory_space<hbm>> -> memref<1x1x1x10240xf32, #tpu.memory_space<hbm>>
      %dma_wait3A_31 = tpu.memref_squeeze %dma_wait3A_30 : memref<1x1x1x10240xf32, #tpu.memory_space<hbm>> -> memref<10240xf32, #tpu.memory_space<hbm>>
      %dma_wait3A_32 = arith.constant 0 : i32
      %dma_wait3A_33 = tpu.memref_slice %arg6[%arg0, %arg1, %run_scoped3A_19, %dma_wait3A_32] : memref<2x16x4x10240xf32, #tpu.memory_space<hbm>> -> memref<1x1x1x10240xf32, #tpu.memory_space<hbm>>
      %dma_wait3A_34 = tpu.memref_squeeze %dma_wait3A_33 : memref<1x1x1x10240xf32, #tpu.memory_space<hbm>> -> memref<10240xf32, #tpu.memory_space<hbm>>
      tpu.wait_dma2 semaphore(%run_scoped3A_23 : memref<!tpu.dma_semaphore, #tpu.memory_space<semaphore_mem>>) src(%arg11 : memref<10240xf32, #tpu.memory_space<vmem>>) dst(%dma_wait3A_34 : memref<10240xf32, #tpu.memory_space<hbm>>)
      tpu.yield
    }) : () -> ()
    %run_scoped3A_20 = arith.constant 1 : i32
    "tpu.region"() ({
      %run_scoped3A_23 = tpu.sem_alloc : memref<!tpu.dma_semaphore, #tpu.memory_space<semaphore_mem>>
      %dma_start3A_24 = arith.constant 0 : i32
      %dma_start3A_25 = tpu.memref_slice %arg6[%arg0, %arg1, %run_scoped3A_20, %dma_start3A_24] : memref<2x16x4x10240xf32, #tpu.memory_space<hbm>> -> memref<1x1x1x10240xf32, #tpu.memory_space<hbm>>
      %dma_start3A_26 = tpu.memref_squeeze %dma_start3A_25 : memref<1x1x1x10240xf32, #tpu.memory_space<hbm>> -> memref<10240xf32, #tpu.memory_space<hbm>>
      %dma_start3A_27 = arith.constant 0 : i32
      %dma_start3A_28 = tpu.memref_slice %arg6[%arg0, %arg1, %run_scoped3A_20, %dma_start3A_27] : memref<2x16x4x10240xf32, #tpu.memory_space<hbm>> -> memref<1x1x1x10240xf32, #tpu.memory_space<hbm>>
      %dma_start3A_29 = tpu.memref_squeeze %dma_start3A_28 : memref<1x1x1x10240xf32, #tpu.memory_space<hbm>> -> memref<10240xf32, #tpu.memory_space<hbm>>
      tpu.enqueue_dma source(%arg12 : memref<10240xf32, #tpu.memory_space<vmem>>) target(%dma_start3A_29 : memref<10240xf32, #tpu.memory_space<hbm>>) target_semaphore(%run_scoped3A_23 : memref<!tpu.dma_semaphore, #tpu.memory_space<semaphore_mem>>)
      %dma_wait3A = arith.constant 0 : i32
      %dma_wait3A_30 = tpu.memref_slice %arg6[%arg0, %arg1, %run_scoped3A_20, %dma_wait3A] : memref<2x16x4x10240xf32, #tpu.memory_space<hbm>> -> memref<1x1x1x10240xf32, #tpu.memory_space<hbm>>
      %dma_wait3A_31 = tpu.memref_squeeze %dma_wait3A_30 : memref<1x1x1x10240xf32, #tpu.memory_space<hbm>> -> memref<10240xf32, #tpu.memory_space<hbm>>
      %dma_wait3A_32 = arith.constant 0 : i32
      %dma_wait3A_33 = tpu.memref_slice %arg6[%arg0, %arg1, %run_scoped3A_20, %dma_wait3A_32] : memref<2x16x4x10240xf32, #tpu.memory_space<hbm>> -> memref<1x1x1x10240xf32, #tpu.memory_space<hbm>>
      %dma_wait3A_34 = tpu.memref_squeeze %dma_wait3A_33 : memref<1x1x1x10240xf32, #tpu.memory_space<hbm>> -> memref<10240xf32, #tpu.memory_space<hbm>>
      tpu.wait_dma2 semaphore(%run_scoped3A_23 : memref<!tpu.dma_semaphore, #tpu.memory_space<semaphore_mem>>) src(%arg12 : memref<10240xf32, #tpu.memory_space<vmem>>) dst(%dma_wait3A_34 : memref<10240xf32, #tpu.memory_space<hbm>>)
      tpu.yield
    }) : () -> ()
    %run_scoped3A_21 = arith.constant 2 : i32
    "tpu.region"() ({
      %run_scoped3A_23 = tpu.sem_alloc : memref<!tpu.dma_semaphore, #tpu.memory_space<semaphore_mem>>
      %dma_start3A_24 = arith.constant 0 : i32
      %dma_start3A_25 = tpu.memref_slice %arg6[%arg0, %arg1, %run_scoped3A_21, %dma_start3A_24] : memref<2x16x4x10240xf32, #tpu.memory_space<hbm>> -> memref<1x1x1x10240xf32, #tpu.memory_space<hbm>>
      %dma_start3A_26 = tpu.memref_squeeze %dma_start3A_25 : memref<1x1x1x10240xf32, #tpu.memory_space<hbm>> -> memref<10240xf32, #tpu.memory_space<hbm>>
      %dma_start3A_27 = arith.constant 0 : i32
      %dma_start3A_28 = tpu.memref_slice %arg6[%arg0, %arg1, %run_scoped3A_21, %dma_start3A_27] : memref<2x16x4x10240xf32, #tpu.memory_space<hbm>> -> memref<1x1x1x10240xf32, #tpu.memory_space<hbm>>
      %dma_start3A_29 = tpu.memref_squeeze %dma_start3A_28 : memref<1x1x1x10240xf32, #tpu.memory_space<hbm>> -> memref<10240xf32, #tpu.memory_space<hbm>>
      tpu.enqueue_dma source(%arg13 : memref<10240xf32, #tpu.memory_space<vmem>>) target(%dma_start3A_29 : memref<10240xf32, #tpu.memory_space<hbm>>) target_semaphore(%run_scoped3A_23 : memref<!tpu.dma_semaphore, #tpu.memory_space<semaphore_mem>>)
      %dma_wait3A = arith.constant 0 : i32
      %dma_wait3A_30 = tpu.memref_slice %arg6[%arg0, %arg1, %run_scoped3A_21, %dma_wait3A] : memref<2x16x4x10240xf32, #tpu.memory_space<hbm>> -> memref<1x1x1x10240xf32, #tpu.memory_space<hbm>>
      %dma_wait3A_31 = tpu.memref_squeeze %dma_wait3A_30 : memref<1x1x1x10240xf32, #tpu.memory_space<hbm>> -> memref<10240xf32, #tpu.memory_space<hbm>>
      %dma_wait3A_32 = arith.constant 0 : i32
      %dma_wait3A_33 = tpu.memref_slice %arg6[%arg0, %arg1, %run_scoped3A_21, %dma_wait3A_32] : memref<2x16x4x10240xf32, #tpu.memory_space<hbm>> -> memref<1x1x1x10240xf32, #tpu.memory_space<hbm>>
      %dma_wait3A_34 = tpu.memref_squeeze %dma_wait3A_33 : memref<1x1x1x10240xf32, #tpu.memory_space<hbm>> -> memref<10240xf32, #tpu.memory_space<hbm>>
      tpu.wait_dma2 semaphore(%run_scoped3A_23 : memref<!tpu.dma_semaphore, #tpu.memory_space<semaphore_mem>>) src(%arg13 : memref<10240xf32, #tpu.memory_space<vmem>>) dst(%dma_wait3A_34 : memref<10240xf32, #tpu.memory_space<hbm>>)
      tpu.yield
    }) : () -> ()
    %run_scoped3A_22 = arith.constant 3 : i32
    "tpu.region"() ({
      %run_scoped3A_23 = tpu.sem_alloc : memref<!tpu.dma_semaphore, #tpu.memory_space<semaphore_mem>>
      %dma_start3A_24 = arith.constant 0 : i32
      %dma_start3A_25 = tpu.memref_slice %arg6[%arg0, %arg1, %run_scoped3A_22, %dma_start3A_24] : memref<2x16x4x10240xf32, #tpu.memory_space<hbm>> -> memref<1x1x1x10240xf32, #tpu.memory_space<hbm>>
      %dma_start3A_26 = tpu.memref_squeeze %dma_start3A_25 : memref<1x1x1x10240xf32, #tpu.memory_space<hbm>> -> memref<10240xf32, #tpu.memory_space<hbm>>
      %dma_start3A_27 = arith.constant 0 : i32
      %dma_start3A_28 = tpu.memref_slice %arg6[%arg0, %arg1, %run_scoped3A_22, %dma_start3A_27] : memref<2x16x4x10240xf32, #tpu.memory_space<hbm>> -> memref<1x1x1x10240xf32, #tpu.memory_space<hbm>>
      %dma_start3A_29 = tpu.memref_squeeze %dma_start3A_28 : memref<1x1x1x10240xf32, #tpu.memory_space<hbm>> -> memref<10240xf32, #tpu.memory_space<hbm>>
      tpu.enqueue_dma source(%arg14 : memref<10240xf32, #tpu.memory_space<vmem>>) target(%dma_start3A_29 : memref<10240xf32, #tpu.memory_space<hbm>>) target_semaphore(%run_scoped3A_23 : memref<!tpu.dma_semaphore, #tpu.memory_space<semaphore_mem>>)
      %dma_wait3A = arith.constant 0 : i32
      %dma_wait3A_30 = tpu.memref_slice %arg6[%arg0, %arg1, %run_scoped3A_22, %dma_wait3A] : memref<2x16x4x10240xf32, #tpu.memory_space<hbm>> -> memref<1x1x1x10240xf32, #tpu.memory_space<hbm>>
      %dma_wait3A_31 = tpu.memref_squeeze %dma_wait3A_30 : memref<1x1x1x10240xf32, #tpu.memory_space<hbm>> -> memref<10240xf32, #tpu.memory_space<hbm>>
      %dma_wait3A_32 = arith.constant 0 : i32
      %dma_wait3A_33 = tpu.memref_slice %arg6[%arg0, %arg1, %run_scoped3A_22, %dma_wait3A_32] : memref<2x16x4x10240xf32, #tpu.memory_space<hbm>> -> memref<1x1x1x10240xf32, #tpu.memory_space<hbm>>
      %dma_wait3A_34 = tpu.memref_squeeze %dma_wait3A_33 : memref<1x1x1x10240xf32, #tpu.memory_space<hbm>> -> memref<10240xf32, #tpu.memory_space<hbm>>
      tpu.wait_dma2 semaphore(%run_scoped3A_23 : memref<!tpu.dma_semaphore, #tpu.memory_space<semaphore_mem>>) src(%arg14 : memref<10240xf32, #tpu.memory_space<vmem>>) dst(%dma_wait3A_34 : memref<10240xf32, #tpu.memory_space<hbm>>)
      tpu.yield
    }) : () -> ()
    return
  }
}

#map = affine_map<(d0, d1) -> (0)>
#map1 = affine_map<(d0, d1) -> (0, 0, 0)>
module attributes {stable_mosaic.version = 14 : i64} {
  func.func @_sc_degree(%arg0: i32, %arg1: i32, %arg2: memref<327680xi32, #tpu.memory_space<hbm>>, %arg3: memref<2x16x10240xf32, #tpu.memory_space<hbm>>, %arg4: memref<10240xf32, #tpu.memory_space<vmem>>, %arg5: memref<1024xi32, #tpu.memory_space<vmem>>) attributes {dimension_semantics = [#tpu.dimension_semantics<core_parallel>, #tpu.dimension_semantics<subcore_parallel>], iteration_bounds = array<i64: 2, 16>, scalar_prefetch = 0 : i64, scratch_operands = 2 : i64, tpu.core_type = #tpu.core_type<sc_vector_subcore>, window_params = [{transform_indices = #map}, {transform_indices = #map1}]} {
    %mul3A = arith.constant 16 : i32
    %mul3A_0 = arith.muli %arg0, %mul3A : i32
    %add3A = arith.addi %mul3A_0, %arg1 : i32
    %scan3A = arith.constant 0 : i32
    %scan3A_1 = arith.constant 0 : i32
    %scan3A_2 = arith.constant 640 : i32
    %scan3A_3 = arith.addi %scan3A_1, %scan3A_2 : i32
    %scan3A_4 = arith.constant 1 : i32
    scf.for %scan3A_13 = %scan3A_1 to %scan3A_3 step %scan3A_4  : i32 {
      %broadcast_in_dim3A_14 = arith.constant 0.000000e+00 : f32
      %broadcast_in_dim3A_15 = vector.broadcast %broadcast_in_dim3A_14 : f32 to vector<16xf32>
      %mul3A_16 = arith.constant 16 : i32
      %mul3A_17 = arith.muli %scan3A_13, %mul3A_16 : i32
      %swap3A = arith.index_cast %mul3A_17 : i32 to index
      %swap3A_18 = tpu.vector_load %arg4[%swap3A] {strides = array<i32>} : memref<10240xf32, #tpu.memory_space<vmem>>, vector<16xf32>,
      tpu.vector_store %arg4[%swap3A], %broadcast_in_dim3A_15 {strides = array<i32>} : memref<10240xf32, #tpu.memory_space<vmem>>, vector<16xf32>,
    }
    %scan3A_5 = arith.constant 640 : i32
    %broadcast_in_dim3A = arith.constant 1.000000e+00 : f32
    %broadcast_in_dim3A_6 = vector.broadcast %broadcast_in_dim3A : f32 to vector<16xf32>
    %scan3A_7 = arith.constant 0 : i32
    %scan3A_8 = arith.constant 0 : i32
    %scan3A_9 = arith.constant 10 : i32
    %scan3A_10 = arith.addi %scan3A_8, %scan3A_9 : i32
    %scan3A_11 = arith.constant 1 : i32
    scf.for %scan3A_13 = %scan3A_8 to %scan3A_10 step %scan3A_11  : i32 {
      %mul3A_14 = arith.constant 10240 : i32
      %mul3A_15 = arith.muli %add3A, %mul3A_14 : i32
      %mul3A_16 = arith.constant 1024 : i32
      %mul3A_17 = arith.muli %scan3A_13, %mul3A_16 : i32
      %add3A_18 = arith.addi %mul3A_15, %mul3A_17 : i32
      "tpu.region"() ({
        %run_scoped3A = tpu.sem_alloc : memref<!tpu.dma_semaphore, #tpu.memory_space<semaphore_mem>>
        %dma_start3A = tpu.memref_slice %arg2[%add3A_18] : memref<327680xi32, #tpu.memory_space<hbm>> -> memref<1024xi32, #tpu.memory_space<hbm>>
        %dma_start3A_24 = tpu.memref_slice %arg2[%add3A_18] : memref<327680xi32, #tpu.memory_space<hbm>> -> memref<1024xi32, #tpu.memory_space<hbm>>
        tpu.enqueue_dma source(%dma_start3A_24 : memref<1024xi32, #tpu.memory_space<hbm>>) target(%arg5 : memref<1024xi32, #tpu.memory_space<vmem>>) target_semaphore(%run_scoped3A : memref<!tpu.dma_semaphore, #tpu.memory_space<semaphore_mem>>)
        %dma_wait3A = tpu.memref_slice %arg2[%add3A_18] : memref<327680xi32, #tpu.memory_space<hbm>> -> memref<1024xi32, #tpu.memory_space<hbm>>
        %dma_wait3A_25 = tpu.memref_slice %arg2[%add3A_18] : memref<327680xi32, #tpu.memory_space<hbm>> -> memref<1024xi32, #tpu.memory_space<hbm>>
        tpu.wait_dma2 semaphore(%run_scoped3A : memref<!tpu.dma_semaphore, #tpu.memory_space<semaphore_mem>>) src(%dma_wait3A_25 : memref<1024xi32, #tpu.memory_space<hbm>>) dst(%arg5 : memref<1024xi32, #tpu.memory_space<vmem>>)
        tpu.yield
      }) : () -> ()
      %scan3A_19 = arith.constant 0 : i32
      %scan3A_20 = arith.constant 64 : i32
      %scan3A_21 = arith.addi %scan3A_19, %scan3A_20 : i32
      %scan3A_22 = arith.constant 1 : i32
      scf.for %scan3A_24 = %scan3A_19 to %scan3A_21 step %scan3A_22  : i32 {
        %mul3A_25 = arith.constant 16 : i32
        %mul3A_26 = arith.muli %scan3A_24, %mul3A_25 : i32
        %get3A = arith.index_cast %mul3A_26 : i32 to index
        %get3A_27 = tpu.vector_load %arg5[%get3A] {strides = array<i32>} : memref<1024xi32, #tpu.memory_space<vmem>>, vector<16xi32>,
        tpu.vector_store_idx %arg4[%get3A_27], %broadcast_in_dim3A_6 {add = true} : memref<10240xf32, #tpu.memory_space<vmem>>[vector<16xi32>], vector<16xf32>,
      }
      %scan3A_23 = arith.constant 64 : i32
    }
    %scan3A_12 = arith.constant 10 : i32
    "tpu.region"() ({
      %run_scoped3A = tpu.sem_alloc : memref<!tpu.dma_semaphore, #tpu.memory_space<semaphore_mem>>
      %dma_start3A = arith.constant 0 : i32
      %dma_start3A_13 = tpu.memref_slice %arg3[%arg0, %arg1, %dma_start3A] : memref<2x16x10240xf32, #tpu.memory_space<hbm>> -> memref<1x1x10240xf32, #tpu.memory_space<hbm>>
      %dma_start3A_14 = tpu.memref_squeeze %dma_start3A_13 : memref<1x1x10240xf32, #tpu.memory_space<hbm>> -> memref<10240xf32, #tpu.memory_space<hbm>>
      %dma_start3A_15 = arith.constant 0 : i32
      %dma_start3A_16 = tpu.memref_slice %arg3[%arg0, %arg1, %dma_start3A_15] : memref<2x16x10240xf32, #tpu.memory_space<hbm>> -> memref<1x1x10240xf32, #tpu.memory_space<hbm>>
      %dma_start3A_17 = tpu.memref_squeeze %dma_start3A_16 : memref<1x1x10240xf32, #tpu.memory_space<hbm>> -> memref<10240xf32, #tpu.memory_space<hbm>>
      tpu.enqueue_dma source(%arg4 : memref<10240xf32, #tpu.memory_space<vmem>>) target(%dma_start3A_17 : memref<10240xf32, #tpu.memory_space<hbm>>) target_semaphore(%run_scoped3A : memref<!tpu.dma_semaphore, #tpu.memory_space<semaphore_mem>>)
      %dma_wait3A = arith.constant 0 : i32
      %dma_wait3A_18 = tpu.memref_slice %arg3[%arg0, %arg1, %dma_wait3A] : memref<2x16x10240xf32, #tpu.memory_space<hbm>> -> memref<1x1x10240xf32, #tpu.memory_space<hbm>>
      %dma_wait3A_19 = tpu.memref_squeeze %dma_wait3A_18 : memref<1x1x10240xf32, #tpu.memory_space<hbm>> -> memref<10240xf32, #tpu.memory_space<hbm>>
      %dma_wait3A_20 = arith.constant 0 : i32
      %dma_wait3A_21 = tpu.memref_slice %arg3[%arg0, %arg1, %dma_wait3A_20] : memref<2x16x10240xf32, #tpu.memory_space<hbm>> -> memref<1x1x10240xf32, #tpu.memory_space<hbm>>
      %dma_wait3A_22 = tpu.memref_squeeze %dma_wait3A_21 : memref<1x1x10240xf32, #tpu.memory_space<hbm>> -> memref<10240xf32, #tpu.memory_space<hbm>>
      tpu.wait_dma2 semaphore(%run_scoped3A : memref<!tpu.dma_semaphore, #tpu.memory_space<semaphore_mem>>) src(%arg4 : memref<10240xf32, #tpu.memory_space<vmem>>) dst(%dma_wait3A_22 : memref<10240xf32, #tpu.memory_space<hbm>>)
      tpu.yield
    }) : () -> ()
    return
  }
}

module attributes {stable_mosaic.version = 14 : i64} {
  func.func @_tc_pre_body(%arg0: i32, %arg1: i32, %arg2: i32, %arg3: memref<2x16x512xf32, #tpu.memory_space<vmem>>, %arg4: memref<512x128xf32, #tpu.memory_space<vmem>>, %arg5: memref<1x1x128x4xf32, #tpu.memory_space<vmem>>, %arg6: memref<1x1x4x512xf32, #tpu.memory_space<vmem>>, %arg7: memref<1x1x4x512xf32, #tpu.memory_space<vmem>>, %arg8: memref<512x1xf32, #tpu.memory_space<vmem>>, %arg9: memref<512x1xf32, #tpu.memory_space<vmem>>) attributes {dimension_semantics = [#tpu.dimension_semantics<arbitrary>, #tpu.dimension_semantics<arbitrary>, #tpu.dimension_semantics<arbitrary>], iteration_bounds = array<i64: 20, 2, 16>, scalar_prefetch = 0 : i64, scratch_operands = 1 : i64, tpu.core_type = #tpu.core_type<tc>, window_params = [{transform_indices = @transform_0, window_bounds = array<i64: 2, 16, 512>}, {transform_indices = @transform_1, window_bounds = array<i64: 512, 128>}, {transform_indices = @transform_2, window_bounds = array<i64: 1, 1, 128, 4>}, {transform_indices = @transform_3, window_bounds = array<i64: 1, 1, 4, 512>}, {transform_indices = @transform_4, window_bounds = array<i64: 1, 1, 4, 512>}, {transform_indices = @transform_5, window_bounds = array<i64: 512, 1>}]} {
    %eq3A = arith.constant 0 : i32
    %eq3A_0 = arith.cmpi eq, %arg2, %eq3A : i32
    %eq3A_1 = arith.constant 0 : i32
    %eq3A_2 = arith.cmpi eq, %arg1, %eq3A_1 : i32
    %and3A = arith.andi %eq3A_0, %eq3A_2 : i1
    %convert_element_type3A = arith.extui %and3A : i1 to i32
    %cond3A = arith.constant 0 : i32
    %cond3A_3 = arith.cmpi ne, %convert_element_type3A, %cond3A : i32
    scf.if %cond3A_3 {
      %get3A_31 = arith.constant 0 : index
      %get3A_32 = arith.constant 0 : index
      %get3A_33 = arith.constant 0 : index
      %get3A_34 = vector.load %arg3[%get3A_31, %get3A_32, %get3A_33] : memref<2x16x512xf32, #tpu.memory_space<vmem>>, vector<2x16x512xf32>
      %reduce_sum3A = arith.constant dense<0.000000e+00> : vector<512xf32>
      %reduce_sum3A_35 = vector.multi_reduction <add>, %get3A_34, %reduce_sum3A [0, 1] : vector<2x16x512xf32> to vector<512xf32>
      %broadcast_in_dim3A_36 = vector.shape_cast %reduce_sum3A_35 : vector<512xf32> to vector<1x512xf32>
      %add3A = arith.constant 1.000000e+00 : f32
      %add3A_37 = vector.broadcast %add3A : f32 to vector<1x512xf32>
      %add3A_38 = arith.addf %broadcast_in_dim3A_36, %add3A_37 : vector<1x512xf32>
      %sqrt3A = math.sqrt %add3A_38 : vector<1x512xf32>
      %div3A = arith.constant 1.000000e+00 : f32
      %div3A_39 = vector.broadcast %div3A : f32 to vector<1x512xf32>
      %div3A_40 = arith.divf %div3A_39, %sqrt3A : vector<1x512xf32>
      %transpose3A_41 = tpu.transpose %div3A_40, [1, 0] : vector<1x512xf32> -> vector<512x1xf32>
      %swap3A_42 = arith.constant 0 : index
      %swap3A_43 = arith.constant 0 : index
      %swap3A_44 = vector.load %arg9[%swap3A_42, %swap3A_43] : memref<512x1xf32, #tpu.memory_space<vmem>>, vector<512x1xf32>
      tpu.vector_store %arg9[%swap3A_42, %swap3A_43], %transpose3A_41 {strides = array<i32>} : memref<512x1xf32, #tpu.memory_space<vmem>>, vector<512x1xf32>,
      %swap3A_45 = arith.constant 0 : index
      %swap3A_46 = arith.constant 0 : index
      %swap3A_47 = vector.load %arg8[%swap3A_45, %swap3A_46] : memref<512x1xf32, #tpu.memory_space<vmem>>, vector<512x1xf32>
      tpu.vector_store %arg8[%swap3A_45, %swap3A_46], %transpose3A_41 {strides = array<i32>} : memref<512x1xf32, #tpu.memory_space<vmem>>, vector<512x1xf32>,
    } else {
    }
    %get3A = arith.constant 0 : index
    %get3A_4 = arith.constant 0 : index
    %get3A_5 = vector.load %arg9[%get3A, %get3A_4] : memref<512x1xf32, #tpu.memory_space<vmem>>, vector<512x1xf32>
    %get3A_6 = arith.constant 0 : index
    %get3A_7 = arith.constant 0 : index
    %get3A_8 = vector.load %arg4[%get3A_6, %get3A_7] : memref<512x128xf32, #tpu.memory_space<vmem>>, vector<512x128xf32>
    %get3A_9 = arith.constant 0 : index
    %get3A_10 = arith.constant 0 : index
    %get3A_11 = arith.constant 0 : index
    %get3A_12 = arith.constant 0 : index
    %get3A_13 = vector.load %arg5[%get3A_9, %get3A_10, %get3A_11, %get3A_12] : memref<1x1x128x4xf32, #tpu.memory_space<vmem>>, vector<1x1x128x4xf32>
    %get3A_14 = vector.shape_cast %get3A_13 : vector<1x1x128x4xf32> to vector<128x4xf32>
    %dot_general3A = arith.constant dense<0.000000e+00> : vector<512x4xf32>
    %dot_general3A_15 = tpu.matmul %get3A_8, %get3A_14, %dot_general3A {dimension_numbers = #tpu.dot_dimension_numbers<[1], [0], [0], [1], [0, 0, 1, 1], [], []>, transpose_lhs_hint = false} : vector<512x128xf32>, vector<128x4xf32>, vector<512x4xf32> -> vector<512x4xf32>
    %mul3A = vector.broadcast %get3A_5 : vector<512x1xf32> to vector<512x4xf32>
    %mul3A_16 = arith.mulf %dot_general3A_15, %mul3A : vector<512x4xf32>
    %transpose3A = tpu.transpose %mul3A_16, [1, 0] : vector<512x4xf32> -> vector<4x512xf32>
    %broadcast_in_dim3A = vector.shape_cast %transpose3A : vector<4x512xf32> to vector<1x1x4x512xf32>
    %swap3A = arith.constant 0 : index
    %swap3A_17 = arith.constant 0 : index
    %swap3A_18 = arith.constant 0 : index
    %swap3A_19 = arith.constant 0 : index
    %swap3A_20 = vector.load %arg6[%swap3A, %swap3A_17, %swap3A_18, %swap3A_19] : memref<1x1x4x512xf32, #tpu.memory_space<vmem>>, vector<1x1x4x512xf32>
    tpu.vector_store %arg6[%swap3A, %swap3A_17, %swap3A_18, %swap3A_19], %broadcast_in_dim3A {strides = array<i32>} : memref<1x1x4x512xf32, #tpu.memory_space<vmem>>, vector<1x1x4x512xf32>,
    %mul3A_21 = arith.mulf %get3A_5, %get3A_5 : vector<512x1xf32>
    %mul3A_22 = vector.broadcast %mul3A_21 : vector<512x1xf32> to vector<512x4xf32>
    %mul3A_23 = arith.mulf %mul3A_16, %mul3A_22 : vector<512x4xf32>
    %transpose3A_24 = tpu.transpose %mul3A_23, [1, 0] : vector<512x4xf32> -> vector<4x512xf32>
    %broadcast_in_dim3A_25 = vector.shape_cast %transpose3A_24 : vector<4x512xf32> to vector<1x1x4x512xf32>
    %swap3A_26 = arith.constant 0 : index
    %swap3A_27 = arith.constant 0 : index
    %swap3A_28 = arith.constant 0 : index
    %swap3A_29 = arith.constant 0 : index
    %swap3A_30 = vector.load %arg7[%swap3A_26, %swap3A_27, %swap3A_28, %swap3A_29] : memref<1x1x4x512xf32, #tpu.memory_space<vmem>>, vector<1x1x4x512xf32>
    tpu.vector_store %arg7[%swap3A_26, %swap3A_27, %swap3A_28, %swap3A_29], %broadcast_in_dim3A_25 {strides = array<i32>} : memref<1x1x4x512xf32, #tpu.memory_space<vmem>>, vector<1x1x4x512xf32>,
    return
  }
  func.func @transform_0(%arg0: i32, %arg1: i32, %arg2: i32) -> (i32, i32, i32) {
    %c0_i32 = arith.constant 0 : i32
    %c0_i32_0 = arith.constant 0 : i32
    %c0_i32_1 = arith.constant 0 : i32
    return %c0_i32, %c0_i32_0, %arg0 : i32, i32, i32
  }
  func.func @transform_1(%arg0: i32, %arg1: i32, %arg2: i32) -> (i32, i32) {
    %c0_i32 = arith.constant 0 : i32
    %c0_i32_0 = arith.constant 0 : i32
    return %arg0, %c0_i32 : i32, i32
  }
  func.func @transform_2(%arg0: i32, %arg1: i32, %arg2: i32) -> (i32, i32, i32, i32) {
    %c0_i32 = arith.constant 0 : i32
    %c0_i32_0 = arith.constant 0 : i32
    %c0_i32_1 = arith.constant 0 : i32
    return %arg1, %arg2, %c0_i32, %c0_i32_0 : i32, i32, i32, i32
  }
  func.func @transform_3(%arg0: i32, %arg1: i32, %arg2: i32) -> (i32, i32, i32, i32) {
    %c0_i32 = arith.constant 0 : i32
    %c0_i32_0 = arith.constant 0 : i32
    return %arg1, %arg2, %c0_i32, %arg0 : i32, i32, i32, i32
  }
  func.func @transform_4(%arg0: i32, %arg1: i32, %arg2: i32) -> (i32, i32, i32, i32) {
    %c0_i32 = arith.constant 0 : i32
    %c0_i32_0 = arith.constant 0 : i32
    return %arg1, %arg2, %c0_i32, %arg0 : i32, i32, i32, i32
  }
  func.func @transform_5(%arg0: i32, %arg1: i32, %arg2: i32) -> (i32, i32) {
    %c0_i32 = arith.constant 0 : i32
    %c0_i32_0 = arith.constant 0 : i32
    return %arg0, %c0_i32 : i32, i32
  }
}

module attributes {stable_mosaic.version = 14 : i64} {
  func.func @_tc_mid_body(%arg0: i32, %arg1: i32, %arg2: i32, %arg3: memref<2x16x4x512xf32, #tpu.memory_space<vmem>>, %arg4: memref<512x1xf32, #tpu.memory_space<vmem>>, %arg5: memref<128xf32, #tpu.memory_space<vmem>>, %arg6: memref<1x1x128x4xf32, #tpu.memory_space<vmem>>, %arg7: memref<1x1x4x512xf32, #tpu.memory_space<vmem>>, %arg8: memref<1x1x4x512xf32, #tpu.memory_space<vmem>>, %arg9: memref<512x128xf32, #tpu.memory_space<vmem>>) attributes {dimension_semantics = [#tpu.dimension_semantics<arbitrary>, #tpu.dimension_semantics<arbitrary>, #tpu.dimension_semantics<arbitrary>], iteration_bounds = array<i64: 20, 2, 16>, scalar_prefetch = 0 : i64, scratch_operands = 1 : i64, tpu.core_type = #tpu.core_type<tc>, window_params = [{transform_indices = @transform_0, window_bounds = array<i64: 2, 16, 4, 512>}, {transform_indices = @transform_1, window_bounds = array<i64: 512, 1>}, {pipeline_mode = #tpu.pipeline_mode<synchronous>, transform_indices = @transform_2, window_bounds = array<i64: 128>}, {transform_indices = @transform_3, window_bounds = array<i64: 1, 1, 128, 4>}, {transform_indices = @transform_4, window_bounds = array<i64: 1, 1, 4, 512>}, {transform_indices = @transform_5, window_bounds = array<i64: 1, 1, 4, 512>}]} {
    %get3A = arith.constant 0 : index
    %get3A_0 = arith.constant 0 : index
    %get3A_1 = vector.load %arg4[%get3A, %get3A_0] : memref<512x1xf32, #tpu.memory_space<vmem>>, vector<512x1xf32>
    %eq3A = arith.constant 0 : i32
    %eq3A_2 = arith.cmpi eq, %arg2, %eq3A : i32
    %eq3A_3 = arith.constant 0 : i32
    %eq3A_4 = arith.cmpi eq, %arg1, %eq3A_3 : i32
    %and3A = arith.andi %eq3A_2, %eq3A_4 : i1
    %convert_element_type3A = arith.extui %and3A : i1 to i32
    %cond3A = arith.constant 0 : i32
    %cond3A_5 = arith.cmpi ne, %convert_element_type3A, %cond3A : i32
    scf.if %cond3A_5 {
      %get3A_31 = arith.constant 0 : index
      %get3A_32 = arith.constant 0 : index
      %get3A_33 = arith.constant 0 : index
      %get3A_34 = arith.constant 0 : index
      %get3A_35 = vector.load %arg3[%get3A_31, %get3A_32, %get3A_33, %get3A_34] : memref<2x16x4x512xf32, #tpu.memory_space<vmem>>, vector<1x1x4x512xf32>
      %get3A_36 = vector.shape_cast %get3A_35 : vector<1x1x4x512xf32> to vector<4x512xf32>
      %transpose3A_37 = tpu.transpose %get3A_36, [1, 0] : vector<4x512xf32> -> vector<512x4xf32>
      %get3A_38 = arith.constant 0 : index
      %get3A_39 = arith.constant 1 : index
      %get3A_40 = arith.constant 0 : index
      %get3A_41 = arith.constant 0 : index
      %get3A_42 = vector.load %arg3[%get3A_38, %get3A_39, %get3A_40, %get3A_41] : memref<2x16x4x512xf32, #tpu.memory_space<vmem>>, vector<1x1x4x512xf32>
      %get3A_43 = vector.shape_cast %get3A_42 : vector<1x1x4x512xf32> to vector<4x512xf32>
      %transpose3A_44 = tpu.transpose %get3A_43, [1, 0] : vector<4x512xf32> -> vector<512x4xf32>
      %get3A_45 = arith.constant 0 : index
      %get3A_46 = arith.constant 2 : index
      %get3A_47 = arith.constant 0 : index
      %get3A_48 = arith.constant 0 : index
      %get3A_49 = vector.load %arg3[%get3A_45, %get3A_46, %get3A_47, %get3A_48] : memref<2x16x4x512xf32, #tpu.memory_space<vmem>>, vector<1x1x4x512xf32>
      %get3A_50 = vector.shape_cast %get3A_49 : vector<1x1x4x512xf32> to vector<4x512xf32>
      %transpose3A_51 = tpu.transpose %get3A_50, [1, 0] : vector<4x512xf32> -> vector<512x4xf32>
      %get3A_52 = arith.constant 0 : index
      %get3A_53 = arith.constant 3 : index
      %get3A_54 = arith.constant 0 : index
      %get3A_55 = arith.constant 0 : index
      %get3A_56 = vector.load %arg3[%get3A_52, %get3A_53, %get3A_54, %get3A_55] : memref<2x16x4x512xf32, #tpu.memory_space<vmem>>, vector<1x1x4x512xf32>
      %get3A_57 = vector.shape_cast %get3A_56 : vector<1x1x4x512xf32> to vector<4x512xf32>
      %transpose3A_58 = tpu.transpose %get3A_57, [1, 0] : vector<4x512xf32> -> vector<512x4xf32>
      %get3A_59 = arith.constant 0 : index
      %get3A_60 = arith.constant 4 : index
      %get3A_61 = arith.constant 0 : index
      %get3A_62 = arith.constant 0 : index
      %get3A_63 = vector.load %arg3[%get3A_59, %get3A_60, %get3A_61, %get3A_62] : memref<2x16x4x512xf32, #tpu.memory_space<vmem>>, vector<1x1x4x512xf32>
      %get3A_64 = vector.shape_cast %get3A_63 : vector<1x1x4x512xf32> to vector<4x512xf32>
      %transpose3A_65 = tpu.transpose %get3A_64, [1, 0] : vector<4x512xf32> -> vector<512x4xf32>
      %get3A_66 = arith.constant 0 : index
      %get3A_67 = arith.constant 5 : index
      %get3A_68 = arith.constant 0 : index
      %get3A_69 = arith.constant 0 : index
      %get3A_70 = vector.load %arg3[%get3A_66, %get3A_67, %get3A_68, %get3A_69] : memref<2x16x4x512xf32, #tpu.memory_space<vmem>>, vector<1x1x4x512xf32>
      %get3A_71 = vector.shape_cast %get3A_70 : vector<1x1x4x512xf32> to vector<4x512xf32>
      %transpose3A_72 = tpu.transpose %get3A_71, [1, 0] : vector<4x512xf32> -> vector<512x4xf32>
      %get3A_73 = arith.constant 0 : index
      %get3A_74 = arith.constant 6 : index
      %get3A_75 = arith.constant 0 : index
      %get3A_76 = arith.constant 0 : index
      %get3A_77 = vector.load %arg3[%get3A_73, %get3A_74, %get3A_75, %get3A_76] : memref<2x16x4x512xf32, #tpu.memory_space<vmem>>, vector<1x1x4x512xf32>
      %get3A_78 = vector.shape_cast %get3A_77 : vector<1x1x4x512xf32> to vector<4x512xf32>
      %transpose3A_79 = tpu.transpose %get3A_78, [1, 0] : vector<4x512xf32> -> vector<512x4xf32>
      %get3A_80 = arith.constant 0 : index
      %get3A_81 = arith.constant 7 : index
      %get3A_82 = arith.constant 0 : index
      %get3A_83 = arith.constant 0 : index
      %get3A_84 = vector.load %arg3[%get3A_80, %get3A_81, %get3A_82, %get3A_83] : memref<2x16x4x512xf32, #tpu.memory_space<vmem>>, vector<1x1x4x512xf32>
      %get3A_85 = vector.shape_cast %get3A_84 : vector<1x1x4x512xf32> to vector<4x512xf32>
      %transpose3A_86 = tpu.transpose %get3A_85, [1, 0] : vector<4x512xf32> -> vector<512x4xf32>
      %get3A_87 = arith.constant 0 : index
      %get3A_88 = arith.constant 8 : index
      %get3A_89 = arith.constant 0 : index
      %get3A_90 = arith.constant 0 : index
      %get3A_91 = vector.load %arg3[%get3A_87, %get3A_88, %get3A_89, %get3A_90] : memref<2x16x4x512xf32, #tpu.memory_space<vmem>>, vector<1x1x4x512xf32>
      %get3A_92 = vector.shape_cast %get3A_91 : vector<1x1x4x512xf32> to vector<4x512xf32>
      %transpose3A_93 = tpu.transpose %get3A_92, [1, 0] : vector<4x512xf32> -> vector<512x4xf32>
      %get3A_94 = arith.constant 0 : index
      %get3A_95 = arith.constant 9 : index
      %get3A_96 = arith.constant 0 : index
      %get3A_97 = arith.constant 0 : index
      %get3A_98 = vector.load %arg3[%get3A_94, %get3A_95, %get3A_96, %get3A_97] : memref<2x16x4x512xf32, #tpu.memory_space<vmem>>, vector<1x1x4x512xf32>
      %get3A_99 = vector.shape_cast %get3A_98 : vector<1x1x4x512xf32> to vector<4x512xf32>
      %transpose3A_100 = tpu.transpose %get3A_99, [1, 0] : vector<4x512xf32> -> vector<512x4xf32>
      %get3A_101 = arith.constant 0 : index
      %get3A_102 = arith.constant 10 : index
      %get3A_103 = arith.constant 0 : index
      %get3A_104 = arith.constant 0 : index
      %get3A_105 = vector.load %arg3[%get3A_101, %get3A_102, %get3A_103, %get3A_104] : memref<2x16x4x512xf32, #tpu.memory_space<vmem>>, vector<1x1x4x512xf32>
      %get3A_106 = vector.shape_cast %get3A_105 : vector<1x1x4x512xf32> to vector<4x512xf32>
      %transpose3A_107 = tpu.transpose %get3A_106, [1, 0] : vector<4x512xf32> -> vector<512x4xf32>
      %get3A_108 = arith.constant 0 : index
      %get3A_109 = arith.constant 11 : index
      %get3A_110 = arith.constant 0 : index
      %get3A_111 = arith.constant 0 : index
      %get3A_112 = vector.load %arg3[%get3A_108, %get3A_109, %get3A_110, %get3A_111] : memref<2x16x4x512xf32, #tpu.memory_space<vmem>>, vector<1x1x4x512xf32>
      %get3A_113 = vector.shape_cast %get3A_112 : vector<1x1x4x512xf32> to vector<4x512xf32>
      %transpose3A_114 = tpu.transpose %get3A_113, [1, 0] : vector<4x512xf32> -> vector<512x4xf32>
      %get3A_115 = arith.constant 0 : index
      %get3A_116 = arith.constant 12 : index
      %get3A_117 = arith.constant 0 : index
      %get3A_118 = arith.constant 0 : index
      %get3A_119 = vector.load %arg3[%get3A_115, %get3A_116, %get3A_117, %get3A_118] : memref<2x16x4x512xf32, #tpu.memory_space<vmem>>, vector<1x1x4x512xf32>
      %get3A_120 = vector.shape_cast %get3A_119 : vector<1x1x4x512xf32> to vector<4x512xf32>
      %transpose3A_121 = tpu.transpose %get3A_120, [1, 0] : vector<4x512xf32> -> vector<512x4xf32>
      %get3A_122 = arith.constant 0 : index
      %get3A_123 = arith.constant 13 : index
      %get3A_124 = arith.constant 0 : index
      %get3A_125 = arith.constant 0 : index
      %get3A_126 = vector.load %arg3[%get3A_122, %get3A_123, %get3A_124, %get3A_125] : memref<2x16x4x512xf32, #tpu.memory_space<vmem>>, vector<1x1x4x512xf32>
      %get3A_127 = vector.shape_cast %get3A_126 : vector<1x1x4x512xf32> to vector<4x512xf32>
      %transpose3A_128 = tpu.transpose %get3A_127, [1, 0] : vector<4x512xf32> -> vector<512x4xf32>
      %get3A_129 = arith.constant 0 : index
      %get3A_130 = arith.constant 14 : index
      %get3A_131 = arith.constant 0 : index
      %get3A_132 = arith.constant 0 : index
      %get3A_133 = vector.load %arg3[%get3A_129, %get3A_130, %get3A_131, %get3A_132] : memref<2x16x4x512xf32, #tpu.memory_space<vmem>>, vector<1x1x4x512xf32>
      %get3A_134 = vector.shape_cast %get3A_133 : vector<1x1x4x512xf32> to vector<4x512xf32>
      %transpose3A_135 = tpu.transpose %get3A_134, [1, 0] : vector<4x512xf32> -> vector<512x4xf32>
      %get3A_136 = arith.constant 0 : index
      %get3A_137 = arith.constant 15 : index
      %get3A_138 = arith.constant 0 : index
      %get3A_139 = arith.constant 0 : index
      %get3A_140 = vector.load %arg3[%get3A_136, %get3A_137, %get3A_138, %get3A_139] : memref<2x16x4x512xf32, #tpu.memory_space<vmem>>, vector<1x1x4x512xf32>
      %get3A_141 = vector.shape_cast %get3A_140 : vector<1x1x4x512xf32> to vector<4x512xf32>
      %transpose3A_142 = tpu.transpose %get3A_141, [1, 0] : vector<4x512xf32> -> vector<512x4xf32>
      %get3A_143 = arith.constant 1 : index
      %get3A_144 = arith.constant 0 : index
      %get3A_145 = arith.constant 0 : index
      %get3A_146 = arith.constant 0 : index
      %get3A_147 = vector.load %arg3[%get3A_143, %get3A_144, %get3A_145, %get3A_146] : memref<2x16x4x512xf32, #tpu.memory_space<vmem>>, vector<1x1x4x512xf32>
      %get3A_148 = vector.shape_cast %get3A_147 : vector<1x1x4x512xf32> to vector<4x512xf32>
      %transpose3A_149 = tpu.transpose %get3A_148, [1, 0] : vector<4x512xf32> -> vector<512x4xf32>
      %get3A_150 = arith.constant 1 : index
      %get3A_151 = arith.constant 1 : index
      %get3A_152 = arith.constant 0 : index
      %get3A_153 = arith.constant 0 : index
      %get3A_154 = vector.load %arg3[%get3A_150, %get3A_151, %get3A_152, %get3A_153] : memref<2x16x4x512xf32, #tpu.memory_space<vmem>>, vector<1x1x4x512xf32>
      %get3A_155 = vector.shape_cast %get3A_154 : vector<1x1x4x512xf32> to vector<4x512xf32>
      %transpose3A_156 = tpu.transpose %get3A_155, [1, 0] : vector<4x512xf32> -> vector<512x4xf32>
      %get3A_157 = arith.constant 1 : index
      %get3A_158 = arith.constant 2 : index
      %get3A_159 = arith.constant 0 : index
      %get3A_160 = arith.constant 0 : index
      %get3A_161 = vector.load %arg3[%get3A_157, %get3A_158, %get3A_159, %get3A_160] : memref<2x16x4x512xf32, #tpu.memory_space<vmem>>, vector<1x1x4x512xf32>
      %get3A_162 = vector.shape_cast %get3A_161 : vector<1x1x4x512xf32> to vector<4x512xf32>
      %transpose3A_163 = tpu.transpose %get3A_162, [1, 0] : vector<4x512xf32> -> vector<512x4xf32>
      %get3A_164 = arith.constant 1 : index
      %get3A_165 = arith.constant 3 : index
      %get3A_166 = arith.constant 0 : index
      %get3A_167 = arith.constant 0 : index
      %get3A_168 = vector.load %arg3[%get3A_164, %get3A_165, %get3A_166, %get3A_167] : memref<2x16x4x512xf32, #tpu.memory_space<vmem>>, vector<1x1x4x512xf32>
      %get3A_169 = vector.shape_cast %get3A_168 : vector<1x1x4x512xf32> to vector<4x512xf32>
      %transpose3A_170 = tpu.transpose %get3A_169, [1, 0] : vector<4x512xf32> -> vector<512x4xf32>
      %get3A_171 = arith.constant 1 : index
      %get3A_172 = arith.constant 4 : index
      %get3A_173 = arith.constant 0 : index
      %get3A_174 = arith.constant 0 : index
      %get3A_175 = vector.load %arg3[%get3A_171, %get3A_172, %get3A_173, %get3A_174] : memref<2x16x4x512xf32, #tpu.memory_space<vmem>>, vector<1x1x4x512xf32>
      %get3A_176 = vector.shape_cast %get3A_175 : vector<1x1x4x512xf32> to vector<4x512xf32>
      %transpose3A_177 = tpu.transpose %get3A_176, [1, 0] : vector<4x512xf32> -> vector<512x4xf32>
      %get3A_178 = arith.constant 1 : index
      %get3A_179 = arith.constant 5 : index
      %get3A_180 = arith.constant 0 : index
      %get3A_181 = arith.constant 0 : index
      %get3A_182 = vector.load %arg3[%get3A_178, %get3A_179, %get3A_180, %get3A_181] : memref<2x16x4x512xf32, #tpu.memory_space<vmem>>, vector<1x1x4x512xf32>
      %get3A_183 = vector.shape_cast %get3A_182 : vector<1x1x4x512xf32> to vector<4x512xf32>
      %transpose3A_184 = tpu.transpose %get3A_183, [1, 0] : vector<4x512xf32> -> vector<512x4xf32>
      %get3A_185 = arith.constant 1 : index
      %get3A_186 = arith.constant 6 : index
      %get3A_187 = arith.constant 0 : index
      %get3A_188 = arith.constant 0 : index
      %get3A_189 = vector.load %arg3[%get3A_185, %get3A_186, %get3A_187, %get3A_188] : memref<2x16x4x512xf32, #tpu.memory_space<vmem>>, vector<1x1x4x512xf32>
      %get3A_190 = vector.shape_cast %get3A_189 : vector<1x1x4x512xf32> to vector<4x512xf32>
      %transpose3A_191 = tpu.transpose %get3A_190, [1, 0] : vector<4x512xf32> -> vector<512x4xf32>
      %get3A_192 = arith.constant 1 : index
      %get3A_193 = arith.constant 7 : index
      %get3A_194 = arith.constant 0 : index
      %get3A_195 = arith.constant 0 : index
      %get3A_196 = vector.load %arg3[%get3A_192, %get3A_193, %get3A_194, %get3A_195] : memref<2x16x4x512xf32, #tpu.memory_space<vmem>>, vector<1x1x4x512xf32>
      %get3A_197 = vector.shape_cast %get3A_196 : vector<1x1x4x512xf32> to vector<4x512xf32>
      %transpose3A_198 = tpu.transpose %get3A_197, [1, 0] : vector<4x512xf32> -> vector<512x4xf32>
      %get3A_199 = arith.constant 1 : index
      %get3A_200 = arith.constant 8 : index
      %get3A_201 = arith.constant 0 : index
      %get3A_202 = arith.constant 0 : index
      %get3A_203 = vector.load %arg3[%get3A_199, %get3A_200, %get3A_201, %get3A_202] : memref<2x16x4x512xf32, #tpu.memory_space<vmem>>, vector<1x1x4x512xf32>
      %get3A_204 = vector.shape_cast %get3A_203 : vector<1x1x4x512xf32> to vector<4x512xf32>
      %transpose3A_205 = tpu.transpose %get3A_204, [1, 0] : vector<4x512xf32> -> vector<512x4xf32>
      %get3A_206 = arith.constant 1 : index
      %get3A_207 = arith.constant 9 : index
      %get3A_208 = arith.constant 0 : index
      %get3A_209 = arith.constant 0 : index
      %get3A_210 = vector.load %arg3[%get3A_206, %get3A_207, %get3A_208, %get3A_209] : memref<2x16x4x512xf32, #tpu.memory_space<vmem>>, vector<1x1x4x512xf32>
      %get3A_211 = vector.shape_cast %get3A_210 : vector<1x1x4x512xf32> to vector<4x512xf32>
      %transpose3A_212 = tpu.transpose %get3A_211, [1, 0] : vector<4x512xf32> -> vector<512x4xf32>
      %get3A_213 = arith.constant 1 : index
      %get3A_214 = arith.constant 10 : index
      %get3A_215 = arith.constant 0 : index
      %get3A_216 = arith.constant 0 : index
      %get3A_217 = vector.load %arg3[%get3A_213, %get3A_214, %get3A_215, %get3A_216] : memref<2x16x4x512xf32, #tpu.memory_space<vmem>>, vector<1x1x4x512xf32>
      %get3A_218 = vector.shape_cast %get3A_217 : vector<1x1x4x512xf32> to vector<4x512xf32>
      %transpose3A_219 = tpu.transpose %get3A_218, [1, 0] : vector<4x512xf32> -> vector<512x4xf32>
      %get3A_220 = arith.constant 1 : index
      %get3A_221 = arith.constant 11 : index
      %get3A_222 = arith.constant 0 : index
      %get3A_223 = arith.constant 0 : index
      %get3A_224 = vector.load %arg3[%get3A_220, %get3A_221, %get3A_222, %get3A_223] : memref<2x16x4x512xf32, #tpu.memory_space<vmem>>, vector<1x1x4x512xf32>
      %get3A_225 = vector.shape_cast %get3A_224 : vector<1x1x4x512xf32> to vector<4x512xf32>
      %transpose3A_226 = tpu.transpose %get3A_225, [1, 0] : vector<4x512xf32> -> vector<512x4xf32>
      %get3A_227 = arith.constant 1 : index
      %get3A_228 = arith.constant 12 : index
      %get3A_229 = arith.constant 0 : index
      %get3A_230 = arith.constant 0 : index
      %get3A_231 = vector.load %arg3[%get3A_227, %get3A_228, %get3A_229, %get3A_230] : memref<2x16x4x512xf32, #tpu.memory_space<vmem>>, vector<1x1x4x512xf32>
      %get3A_232 = vector.shape_cast %get3A_231 : vector<1x1x4x512xf32> to vector<4x512xf32>
      %transpose3A_233 = tpu.transpose %get3A_232, [1, 0] : vector<4x512xf32> -> vector<512x4xf32>
      %get3A_234 = arith.constant 1 : index
      %get3A_235 = arith.constant 13 : index
      %get3A_236 = arith.constant 0 : index
      %get3A_237 = arith.constant 0 : index
      %get3A_238 = vector.load %arg3[%get3A_234, %get3A_235, %get3A_236, %get3A_237] : memref<2x16x4x512xf32, #tpu.memory_space<vmem>>, vector<1x1x4x512xf32>
      %get3A_239 = vector.shape_cast %get3A_238 : vector<1x1x4x512xf32> to vector<4x512xf32>
      %transpose3A_240 = tpu.transpose %get3A_239, [1, 0] : vector<4x512xf32> -> vector<512x4xf32>
      %get3A_241 = arith.constant 1 : index
      %get3A_242 = arith.constant 14 : index
      %get3A_243 = arith.constant 0 : index
      %get3A_244 = arith.constant 0 : index
      %get3A_245 = vector.load %arg3[%get3A_241, %get3A_242, %get3A_243, %get3A_244] : memref<2x16x4x512xf32, #tpu.memory_space<vmem>>, vector<1x1x4x512xf32>
      %get3A_246 = vector.shape_cast %get3A_245 : vector<1x1x4x512xf32> to vector<4x512xf32>
      %transpose3A_247 = tpu.transpose %get3A_246, [1, 0] : vector<4x512xf32> -> vector<512x4xf32>
      %get3A_248 = arith.constant 1 : index
      %get3A_249 = arith.constant 15 : index
      %get3A_250 = arith.constant 0 : index
      %get3A_251 = arith.constant 0 : index
      %get3A_252 = vector.load %arg3[%get3A_248, %get3A_249, %get3A_250, %get3A_251] : memref<2x16x4x512xf32, #tpu.memory_space<vmem>>, vector<1x1x4x512xf32>
      %get3A_253 = vector.shape_cast %get3A_252 : vector<1x1x4x512xf32> to vector<4x512xf32>
      %transpose3A_254 = tpu.transpose %get3A_253, [1, 0] : vector<4x512xf32> -> vector<512x4xf32>
      %concatenate3A = tpu.concatenate %transpose3A_37, %transpose3A_44, %transpose3A_51, %transpose3A_58, %transpose3A_65, %transpose3A_72, %transpose3A_79, %transpose3A_86, %transpose3A_93, %transpose3A_100, %transpose3A_107, %transpose3A_114, %transpose3A_121, %transpose3A_128, %transpose3A_135, %transpose3A_142, %transpose3A_149, %transpose3A_156, %transpose3A_163, %transpose3A_170, %transpose3A_177, %transpose3A_184, %transpose3A_191, %transpose3A_198, %transpose3A_205, %transpose3A_212, %transpose3A_219, %transpose3A_226, %transpose3A_233, %transpose3A_240, %transpose3A_247, %transpose3A_254 in 1 : vector<512x4xf32>, vector<512x4xf32>, vector<512x4xf32>, vector<512x4xf32>, vector<512x4xf32>, vector<512x4xf32>, vector<512x4xf32>, vector<512x4xf32>, vector<512x4xf32>, vector<512x4xf32>, vector<512x4xf32>, vector<512x4xf32>, vector<512x4xf32>, vector<512x4xf32>, vector<512x4xf32>, vector<512x4xf32>, vector<512x4xf32>, vector<512x4xf32>, vector<512x4xf32>, vector<512x4xf32>, vector<512x4xf32>, vector<512x4xf32>, vector<512x4xf32>, vector<512x4xf32>, vector<512x4xf32>, vector<512x4xf32>, vector<512x4xf32>, vector<512x4xf32>, vector<512x4xf32>, vector<512x4xf32>, vector<512x4xf32>, vector<512x4xf32> -> vector<512x128xf32>
      %mul3A_255 = vector.broadcast %get3A_1 : vector<512x1xf32> to vector<512x128xf32>
      %mul3A_256 = arith.mulf %concatenate3A, %mul3A_255 : vector<512x128xf32>
      %get3A_257 = arith.constant 0 : index
      %get3A_258 = vector.load %arg5[%get3A_257] : memref<128xf32, #tpu.memory_space<vmem>>, vector<128xf32>
      %broadcast_in_dim3A_259 = vector.shape_cast %get3A_258 : vector<128xf32> to vector<1x128xf32>
      %add3A = vector.broadcast %broadcast_in_dim3A_259 : vector<1x128xf32> to vector<512x128xf32>
      %add3A_260 = arith.addf %mul3A_256, %add3A : vector<512x128xf32>
      %max3A = arith.constant 0.000000e+00 : f32
      %max3A_261 = vector.broadcast %max3A : f32 to vector<512x128xf32>
      %max3A_262 = arith.maximumf %add3A_260, %max3A_261 : vector<512x128xf32>
      %swap3A_263 = arith.constant 0 : index
      %swap3A_264 = arith.constant 0 : index
      %swap3A_265 = vector.load %arg9[%swap3A_263, %swap3A_264] : memref<512x128xf32, #tpu.memory_space<vmem>>, vector<512x128xf32>
      tpu.vector_store %arg9[%swap3A_263, %swap3A_264], %max3A_262 {strides = array<i32>} : memref<512x128xf32, #tpu.memory_space<vmem>>, vector<512x128xf32>,
    } else {
    }
    %get3A_6 = arith.constant 0 : index
    %get3A_7 = arith.constant 0 : index
    %get3A_8 = vector.load %arg9[%get3A_6, %get3A_7] : memref<512x128xf32, #tpu.memory_space<vmem>>, vector<512x128xf32>
    %get3A_9 = arith.constant 0 : index
    %get3A_10 = arith.constant 0 : index
    %get3A_11 = arith.constant 0 : index
    %get3A_12 = arith.constant 0 : index
    %get3A_13 = vector.load %arg6[%get3A_9, %get3A_10, %get3A_11, %get3A_12] : memref<1x1x128x4xf32, #tpu.memory_space<vmem>>, vector<1x1x128x4xf32>
    %get3A_14 = vector.shape_cast %get3A_13 : vector<1x1x128x4xf32> to vector<128x4xf32>
    %dot_general3A = arith.constant dense<0.000000e+00> : vector<512x4xf32>
    %dot_general3A_15 = tpu.matmul %get3A_8, %get3A_14, %dot_general3A {dimension_numbers = #tpu.dot_dimension_numbers<[1], [0], [0], [1], [0, 0, 1, 1], [], []>, transpose_lhs_hint = false} : vector<512x128xf32>, vector<128x4xf32>, vector<512x4xf32> -> vector<512x4xf32>
    %mul3A = vector.broadcast %get3A_1 : vector<512x1xf32> to vector<512x4xf32>
    %mul3A_16 = arith.mulf %dot_general3A_15, %mul3A : vector<512x4xf32>
    %transpose3A = tpu.transpose %mul3A_16, [1, 0] : vector<512x4xf32> -> vector<4x512xf32>
    %broadcast_in_dim3A = vector.shape_cast %transpose3A : vector<4x512xf32> to vector<1x1x4x512xf32>
    %swap3A = arith.constant 0 : index
    %swap3A_17 = arith.constant 0 : index
    %swap3A_18 = arith.constant 0 : index
    %swap3A_19 = arith.constant 0 : index
    %swap3A_20 = vector.load %arg7[%swap3A, %swap3A_17, %swap3A_18, %swap3A_19] : memref<1x1x4x512xf32, #tpu.memory_space<vmem>>, vector<1x1x4x512xf32>
    tpu.vector_store %arg7[%swap3A, %swap3A_17, %swap3A_18, %swap3A_19], %broadcast_in_dim3A {strides = array<i32>} : memref<1x1x4x512xf32, #tpu.memory_space<vmem>>, vector<1x1x4x512xf32>,
    %mul3A_21 = arith.mulf %get3A_1, %get3A_1 : vector<512x1xf32>
    %mul3A_22 = vector.broadcast %mul3A_21 : vector<512x1xf32> to vector<512x4xf32>
    %mul3A_23 = arith.mulf %mul3A_16, %mul3A_22 : vector<512x4xf32>
    %transpose3A_24 = tpu.transpose %mul3A_23, [1, 0] : vector<512x4xf32> -> vector<4x512xf32>
    %broadcast_in_dim3A_25 = vector.shape_cast %transpose3A_24 : vector<4x512xf32> to vector<1x1x4x512xf32>
    %swap3A_26 = arith.constant 0 : index
    %swap3A_27 = arith.constant 0 : index
    %swap3A_28 = arith.constant 0 : index
    %swap3A_29 = arith.constant 0 : index
    %swap3A_30 = vector.load %arg8[%swap3A_26, %swap3A_27, %swap3A_28, %swap3A_29] : memref<1x1x4x512xf32, #tpu.memory_space<vmem>>, vector<1x1x4x512xf32>
    tpu.vector_store %arg8[%swap3A_26, %swap3A_27, %swap3A_28, %swap3A_29], %broadcast_in_dim3A_25 {strides = array<i32>} : memref<1x1x4x512xf32, #tpu.memory_space<vmem>>, vector<1x1x4x512xf32>,
    return
  }
  func.func @transform_0(%arg0: i32, %arg1: i32, %arg2: i32) -> (i32, i32, i32, i32) {
    %c0_i32 = arith.constant 0 : i32
    %c0_i32_0 = arith.constant 0 : i32
    %c0_i32_1 = arith.constant 0 : i32
    %c0_i32_2 = arith.constant 0 : i32
    return %c0_i32, %c0_i32_0, %c0_i32_1, %arg0 : i32, i32, i32, i32
  }
  func.func @transform_1(%arg0: i32, %arg1: i32, %arg2: i32) -> (i32, i32) {
    %c0_i32 = arith.constant 0 : i32
    %c0_i32_0 = arith.constant 0 : i32
    return %arg0, %c0_i32 : i32, i32
  }
  func.func @transform_2(%arg0: i32, %arg1: i32, %arg2: i32) -> i32 {
    %c0_i32 = arith.constant 0 : i32
    %c0_i32_0 = arith.constant 0 : i32
    return %c0_i32 : i32
  }
  func.func @transform_3(%arg0: i32, %arg1: i32, %arg2: i32) -> (i32, i32, i32, i32) {
    %c0_i32 = arith.constant 0 : i32
    %c0_i32_0 = arith.constant 0 : i32
    %c0_i32_1 = arith.constant 0 : i32
    return %arg1, %arg2, %c0_i32, %c0_i32_0 : i32, i32, i32, i32
  }
  func.func @transform_4(%arg0: i32, %arg1: i32, %arg2: i32) -> (i32, i32, i32, i32) {
    %c0_i32 = arith.constant 0 : i32
    %c0_i32_0 = arith.constant 0 : i32
    return %arg1, %arg2, %c0_i32, %arg0 : i32, i32, i32, i32
  }
  func.func @transform_5(%arg0: i32, %arg1: i32, %arg2: i32) -> (i32, i32, i32, i32) {
    %c0_i32 = arith.constant 0 : i32
    %c0_i32_0 = arith.constant 0 : i32
    return %arg1, %arg2, %c0_i32, %arg0 : i32, i32, i32, i32
  }
}

module attributes {stable_mosaic.version = 14 : i64} {
  func.func @_tc_post_body(%arg0: i32, %arg1: memref<2x16x4x512xf32, #tpu.memory_space<vmem>>, %arg2: memref<512x1xf32, #tpu.memory_space<vmem>>, %arg3: memref<128xf32, #tpu.memory_space<vmem>>, %arg4: memref<1x1x512xi32, #tpu.memory_space<vmem>>, %arg5: memref<512x1xi32, #tpu.memory_space<vmem>>, %arg6: memref<256x128xf32, #tpu.memory_space<vmem>>, %arg7: memref<128xf32, #tpu.memory_space<vmem>>, %arg8: memref<128x10xf32, #tpu.memory_space<vmem>>, %arg9: memref<10xf32, #tpu.memory_space<vmem>>, %arg10: memref<64x10xf32, #tpu.memory_space<vmem>>, %arg11: memref<64x128xf32, #tpu.memory_space<vmem>>, %arg12: memref<64x128xf32, #tpu.memory_space<vmem>>, %arg13: memref<64x128xf32, #tpu.memory_space<vmem>>) attributes {dimension_semantics = [#tpu.dimension_semantics<arbitrary>], iteration_bounds = array<i64: 20>, scalar_prefetch = 0 : i64, scratch_operands = 3 : i64, tpu.core_type = #tpu.core_type<tc>, window_params = [{transform_indices = @transform_0, window_bounds = array<i64: 2, 16, 4, 512>}, {transform_indices = @transform_1, window_bounds = array<i64: 512, 1>}, {pipeline_mode = #tpu.pipeline_mode<synchronous>, transform_indices = @transform_2, window_bounds = array<i64: 128>}, {transform_indices = @transform_3, window_bounds = array<i64: 1, 1, 512>}, {transform_indices = @transform_4, window_bounds = array<i64: 512, 1>}, {pipeline_mode = #tpu.pipeline_mode<synchronous>, transform_indices = @transform_5, window_bounds = array<i64: 256, 128>}, {pipeline_mode = #tpu.pipeline_mode<synchronous>, transform_indices = @transform_6, window_bounds = array<i64: 128>}, {pipeline_mode = #tpu.pipeline_mode<synchronous>, transform_indices = @transform_7, window_bounds = array<i64: 128, 10>}, {pipeline_mode = #tpu.pipeline_mode<synchronous>, transform_indices = @transform_8, window_bounds = array<i64: 10>}, {pipeline_mode = #tpu.pipeline_mode<synchronous>, transform_indices = @transform_9, window_bounds = array<i64: 64, 10>}]} {
    %eq3A = arith.constant 0 : i32
    %eq3A_0 = arith.cmpi eq, %arg0, %eq3A : i32
    %convert_element_type3A = arith.extui %eq3A_0 : i1 to i32
    %cond3A = arith.constant 0 : i32
    %cond3A_1 = arith.cmpi ne, %convert_element_type3A, %cond3A : i32
    scf.if %cond3A_1 {
      %broadcast_in_dim3A_287 = arith.constant 0.000000e+00 : f32
      %broadcast_in_dim3A_288 = vector.broadcast %broadcast_in_dim3A_287 : f32 to vector<64x128xf32>
      %swap3A_289 = arith.constant 0 : index
      %swap3A_290 = arith.constant 0 : index
      %swap3A_291 = vector.load %arg11[%swap3A_289, %swap3A_290] : memref<64x128xf32, #tpu.memory_space<vmem>>, vector<64x128xf32>
      tpu.vector_store %arg11[%swap3A_289, %swap3A_290], %broadcast_in_dim3A_288 {strides = array<i32>} : memref<64x128xf32, #tpu.memory_space<vmem>>, vector<64x128xf32>,
      %broadcast_in_dim3A_292 = arith.constant 0.000000e+00 : f32
      %broadcast_in_dim3A_293 = vector.broadcast %broadcast_in_dim3A_292 : f32 to vector<64x128xf32>
      %swap3A_294 = arith.constant 0 : index
      %swap3A_295 = arith.constant 0 : index
      %swap3A_296 = vector.load %arg12[%swap3A_294, %swap3A_295] : memref<64x128xf32, #tpu.memory_space<vmem>>, vector<64x128xf32>
      tpu.vector_store %arg12[%swap3A_294, %swap3A_295], %broadcast_in_dim3A_293 {strides = array<i32>} : memref<64x128xf32, #tpu.memory_space<vmem>>, vector<64x128xf32>,
      %broadcast_in_dim3A_297 = arith.constant 0xFF800000 : f32
      %broadcast_in_dim3A_298 = vector.broadcast %broadcast_in_dim3A_297 : f32 to vector<64x128xf32>
      %swap3A_299 = arith.constant 0 : index
      %swap3A_300 = arith.constant 0 : index
      %swap3A_301 = vector.load %arg13[%swap3A_299, %swap3A_300] : memref<64x128xf32, #tpu.memory_space<vmem>>, vector<64x128xf32>
      tpu.vector_store %arg13[%swap3A_299, %swap3A_300], %broadcast_in_dim3A_298 {strides = array<i32>} : memref<64x128xf32, #tpu.memory_space<vmem>>, vector<64x128xf32>,
    } else {
    }
    %get3A = arith.constant 0 : index
    %get3A_2 = arith.constant 0 : index
    %get3A_3 = vector.load %arg2[%get3A, %get3A_2] : memref<512x1xf32, #tpu.memory_space<vmem>>, vector<512x1xf32>
    %get3A_4 = arith.constant 0 : index
    %get3A_5 = arith.constant 0 : index
    %get3A_6 = arith.constant 0 : index
    %get3A_7 = arith.constant 0 : index
    %get3A_8 = vector.load %arg1[%get3A_4, %get3A_5, %get3A_6, %get3A_7] : memref<2x16x4x512xf32, #tpu.memory_space<vmem>>, vector<1x1x4x512xf32>
    %get3A_9 = vector.shape_cast %get3A_8 : vector<1x1x4x512xf32> to vector<4x512xf32>
    %transpose3A = tpu.transpose %get3A_9, [1, 0] : vector<4x512xf32> -> vector<512x4xf32>
    %get3A_10 = arith.constant 0 : index
    %get3A_11 = arith.constant 1 : index
    %get3A_12 = arith.constant 0 : index
    %get3A_13 = arith.constant 0 : index
    %get3A_14 = vector.load %arg1[%get3A_10, %get3A_11, %get3A_12, %get3A_13] : memref<2x16x4x512xf32, #tpu.memory_space<vmem>>, vector<1x1x4x512xf32>
    %get3A_15 = vector.shape_cast %get3A_14 : vector<1x1x4x512xf32> to vector<4x512xf32>
    %transpose3A_16 = tpu.transpose %get3A_15, [1, 0] : vector<4x512xf32> -> vector<512x4xf32>
    %get3A_17 = arith.constant 0 : index
    %get3A_18 = arith.constant 2 : index
    %get3A_19 = arith.constant 0 : index
    %get3A_20 = arith.constant 0 : index
    %get3A_21 = vector.load %arg1[%get3A_17, %get3A_18, %get3A_19, %get3A_20] : memref<2x16x4x512xf32, #tpu.memory_space<vmem>>, vector<1x1x4x512xf32>
    %get3A_22 = vector.shape_cast %get3A_21 : vector<1x1x4x512xf32> to vector<4x512xf32>
    %transpose3A_23 = tpu.transpose %get3A_22, [1, 0] : vector<4x512xf32> -> vector<512x4xf32>
    %get3A_24 = arith.constant 0 : index
    %get3A_25 = arith.constant 3 : index
    %get3A_26 = arith.constant 0 : index
    %get3A_27 = arith.constant 0 : index
    %get3A_28 = vector.load %arg1[%get3A_24, %get3A_25, %get3A_26, %get3A_27] : memref<2x16x4x512xf32, #tpu.memory_space<vmem>>, vector<1x1x4x512xf32>
    %get3A_29 = vector.shape_cast %get3A_28 : vector<1x1x4x512xf32> to vector<4x512xf32>
    %transpose3A_30 = tpu.transpose %get3A_29, [1, 0] : vector<4x512xf32> -> vector<512x4xf32>
    %get3A_31 = arith.constant 0 : index
    %get3A_32 = arith.constant 4 : index
    %get3A_33 = arith.constant 0 : index
    %get3A_34 = arith.constant 0 : index
    %get3A_35 = vector.load %arg1[%get3A_31, %get3A_32, %get3A_33, %get3A_34] : memref<2x16x4x512xf32, #tpu.memory_space<vmem>>, vector<1x1x4x512xf32>
    %get3A_36 = vector.shape_cast %get3A_35 : vector<1x1x4x512xf32> to vector<4x512xf32>
    %transpose3A_37 = tpu.transpose %get3A_36, [1, 0] : vector<4x512xf32> -> vector<512x4xf32>
    %get3A_38 = arith.constant 0 : index
    %get3A_39 = arith.constant 5 : index
    %get3A_40 = arith.constant 0 : index
    %get3A_41 = arith.constant 0 : index
    %get3A_42 = vector.load %arg1[%get3A_38, %get3A_39, %get3A_40, %get3A_41] : memref<2x16x4x512xf32, #tpu.memory_space<vmem>>, vector<1x1x4x512xf32>
    %get3A_43 = vector.shape_cast %get3A_42 : vector<1x1x4x512xf32> to vector<4x512xf32>
    %transpose3A_44 = tpu.transpose %get3A_43, [1, 0] : vector<4x512xf32> -> vector<512x4xf32>
    %get3A_45 = arith.constant 0 : index
    %get3A_46 = arith.constant 6 : index
    %get3A_47 = arith.constant 0 : index
    %get3A_48 = arith.constant 0 : index
    %get3A_49 = vector.load %arg1[%get3A_45, %get3A_46, %get3A_47, %get3A_48] : memref<2x16x4x512xf32, #tpu.memory_space<vmem>>, vector<1x1x4x512xf32>
    %get3A_50 = vector.shape_cast %get3A_49 : vector<1x1x4x512xf32> to vector<4x512xf32>
    %transpose3A_51 = tpu.transpose %get3A_50, [1, 0] : vector<4x512xf32> -> vector<512x4xf32>
    %get3A_52 = arith.constant 0 : index
    %get3A_53 = arith.constant 7 : index
    %get3A_54 = arith.constant 0 : index
    %get3A_55 = arith.constant 0 : index
    %get3A_56 = vector.load %arg1[%get3A_52, %get3A_53, %get3A_54, %get3A_55] : memref<2x16x4x512xf32, #tpu.memory_space<vmem>>, vector<1x1x4x512xf32>
    %get3A_57 = vector.shape_cast %get3A_56 : vector<1x1x4x512xf32> to vector<4x512xf32>
    %transpose3A_58 = tpu.transpose %get3A_57, [1, 0] : vector<4x512xf32> -> vector<512x4xf32>
    %get3A_59 = arith.constant 0 : index
    %get3A_60 = arith.constant 8 : index
    %get3A_61 = arith.constant 0 : index
    %get3A_62 = arith.constant 0 : index
    %get3A_63 = vector.load %arg1[%get3A_59, %get3A_60, %get3A_61, %get3A_62] : memref<2x16x4x512xf32, #tpu.memory_space<vmem>>, vector<1x1x4x512xf32>
    %get3A_64 = vector.shape_cast %get3A_63 : vector<1x1x4x512xf32> to vector<4x512xf32>
    %transpose3A_65 = tpu.transpose %get3A_64, [1, 0] : vector<4x512xf32> -> vector<512x4xf32>
    %get3A_66 = arith.constant 0 : index
    %get3A_67 = arith.constant 9 : index
    %get3A_68 = arith.constant 0 : index
    %get3A_69 = arith.constant 0 : index
    %get3A_70 = vector.load %arg1[%get3A_66, %get3A_67, %get3A_68, %get3A_69] : memref<2x16x4x512xf32, #tpu.memory_space<vmem>>, vector<1x1x4x512xf32>
    %get3A_71 = vector.shape_cast %get3A_70 : vector<1x1x4x512xf32> to vector<4x512xf32>
    %transpose3A_72 = tpu.transpose %get3A_71, [1, 0] : vector<4x512xf32> -> vector<512x4xf32>
    %get3A_73 = arith.constant 0 : index
    %get3A_74 = arith.constant 10 : index
    %get3A_75 = arith.constant 0 : index
    %get3A_76 = arith.constant 0 : index
    %get3A_77 = vector.load %arg1[%get3A_73, %get3A_74, %get3A_75, %get3A_76] : memref<2x16x4x512xf32, #tpu.memory_space<vmem>>, vector<1x1x4x512xf32>
    %get3A_78 = vector.shape_cast %get3A_77 : vector<1x1x4x512xf32> to vector<4x512xf32>
    %transpose3A_79 = tpu.transpose %get3A_78, [1, 0] : vector<4x512xf32> -> vector<512x4xf32>
    %get3A_80 = arith.constant 0 : index
    %get3A_81 = arith.constant 11 : index
    %get3A_82 = arith.constant 0 : index
    %get3A_83 = arith.constant 0 : index
    %get3A_84 = vector.load %arg1[%get3A_80, %get3A_81, %get3A_82, %get3A_83] : memref<2x16x4x512xf32, #tpu.memory_space<vmem>>, vector<1x1x4x512xf32>
    %get3A_85 = vector.shape_cast %get3A_84 : vector<1x1x4x512xf32> to vector<4x512xf32>
    %transpose3A_86 = tpu.transpose %get3A_85, [1, 0] : vector<4x512xf32> -> vector<512x4xf32>
    %get3A_87 = arith.constant 0 : index
    %get3A_88 = arith.constant 12 : index
    %get3A_89 = arith.constant 0 : index
    %get3A_90 = arith.constant 0 : index
    %get3A_91 = vector.load %arg1[%get3A_87, %get3A_88, %get3A_89, %get3A_90] : memref<2x16x4x512xf32, #tpu.memory_space<vmem>>, vector<1x1x4x512xf32>
    %get3A_92 = vector.shape_cast %get3A_91 : vector<1x1x4x512xf32> to vector<4x512xf32>
    %transpose3A_93 = tpu.transpose %get3A_92, [1, 0] : vector<4x512xf32> -> vector<512x4xf32>
    %get3A_94 = arith.constant 0 : index
    %get3A_95 = arith.constant 13 : index
    %get3A_96 = arith.constant 0 : index
    %get3A_97 = arith.constant 0 : index
    %get3A_98 = vector.load %arg1[%get3A_94, %get3A_95, %get3A_96, %get3A_97] : memref<2x16x4x512xf32, #tpu.memory_space<vmem>>, vector<1x1x4x512xf32>
    %get3A_99 = vector.shape_cast %get3A_98 : vector<1x1x4x512xf32> to vector<4x512xf32>
    %transpose3A_100 = tpu.transpose %get3A_99, [1, 0] : vector<4x512xf32> -> vector<512x4xf32>
    %get3A_101 = arith.constant 0 : index
    %get3A_102 = arith.constant 14 : index
    %get3A_103 = arith.constant 0 : index
    %get3A_104 = arith.constant 0 : index
    %get3A_105 = vector.load %arg1[%get3A_101, %get3A_102, %get3A_103, %get3A_104] : memref<2x16x4x512xf32, #tpu.memory_space<vmem>>, vector<1x1x4x512xf32>
    %get3A_106 = vector.shape_cast %get3A_105 : vector<1x1x4x512xf32> to vector<4x512xf32>
    %transpose3A_107 = tpu.transpose %get3A_106, [1, 0] : vector<4x512xf32> -> vector<512x4xf32>
    %get3A_108 = arith.constant 0 : index
    %get3A_109 = arith.constant 15 : index
    %get3A_110 = arith.constant 0 : index
    %get3A_111 = arith.constant 0 : index
    %get3A_112 = vector.load %arg1[%get3A_108, %get3A_109, %get3A_110, %get3A_111] : memref<2x16x4x512xf32, #tpu.memory_space<vmem>>, vector<1x1x4x512xf32>
    %get3A_113 = vector.shape_cast %get3A_112 : vector<1x1x4x512xf32> to vector<4x512xf32>
    %transpose3A_114 = tpu.transpose %get3A_113, [1, 0] : vector<4x512xf32> -> vector<512x4xf32>
    %get3A_115 = arith.constant 1 : index
    %get3A_116 = arith.constant 0 : index
    %get3A_117 = arith.constant 0 : index
    %get3A_118 = arith.constant 0 : index
    %get3A_119 = vector.load %arg1[%get3A_115, %get3A_116, %get3A_117, %get3A_118] : memref<2x16x4x512xf32, #tpu.memory_space<vmem>>, vector<1x1x4x512xf32>
    %get3A_120 = vector.shape_cast %get3A_119 : vector<1x1x4x512xf32> to vector<4x512xf32>
    %transpose3A_121 = tpu.transpose %get3A_120, [1, 0] : vector<4x512xf32> -> vector<512x4xf32>
    %get3A_122 = arith.constant 1 : index
    %get3A_123 = arith.constant 1 : index
    %get3A_124 = arith.constant 0 : index
    %get3A_125 = arith.constant 0 : index
    %get3A_126 = vector.load %arg1[%get3A_122, %get3A_123, %get3A_124, %get3A_125] : memref<2x16x4x512xf32, #tpu.memory_space<vmem>>, vector<1x1x4x512xf32>
    %get3A_127 = vector.shape_cast %get3A_126 : vector<1x1x4x512xf32> to vector<4x512xf32>
    %transpose3A_128 = tpu.transpose %get3A_127, [1, 0] : vector<4x512xf32> -> vector<512x4xf32>
    %get3A_129 = arith.constant 1 : index
    %get3A_130 = arith.constant 2 : index
    %get3A_131 = arith.constant 0 : index
    %get3A_132 = arith.constant 0 : index
    %get3A_133 = vector.load %arg1[%get3A_129, %get3A_130, %get3A_131, %get3A_132] : memref<2x16x4x512xf32, #tpu.memory_space<vmem>>, vector<1x1x4x512xf32>
    %get3A_134 = vector.shape_cast %get3A_133 : vector<1x1x4x512xf32> to vector<4x512xf32>
    %transpose3A_135 = tpu.transpose %get3A_134, [1, 0] : vector<4x512xf32> -> vector<512x4xf32>
    %get3A_136 = arith.constant 1 : index
    %get3A_137 = arith.constant 3 : index
    %get3A_138 = arith.constant 0 : index
    %get3A_139 = arith.constant 0 : index
    %get3A_140 = vector.load %arg1[%get3A_136, %get3A_137, %get3A_138, %get3A_139] : memref<2x16x4x512xf32, #tpu.memory_space<vmem>>, vector<1x1x4x512xf32>
    %get3A_141 = vector.shape_cast %get3A_140 : vector<1x1x4x512xf32> to vector<4x512xf32>
    %transpose3A_142 = tpu.transpose %get3A_141, [1, 0] : vector<4x512xf32> -> vector<512x4xf32>
    %get3A_143 = arith.constant 1 : index
    %get3A_144 = arith.constant 4 : index
    %get3A_145 = arith.constant 0 : index
    %get3A_146 = arith.constant 0 : index
    %get3A_147 = vector.load %arg1[%get3A_143, %get3A_144, %get3A_145, %get3A_146] : memref<2x16x4x512xf32, #tpu.memory_space<vmem>>, vector<1x1x4x512xf32>
    %get3A_148 = vector.shape_cast %get3A_147 : vector<1x1x4x512xf32> to vector<4x512xf32>
    %transpose3A_149 = tpu.transpose %get3A_148, [1, 0] : vector<4x512xf32> -> vector<512x4xf32>
    %get3A_150 = arith.constant 1 : index
    %get3A_151 = arith.constant 5 : index
    %get3A_152 = arith.constant 0 : index
    %get3A_153 = arith.constant 0 : index
    %get3A_154 = vector.load %arg1[%get3A_150, %get3A_151, %get3A_152, %get3A_153] : memref<2x16x4x512xf32, #tpu.memory_space<vmem>>, vector<1x1x4x512xf32>
    %get3A_155 = vector.shape_cast %get3A_154 : vector<1x1x4x512xf32> to vector<4x512xf32>
    %transpose3A_156 = tpu.transpose %get3A_155, [1, 0] : vector<4x512xf32> -> vector<512x4xf32>
    %get3A_157 = arith.constant 1 : index
    %get3A_158 = arith.constant 6 : index
    %get3A_159 = arith.constant 0 : index
    %get3A_160 = arith.constant 0 : index
    %get3A_161 = vector.load %arg1[%get3A_157, %get3A_158, %get3A_159, %get3A_160] : memref<2x16x4x512xf32, #tpu.memory_space<vmem>>, vector<1x1x4x512xf32>
    %get3A_162 = vector.shape_cast %get3A_161 : vector<1x1x4x512xf32> to vector<4x512xf32>
    %transpose3A_163 = tpu.transpose %get3A_162, [1, 0] : vector<4x512xf32> -> vector<512x4xf32>
    %get3A_164 = arith.constant 1 : index
    %get3A_165 = arith.constant 7 : index
    %get3A_166 = arith.constant 0 : index
    %get3A_167 = arith.constant 0 : index
    %get3A_168 = vector.load %arg1[%get3A_164, %get3A_165, %get3A_166, %get3A_167] : memref<2x16x4x512xf32, #tpu.memory_space<vmem>>, vector<1x1x4x512xf32>
    %get3A_169 = vector.shape_cast %get3A_168 : vector<1x1x4x512xf32> to vector<4x512xf32>
    %transpose3A_170 = tpu.transpose %get3A_169, [1, 0] : vector<4x512xf32> -> vector<512x4xf32>
    %get3A_171 = arith.constant 1 : index
    %get3A_172 = arith.constant 8 : index
    %get3A_173 = arith.constant 0 : index
    %get3A_174 = arith.constant 0 : index
    %get3A_175 = vector.load %arg1[%get3A_171, %get3A_172, %get3A_173, %get3A_174] : memref<2x16x4x512xf32, #tpu.memory_space<vmem>>, vector<1x1x4x512xf32>
    %get3A_176 = vector.shape_cast %get3A_175 : vector<1x1x4x512xf32> to vector<4x512xf32>
    %transpose3A_177 = tpu.transpose %get3A_176, [1, 0] : vector<4x512xf32> -> vector<512x4xf32>
    %get3A_178 = arith.constant 1 : index
    %get3A_179 = arith.constant 9 : index
    %get3A_180 = arith.constant 0 : index
    %get3A_181 = arith.constant 0 : index
    %get3A_182 = vector.load %arg1[%get3A_178, %get3A_179, %get3A_180, %get3A_181] : memref<2x16x4x512xf32, #tpu.memory_space<vmem>>, vector<1x1x4x512xf32>
    %get3A_183 = vector.shape_cast %get3A_182 : vector<1x1x4x512xf32> to vector<4x512xf32>
    %transpose3A_184 = tpu.transpose %get3A_183, [1, 0] : vector<4x512xf32> -> vector<512x4xf32>
    %get3A_185 = arith.constant 1 : index
    %get3A_186 = arith.constant 10 : index
    %get3A_187 = arith.constant 0 : index
    %get3A_188 = arith.constant 0 : index
    %get3A_189 = vector.load %arg1[%get3A_185, %get3A_186, %get3A_187, %get3A_188] : memref<2x16x4x512xf32, #tpu.memory_space<vmem>>, vector<1x1x4x512xf32>
    %get3A_190 = vector.shape_cast %get3A_189 : vector<1x1x4x512xf32> to vector<4x512xf32>
    %transpose3A_191 = tpu.transpose %get3A_190, [1, 0] : vector<4x512xf32> -> vector<512x4xf32>
    %get3A_192 = arith.constant 1 : index
    %get3A_193 = arith.constant 11 : index
    %get3A_194 = arith.constant 0 : index
    %get3A_195 = arith.constant 0 : index
    %get3A_196 = vector.load %arg1[%get3A_192, %get3A_193, %get3A_194, %get3A_195] : memref<2x16x4x512xf32, #tpu.memory_space<vmem>>, vector<1x1x4x512xf32>
    %get3A_197 = vector.shape_cast %get3A_196 : vector<1x1x4x512xf32> to vector<4x512xf32>
    %transpose3A_198 = tpu.transpose %get3A_197, [1, 0] : vector<4x512xf32> -> vector<512x4xf32>
    %get3A_199 = arith.constant 1 : index
    %get3A_200 = arith.constant 12 : index
    %get3A_201 = arith.constant 0 : index
    %get3A_202 = arith.constant 0 : index
    %get3A_203 = vector.load %arg1[%get3A_199, %get3A_200, %get3A_201, %get3A_202] : memref<2x16x4x512xf32, #tpu.memory_space<vmem>>, vector<1x1x4x512xf32>
    %get3A_204 = vector.shape_cast %get3A_203 : vector<1x1x4x512xf32> to vector<4x512xf32>
    %transpose3A_205 = tpu.transpose %get3A_204, [1, 0] : vector<4x512xf32> -> vector<512x4xf32>
    %get3A_206 = arith.constant 1 : index
    %get3A_207 = arith.constant 13 : index
    %get3A_208 = arith.constant 0 : index
    %get3A_209 = arith.constant 0 : index
    %get3A_210 = vector.load %arg1[%get3A_206, %get3A_207, %get3A_208, %get3A_209] : memref<2x16x4x512xf32, #tpu.memory_space<vmem>>, vector<1x1x4x512xf32>
    %get3A_211 = vector.shape_cast %get3A_210 : vector<1x1x4x512xf32> to vector<4x512xf32>
    %transpose3A_212 = tpu.transpose %get3A_211, [1, 0] : vector<4x512xf32> -> vector<512x4xf32>
    %get3A_213 = arith.constant 1 : index
    %get3A_214 = arith.constant 14 : index
    %get3A_215 = arith.constant 0 : index
    %get3A_216 = arith.constant 0 : index
    %get3A_217 = vector.load %arg1[%get3A_213, %get3A_214, %get3A_215, %get3A_216] : memref<2x16x4x512xf32, #tpu.memory_space<vmem>>, vector<1x1x4x512xf32>
    %get3A_218 = vector.shape_cast %get3A_217 : vector<1x1x4x512xf32> to vector<4x512xf32>
    %transpose3A_219 = tpu.transpose %get3A_218, [1, 0] : vector<4x512xf32> -> vector<512x4xf32>
    %get3A_220 = arith.constant 1 : index
    %get3A_221 = arith.constant 15 : index
    %get3A_222 = arith.constant 0 : index
    %get3A_223 = arith.constant 0 : index
    %get3A_224 = vector.load %arg1[%get3A_220, %get3A_221, %get3A_222, %get3A_223] : memref<2x16x4x512xf32, #tpu.memory_space<vmem>>, vector<1x1x4x512xf32>
    %get3A_225 = vector.shape_cast %get3A_224 : vector<1x1x4x512xf32> to vector<4x512xf32>
    %transpose3A_226 = tpu.transpose %get3A_225, [1, 0] : vector<4x512xf32> -> vector<512x4xf32>
    %concatenate3A = tpu.concatenate %transpose3A, %transpose3A_16, %transpose3A_23, %transpose3A_30, %transpose3A_37, %transpose3A_44, %transpose3A_51, %transpose3A_58, %transpose3A_65, %transpose3A_72, %transpose3A_79, %transpose3A_86, %transpose3A_93, %transpose3A_100, %transpose3A_107, %transpose3A_114, %transpose3A_121, %transpose3A_128, %transpose3A_135, %transpose3A_142, %transpose3A_149, %transpose3A_156, %transpose3A_163, %transpose3A_170, %transpose3A_177, %transpose3A_184, %transpose3A_191, %transpose3A_198, %transpose3A_205, %transpose3A_212, %transpose3A_219, %transpose3A_226 in 1 : vector<512x4xf32>, vector<512x4xf32>, vector<512x4xf32>, vector<512x4xf32>, vector<512x4xf32>, vector<512x4xf32>, vector<512x4xf32>, vector<512x4xf32>, vector<512x4xf32>, vector<512x4xf32>, vector<512x4xf32>, vector<512x4xf32>, vector<512x4xf32>, vector<512x4xf32>, vector<512x4xf32>, vector<512x4xf32>, vector<512x4xf32>, vector<512x4xf32>, vector<512x4xf32>, vector<512x4xf32>, vector<512x4xf32>, vector<512x4xf32>, vector<512x4xf32>, vector<512x4xf32>, vector<512x4xf32>, vector<512x4xf32>, vector<512x4xf32>, vector<512x4xf32>, vector<512x4xf32>, vector<512x4xf32>, vector<512x4xf32>, vector<512x4xf32> -> vector<512x128xf32>
    %mul3A = vector.broadcast %get3A_3 : vector<512x1xf32> to vector<512x128xf32>
    %mul3A_227 = arith.mulf %concatenate3A, %mul3A : vector<512x128xf32>
    %get3A_228 = arith.constant 0 : index
    %get3A_229 = vector.load %arg3[%get3A_228] : memref<128xf32, #tpu.memory_space<vmem>>, vector<128xf32>
    %broadcast_in_dim3A = vector.shape_cast %get3A_229 : vector<128xf32> to vector<1x128xf32>
    %add3A = vector.broadcast %broadcast_in_dim3A : vector<1x128xf32> to vector<512x128xf32>
    %add3A_230 = arith.addf %mul3A_227, %add3A : vector<512x128xf32>
    %max3A = arith.constant 0.000000e+00 : f32
    %max3A_231 = vector.broadcast %max3A : f32 to vector<512x128xf32>
    %max3A_232 = arith.maximumf %add3A_230, %max3A_231 : vector<512x128xf32>
    %get3A_233 = arith.constant 0 : index
    %get3A_234 = arith.constant 0 : index
    %get3A_235 = arith.constant 0 : index
    %get3A_236 = vector.load %arg4[%get3A_233, %get3A_234, %get3A_235] : memref<1x1x512xi32, #tpu.memory_space<vmem>>, vector<1x1x512xi32>
    %get3A_237 = vector.shape_cast %get3A_236 : vector<1x1x512xi32> to vector<1x512xi32>
    %get3A_238 = arith.constant 0 : index
    %get3A_239 = arith.constant 0 : index
    %get3A_240 = vector.load %arg5[%get3A_238, %get3A_239] : memref<512x1xi32, #tpu.memory_space<vmem>>, vector<512x1xi32>
    %iota3A = tpu.iota {dimensions = array<i32: 0>} : vector<64x512xi32>
    %eq3A_241 = vector.broadcast %get3A_237 : vector<1x512xi32> to vector<64x512xi32>
    %eq3A_242 = arith.cmpi eq, %eq3A_241, %iota3A : vector<64x512xi32>
    %convert_element_type3A_243 = arith.extui %eq3A_242 : vector<64x512xi1> to vector<64x512xi32>
    %convert_element_type3A_244 = arith.sitofp %convert_element_type3A_243 : vector<64x512xi32> to vector<64x512xf32>
    %get3A_245 = arith.constant 0 : index
    %get3A_246 = arith.constant 0 : index
    %get3A_247 = vector.load %arg11[%get3A_245, %get3A_246] : memref<64x128xf32, #tpu.memory_space<vmem>>, vector<64x128xf32>
    %dot_general3A = arith.constant dense<0.000000e+00> : vector<64x128xf32>
    %dot_general3A_248 = tpu.matmul %convert_element_type3A_244, %max3A_232, %dot_general3A {dimension_numbers = #tpu.dot_dimension_numbers<[1], [0], [0], [1], [0, 0, 1, 1], [], []>, transpose_lhs_hint = false} : vector<64x512xf32>, vector<512x128xf32>, vector<64x128xf32> -> vector<64x128xf32>
    %add3A_249 = arith.addf %get3A_247, %dot_general3A_248 : vector<64x128xf32>
    %swap3A = arith.constant 0 : index
    %swap3A_250 = arith.constant 0 : index
    %swap3A_251 = vector.load %arg11[%swap3A, %swap3A_250] : memref<64x128xf32, #tpu.memory_space<vmem>>, vector<64x128xf32>
    tpu.vector_store %arg11[%swap3A, %swap3A_250], %add3A_249 {strides = array<i32>} : memref<64x128xf32, #tpu.memory_space<vmem>>, vector<64x128xf32>,
    %get3A_252 = arith.constant 0 : index
    %get3A_253 = arith.constant 0 : index
    %get3A_254 = vector.load %arg12[%get3A_252, %get3A_253] : memref<64x128xf32, #tpu.memory_space<vmem>>, vector<64x128xf32>
    %reduce_sum3A = arith.constant dense<0.000000e+00> : vector<64xf32>
    %reduce_sum3A_255 = vector.multi_reduction <add>, %convert_element_type3A_244, %reduce_sum3A [1] : vector<64x512xf32> to vector<64xf32>
    %broadcast_in_dim3A_256 = vector.shape_cast %reduce_sum3A_255 : vector<64xf32> to vector<64x1xf32>
    %broadcast_in_dim3A_257 = vector.shape_cast %broadcast_in_dim3A_256 : vector<64x1xf32> to vector<64x1xf32>
    %broadcast_in_dim3A_258 = vector.broadcast %broadcast_in_dim3A_257 : vector<64x1xf32> to vector<64x128xf32>
    %add3A_259 = arith.addf %get3A_254, %broadcast_in_dim3A_258 : vector<64x128xf32>
    %swap3A_260 = arith.constant 0 : index
    %swap3A_261 = arith.constant 0 : index
    %swap3A_262 = vector.load %arg12[%swap3A_260, %swap3A_261] : memref<64x128xf32, #tpu.memory_space<vmem>>, vector<64x128xf32>
    tpu.vector_store %arg12[%swap3A_260, %swap3A_261], %add3A_259 {strides = array<i32>} : memref<64x128xf32, #tpu.memory_space<vmem>>, vector<64x128xf32>,
    %reduce_min3A = vector.shape_cast %get3A_240 : vector<512x1xi32> to vector<1x512x1xi32>
    %reduce_min3A_263 = arith.constant dense<2147483647> : vector<1xi32>
    %reduce_min3A_264 = vector.multi_reduction <minsi>, %reduce_min3A, %reduce_min3A_263 [1, 2] : vector<1x512x1xi32> to vector<1xi32>
    %reduce_min3A_265 = vector.shape_cast %reduce_min3A_264 : vector<1xi32> to vector<1x1x1xi32>
    %reduce_min3A_266 = vector.extract %reduce_min3A_265[0, 0, 0] : i32 from vector<1x1x1xi32>
    %reduce_max3A = vector.shape_cast %get3A_240 : vector<512x1xi32> to vector<1x512x1xi32>
    %reduce_max3A_267 = arith.constant dense<-2147483648> : vector<1xi32>
    %reduce_max3A_268 = vector.multi_reduction <maxsi>, %reduce_max3A, %reduce_max3A_267 [1, 2] : vector<1x512x1xi32> to vector<1xi32>
    %reduce_max3A_269 = vector.shape_cast %reduce_max3A_268 : vector<1xi32> to vector<1x1x1xi32>
    %reduce_max3A_270 = vector.extract %reduce_max3A_269[0, 0, 0] : i32 from vector<1x1x1xi32>
    %min3A = arith.constant 63 : i32
    %min3A_271 = arith.minsi %reduce_max3A_270, %min3A : i32
    %add3A_272 = arith.constant 1 : i32
    %add3A_273 = arith.addi %min3A_271, %add3A_272 : i32
    %while3A = arith.constant 0 : i32
    %while3A_274 = arith.subi %add3A_273, %reduce_min3A_266 : i32
    %while3A_275 = arith.addi %reduce_min3A_266, %while3A_274 : i32
    %while3A_276 = arith.constant 1 : i32
    %while3A_277 = arith.divsi %while3A_274, %while3A_276 : i32
    %while3A_278 = arith.muli %while3A_277, %while3A_276 : i32
    %while3A_279 = arith.addi %reduce_min3A_266, %while3A_278 : i32
    %while3A_280 = arith.constant 1 : i32
    scf.for %while3A_287 = %reduce_min3A_266 to %while3A_279 step %while3A_280  : i32 {
      %eq3A_288 = vector.broadcast %while3A_287 : i32 to vector<512x1xi32>
      %eq3A_289 = arith.cmpi eq, %get3A_240, %eq3A_288 : vector<512x1xi32>
      %jit3A = arith.constant 0xFF800000 : f32
      %broadcast_in_dim3A_290 = vector.shape_cast %eq3A_289 : vector<512x1xi1> to vector<512x1xi1>
      %broadcast_in_dim3A_291 = vector.broadcast %broadcast_in_dim3A_290 : vector<512x1xi1> to vector<512x128xi1>
      %broadcast_in_dim3A_292 = vector.broadcast %jit3A : f32 to vector<512x128xf32>
      %select_n3A = arith.select %broadcast_in_dim3A_291, %max3A_232, %broadcast_in_dim3A_292 : vector<512x128xi1>, vector<512x128xf32>
      %reduce_max3A_293 = arith.constant dense<0xFF800000> : vector<128xf32>
      %reduce_max3A_294 = vector.multi_reduction <maximumf>, %select_n3A, %reduce_max3A_293 [0] : vector<512x128xf32> to vector<128xf32>
      %broadcast_in_dim3A_295 = vector.shape_cast %reduce_max3A_294 : vector<128xf32> to vector<1x128xf32>
      %get3A_296 = arith.index_cast %while3A_287 : i32 to index
      %get3A_297 = arith.constant 0 : index
      %get3A_298 = vector.load %arg13[%get3A_296, %get3A_297] : memref<64x128xf32, #tpu.memory_space<vmem>>, vector<1x128xf32>
      %max3A_299 = arith.maximumf %get3A_298, %broadcast_in_dim3A_295 : vector<1x128xf32>
      %swap3A_300 = arith.index_cast %while3A_287 : i32 to index
      %swap3A_301 = arith.constant 0 : index
      %swap3A_302 = vector.load %arg13[%swap3A_300, %swap3A_301] : memref<64x128xf32, #tpu.memory_space<vmem>>, vector<1x128xf32>
      tpu.vector_store %arg13[%swap3A_300, %swap3A_301], %max3A_299 {strides = array<i32>} : memref<64x128xf32, #tpu.memory_space<vmem>>, vector<1x128xf32>,
    }
    %while3A_281 = arith.constant 1 : i32
    scf.for %while3A_287 = %while3A_279 to %while3A_275 step %while3A_281  : i32 {
      %eq3A_288 = vector.broadcast %while3A_287 : i32 to vector<512x1xi32>
      %eq3A_289 = arith.cmpi eq, %get3A_240, %eq3A_288 : vector<512x1xi32>
      %jit3A = arith.constant 0xFF800000 : f32
      %broadcast_in_dim3A_290 = vector.shape_cast %eq3A_289 : vector<512x1xi1> to vector<512x1xi1>
      %broadcast_in_dim3A_291 = vector.broadcast %broadcast_in_dim3A_290 : vector<512x1xi1> to vector<512x128xi1>
      %broadcast_in_dim3A_292 = vector.broadcast %jit3A : f32 to vector<512x128xf32>
      %select_n3A = arith.select %broadcast_in_dim3A_291, %max3A_232, %broadcast_in_dim3A_292 : vector<512x128xi1>, vector<512x128xf32>
      %reduce_max3A_293 = arith.constant dense<0xFF800000> : vector<128xf32>
      %reduce_max3A_294 = vector.multi_reduction <maximumf>, %select_n3A, %reduce_max3A_293 [0] : vector<512x128xf32> to vector<128xf32>
      %broadcast_in_dim3A_295 = vector.shape_cast %reduce_max3A_294 : vector<128xf32> to vector<1x128xf32>
      %get3A_296 = arith.index_cast %while3A_287 : i32 to index
      %get3A_297 = arith.constant 0 : index
      %get3A_298 = vector.load %arg13[%get3A_296, %get3A_297] : memref<64x128xf32, #tpu.memory_space<vmem>>, vector<1x128xf32>
      %max3A_299 = arith.maximumf %get3A_298, %broadcast_in_dim3A_295 : vector<1x128xf32>
      %swap3A_300 = arith.index_cast %while3A_287 : i32 to index
      %swap3A_301 = arith.constant 0 : index
      %swap3A_302 = vector.load %arg13[%swap3A_300, %swap3A_301] : memref<64x128xf32, #tpu.memory_space<vmem>>, vector<1x128xf32>
      tpu.vector_store %arg13[%swap3A_300, %swap3A_301], %max3A_299 {strides = array<i32>} : memref<64x128xf32, #tpu.memory_space<vmem>>, vector<1x128xf32>,
    }
    %eq3A_282 = arith.constant 19 : i32
    %eq3A_283 = arith.cmpi eq, %arg0, %eq3A_282 : i32
    %convert_element_type3A_284 = arith.extui %eq3A_283 : i1 to i32
    %cond3A_285 = arith.constant 0 : i32
    %cond3A_286 = arith.cmpi ne, %convert_element_type3A_284, %cond3A_285 : i32
    scf.if %cond3A_286 {
      %get3A_287 = arith.constant 0 : index
      %get3A_288 = arith.constant 0 : index
      %get3A_289 = vector.load %arg11[%get3A_287, %get3A_288] : memref<64x128xf32, #tpu.memory_space<vmem>>, vector<64x128xf32>
      %get3A_290 = arith.constant 0 : index
      %get3A_291 = arith.constant 0 : index
      %get3A_292 = vector.load %arg12[%get3A_290, %get3A_291] : memref<64x128xf32, #tpu.memory_space<vmem>>, vector<64x128xf32>
      %max3A_293 = arith.constant 1.000000e+00 : f32
      %max3A_294 = vector.broadcast %max3A_293 : f32 to vector<64x128xf32>
      %max3A_295 = arith.maximumf %get3A_292, %max3A_294 : vector<64x128xf32>
      %div3A = arith.divf %get3A_289, %max3A_295 : vector<64x128xf32>
      %get3A_296 = arith.constant 0 : index
      %get3A_297 = arith.constant 0 : index
      %get3A_298 = vector.load %arg13[%get3A_296, %get3A_297] : memref<64x128xf32, #tpu.memory_space<vmem>>, vector<64x128xf32>
      %eq3A_299 = arith.constant 0xFF800000 : f32
      %eq3A_300 = vector.broadcast %eq3A_299 : f32 to vector<64x128xf32>
      %eq3A_301 = arith.cmpf oeq, %get3A_298, %eq3A_300 : vector<64x128xf32>
      %jit3A = arith.constant 0.000000e+00 : f32
      %broadcast_in_dim3A_302 = vector.broadcast %jit3A : f32 to vector<64x128xf32>
      %select_n3A = arith.select %eq3A_301, %broadcast_in_dim3A_302, %get3A_298 : vector<64x128xi1>, vector<64x128xf32>
      %get3A_303 = arith.constant 0 : index
      %get3A_304 = arith.constant 0 : index
      %get3A_305 = vector.load %arg6[%get3A_303, %get3A_304] : memref<256x128xf32, #tpu.memory_space<vmem>>, vector<128x128xf32>
      %dot_general3A_306 = arith.constant dense<0.000000e+00> : vector<64x128xf32>
      %dot_general3A_307 = tpu.matmul %div3A, %get3A_305, %dot_general3A_306 {dimension_numbers = #tpu.dot_dimension_numbers<[1], [0], [0], [1], [0, 0, 1, 1], [], []>, transpose_lhs_hint = false} : vector<64x128xf32>, vector<128x128xf32>, vector<64x128xf32> -> vector<64x128xf32>
      %get3A_308 = arith.constant 128 : index
      %get3A_309 = arith.constant 0 : index
      %get3A_310 = vector.load %arg6[%get3A_308, %get3A_309] : memref<256x128xf32, #tpu.memory_space<vmem>>, vector<128x128xf32>
      %dot_general3A_311 = arith.constant dense<0.000000e+00> : vector<64x128xf32>
      %dot_general3A_312 = tpu.matmul %select_n3A, %get3A_310, %dot_general3A_311 {dimension_numbers = #tpu.dot_dimension_numbers<[1], [0], [0], [1], [0, 0, 1, 1], [], []>, transpose_lhs_hint = false} : vector<64x128xf32>, vector<128x128xf32>, vector<64x128xf32> -> vector<64x128xf32>
      %add3A_313 = arith.addf %dot_general3A_307, %dot_general3A_312 : vector<64x128xf32>
      %get3A_314 = arith.constant 0 : index
      %get3A_315 = vector.load %arg7[%get3A_314] : memref<128xf32, #tpu.memory_space<vmem>>, vector<128xf32>
      %broadcast_in_dim3A_316 = vector.shape_cast %get3A_315 : vector<128xf32> to vector<1x128xf32>
      %add3A_317 = vector.broadcast %broadcast_in_dim3A_316 : vector<1x128xf32> to vector<64x128xf32>
      %add3A_318 = arith.addf %add3A_313, %add3A_317 : vector<64x128xf32>
      %max3A_319 = arith.constant 0.000000e+00 : f32
      %max3A_320 = vector.broadcast %max3A_319 : f32 to vector<64x128xf32>
      %max3A_321 = arith.maximumf %add3A_318, %max3A_320 : vector<64x128xf32>
      %get3A_322 = arith.constant 0 : index
      %get3A_323 = arith.constant 0 : index
      %get3A_324 = vector.load %arg8[%get3A_322, %get3A_323] : memref<128x10xf32, #tpu.memory_space<vmem>>, vector<128x10xf32>
      %dot_general3A_325 = arith.constant dense<0.000000e+00> : vector<64x10xf32>
      %dot_general3A_326 = tpu.matmul %max3A_321, %get3A_324, %dot_general3A_325 {dimension_numbers = #tpu.dot_dimension_numbers<[1], [0], [0], [1], [0, 0, 1, 1], [], []>, transpose_lhs_hint = false} : vector<64x128xf32>, vector<128x10xf32>, vector<64x10xf32> -> vector<64x10xf32>
      %get3A_327 = arith.constant 0 : index
      %get3A_328 = vector.load %arg9[%get3A_327] : memref<10xf32, #tpu.memory_space<vmem>>, vector<10xf32>
      %broadcast_in_dim3A_329 = vector.shape_cast %get3A_328 : vector<10xf32> to vector<1x10xf32>
      %add3A_330 = vector.broadcast %broadcast_in_dim3A_329 : vector<1x10xf32> to vector<64x10xf32>
      %add3A_331 = arith.addf %dot_general3A_326, %add3A_330 : vector<64x10xf32>
      %reduce_max3A_332 = arith.constant dense<0xFF800000> : vector<64xf32>
      %reduce_max3A_333 = vector.multi_reduction <maximumf>, %add3A_331, %reduce_max3A_332 [1] : vector<64x10xf32> to vector<64xf32>
      %broadcast_in_dim3A_334 = vector.shape_cast %reduce_max3A_333 : vector<64xf32> to vector<64x1xf32>
      %sub3A = vector.broadcast %broadcast_in_dim3A_334 : vector<64x1xf32> to vector<64x10xf32>
      %sub3A_335 = arith.subf %add3A_331, %sub3A : vector<64x10xf32>
      %exp3A = math.exp %sub3A_335 : vector<64x10xf32>
      %reduce_sum3A_336 = arith.constant dense<0.000000e+00> : vector<64xf32>
      %reduce_sum3A_337 = vector.multi_reduction <add>, %exp3A, %reduce_sum3A_336 [1] : vector<64x10xf32> to vector<64xf32>
      %broadcast_in_dim3A_338 = vector.shape_cast %reduce_sum3A_337 : vector<64xf32> to vector<64x1xf32>
      %log3A = math.log %broadcast_in_dim3A_338 : vector<64x1xf32>
      %add3A_339 = arith.addf %log3A, %broadcast_in_dim3A_334 : vector<64x1xf32>
      %sub3A_340 = vector.broadcast %add3A_339 : vector<64x1xf32> to vector<64x10xf32>
      %sub3A_341 = arith.subf %add3A_331, %sub3A_340 : vector<64x10xf32>
      %swap3A_342 = arith.constant 0 : index
      %swap3A_343 = arith.constant 0 : index
      %swap3A_344 = vector.load %arg10[%swap3A_342, %swap3A_343] : memref<64x10xf32, #tpu.memory_space<vmem>>, vector<64x10xf32>
      tpu.vector_store %arg10[%swap3A_342, %swap3A_343], %sub3A_341 {strides = array<i32>} : memref<64x10xf32, #tpu.memory_space<vmem>>, vector<64x10xf32>,
    } else {
    }
    return
  }
  func.func @transform_0(%arg0: i32) -> (i32, i32, i32, i32) {
    %c0_i32 = arith.constant 0 : i32
    %c0_i32_0 = arith.constant 0 : i32
    %c0_i32_1 = arith.constant 0 : i32
    %c0_i32_2 = arith.constant 0 : i32
    return %c0_i32, %c0_i32_0, %c0_i32_1, %arg0 : i32, i32, i32, i32
  }
  func.func @transform_1(%arg0: i32) -> (i32, i32) {
    %c0_i32 = arith.constant 0 : i32
    %c0_i32_0 = arith.constant 0 : i32
    return %arg0, %c0_i32 : i32, i32
  }
  func.func @transform_2(%arg0: i32) -> i32 {
    %c0_i32 = arith.constant 0 : i32
    %c0_i32_0 = arith.constant 0 : i32
    return %c0_i32 : i32
  }
  func.func @transform_3(%arg0: i32) -> (i32, i32, i32) {
    %c0_i32 = arith.constant 0 : i32
    %c0_i32_0 = arith.constant 0 : i32
    %c0_i32_1 = arith.constant 0 : i32
    return %arg0, %c0_i32, %c0_i32_0 : i32, i32, i32
  }
  func.func @transform_4(%arg0: i32) -> (i32, i32) {
    %c0_i32 = arith.constant 0 : i32
    %c0_i32_0 = arith.constant 0 : i32
    return %arg0, %c0_i32 : i32, i32
  }
  func.func @transform_5(%arg0: i32) -> (i32, i32) {
    %c0_i32 = arith.constant 0 : i32
    %c0_i32_0 = arith.constant 0 : i32
    %c0_i32_1 = arith.constant 0 : i32
    return %c0_i32, %c0_i32_0 : i32, i32
  }
  func.func @transform_6(%arg0: i32) -> i32 {
    %c0_i32 = arith.constant 0 : i32
    %c0_i32_0 = arith.constant 0 : i32
    return %c0_i32 : i32
  }
  func.func @transform_7(%arg0: i32) -> (i32, i32) {
    %c0_i32 = arith.constant 0 : i32
    %c0_i32_0 = arith.constant 0 : i32
    %c0_i32_1 = arith.constant 0 : i32
    return %c0_i32, %c0_i32_0 : i32, i32
  }
  func.func @transform_8(%arg0: i32) -> i32 {
    %c0_i32 = arith.constant 0 : i32
    %c0_i32_0 = arith.constant 0 : i32
    return %c0_i32 : i32
  }
  func.func @transform_9(%arg0: i32) -> (i32, i32) {
    %c0_i32 = arith.constant 0 : i32
    %c0_i32_0 = arith.constant 0 : i32
    %c0_i32_1 = arith.constant 0 : i32
    return %c0_i32, %c0_i32_0 : i32, i32
  }
}

</mosaic_0001>

<sc_bundles>
// kernel: kernel.11.cloned.1.call-start
scs
__scs_entry_jumppad:
0x0: {  	(pc) =	sbr.rel $0x88, $3  }
0x1: {  	(tag) =	ssettag $0x0;
	lr =	simm.s32 $0x1  }
0x2: {  	[smem:$0x3F96] =	sst lr;
	_ =	strace $0xD0000000  }
0x3: {  	_ = 	snop  }
0x4: {  	_ = 	snop  }
0x5: {  	_ = 	snop  }
0x6: {  	_ = 	snop  }
0x7: {  	_ = 	snop  }
__scs_overlays_trampoline_lowered:
0x8: {  	[smem:$0x3FA5] =	sst s0  }
0x9: {  	[smem:$0x3FA6] =	sst s1  }
0xa: {  	[smem:$0x3FA7] =	sst s2  }
0xb: {  	[smem:$0x3FA8] =	sst s3  }
0xc: {  	[smem:$0x3FA9] =	sst s4  }
0xd: {  	[smem:$0x3FAA] =	sst s5  }
0xe: {  	[smem:$0x3FAB] =	sst s6  }
0xf: {  	[smem:$0x3FAC] =	sst s7  }
0x10: {  	[smem:$0x3FAD] =	sst s8  }
0x11: {  	[smem:$0x3FAE] =	sst s9;
	s0 =	simm.s32 @!p0 $0x0  }
0x12: {  	s1 =	sld [smem:$0x3F94];
	s0 =	simm.s32 @p0 $0x1  }
0x13: {  	[smem:$0x3FAF] =	sst s0;
	s0 =	simm.s32 @!p1 $0x0  }
0x14: {  	s2 =	sld [smem:$0x3F93];
	s0 =	simm.s32 @p1 $0x1  }
0x15: {  	[smem:$0x3FB0] =	sst s0;
	s0 =	simm.s32 @!p2 $0x0  }
0x16: {  	s3 =	sld [smem:$0x3FDB];
	s0 =	simm.s32 @p2 $0x1  }
0x17: {  	s4 =	simm.s32 $0x1BF5;
	[smem:$0x3FB2] =	sst s0  }
0x18: {  	s0 =	sld [smem:$0x3F95];
	_ =	swait.ge [sflag:s4], $0x0  }
0x19: {  	s7 =	sld [smem:$0x3F96]  }
0x1a: {  	s8 =	sadd.s32 $0xFFFFE003, lr  }
0x1b: {  	s9 =	sadd.s32 $0xFFFFFEF7, lr;
	s5 =	simm.s32 $0xFFFFFFFF;
	p2 =	slt.u32 s8, $0xFFFFF086  }
0x1c: {  	p1 =	slt.u32 s9, $0xF7A;
	s5 =	simm.s32 @!p2 $0x0  }
0x1d: {  	s5 =	simm.s32 @p1 $0x1;
	p0 =	seq.s32 s7, s2  }
0x1e: {  	s7 =	smul.u32 @!p0 $0xF7A, s2;
	p2 =	seq.s32 @!p0 s5, $0x0  }
0x1f: {  	s9 =	smul.u32 $0xF7A, s1;
	s8 =	simm.s32 @!p0 $0x1BF5;
	p2 =	por !p2, p0  }
0x20: {  	[sflag:s8] =	ssyncset.s32 @!p0 $0xFFFFF086;
	s6 =	sadd.s32 @!p0 s3, s7;
	s7 =	simm.s32 @!p0 $0x108  }
0x21: {  	s3 =	sadd.s32 s3, s9;
	s6 =	sadd.s32 @!p0 $0x88, s6;
	s7 =	simm.s32 @p2 $0x1082  }
0x22: {  	[simem:s7], [sflag:s8] =	dma.local @!p0 [hbm:s6], $0xF7A  }
0x23: {  	s9 =	sor.u32 $0xD0000000, s2;
	s6 =	simm.s32 $0x108;
	_ =	swait.ge @!p0 [sflag:s8], $0x0  }
0x24: {  	s3 =	sadd.s32 $0x88, s3;
	s6 =	simm.s32 @!p1 $0x1082;
	[sflag:s4] =	ssyncset.s32 $0xFFFFF086  }
0x25: {  	[simem:s6], [sflag:s4] =	dma.local [hbm:s3], $0xF7A  }
0x26: {  	[smem:$0x3F96] =	sst s1;
	(tag) =	ssettag s2;
	_ =	strace s9  }
0x27: {  	s1 =	sld [smem:$0x3FA6]  }
0x28: {  	s2 =	sld [smem:$0x3FA7]  }
0x29: {  	s4 =	sld [smem:$0x3FA9]  }
0x2a: {  	p0 =	seq.s32 s5, $0x0;
	s5 =	sld [smem:$0x3FAA]  }
0x2b: {  	s6 =	sld [smem:$0x3FAB]  }
0x2c: {  	s7 =	sld [smem:$0x3FAC]  }
0x2d: {  	s3 =	simm.s32 $0x108;
	s8 =	sld [smem:$0x3FAD]  }
0x2e: {  	s3 =	simm.s32 @!p0 $0x1082;
	s9 =	sld [smem:$0x3FAE]  }
0x2f: {  	lr =	sadd.s32 s0, s3;
	s0 =	sld [smem:$0x3FA5]  }
0x30: {  	s3 =	sld [smem:$0x3FA8]  }
0x31: {  	[smem:$0x3FB1] =	sst s10  }
0x32: {  	s10 =	sld [smem:$0x3FAF];
	_ =	sdelay $0x3  }
0x33: {  	p0 =	seq.s32 s10, $0x1;
	s10 =	sld [smem:$0x3FB1];
	_ =	sdelay $0x3  }
0x34: {  	[smem:$0x3FB1] =	sst s10  }
0x35: {  	s10 =	sld [smem:$0x3FB0];
	_ =	sdelay $0x3  }
0x36: {  	p1 =	seq.s32 s10, $0x1;
	s10 =	sld [smem:$0x3FB1];
	_ =	sdelay $0x3  }
0x37: {  	[smem:$0x3FB1] =	sst s10  }
0x38: {  	s10 =	sld [smem:$0x3FB2]  }
0x39: {  	_ = 	snop;
	(pc) =	sbr.ind lr, $3  }
0x3a: {  	_ = 	snop  }
0x3b: {  	_ = 	snop  }
0x3c: {  	p2 =	seq.s32 s10, $0x1;
	s10 =	sld [smem:$0x3FB1]  }
0x3d: {  	_ =	shalt  }
0x3e: {  	_ =	shalt  }
0x3f: {  	_ =	shalt  }
0x40: {  	_ =	shalt  }
0x41: {  	_ =	shalt  }
0x42: {  	_ =	shalt  }
0x43: {  	_ =	shalt  }
0x44: {  	_ =	shalt  }
0x45: {  	_ =	shalt  }
0x46: {  	_ =	shalt  }
0x47: {  	_ =	shalt  }
0x48: {  	_ =	shalt  }
0x49: {  	_ =	shalt  }
0x4a: {  	_ =	shalt  }
0x4b: {  	_ =	shalt  }
0x4c: {  	_ =	shalt  }
0x4d: {  	_ =	shalt  }
0x4e: {  	_ =	shalt  }
0x4f: {  	_ =	shalt  }
0x50: {  	_ =	shalt  }
0x51: {  	_ =	shalt  }
0x52: {  	_ =	shalt  }
0x53: {  	_ =	shalt  }
0x54: {  	_ =	shalt  }
0x55: {  	_ =	shalt  }
0x56: {  	_ =	shalt  }
0x57: {  	_ =	shalt  }
0x58: {  	_ =	shalt  }
0x59: {  	_ =	shalt  }
0x5a: {  	_ =	shalt  }
0x5b: {  	_ =	shalt  }
0x5c: {  	_ =	shalt  }
0x5d: {  	_ =	shalt  }
0x5e: {  	_ =	shalt  }
0x5f: {  	_ =	shalt  }
0x60: {  	_ =	shalt  }
0x61: {  	_ =	shalt  }
0x62: {  	_ =	shalt  }
0x63: {  	_ =	shalt  }
0x64: {  	_ =	shalt  }
0x65: {  	_ =	shalt  }
0x66: {  	_ =	shalt  }
0x67: {  	_ =	shalt  }
0x68: {  	_ =	shalt  }
0x69: {  	_ =	shalt  }
0x6a: {  	_ =	shalt  }
0x6b: {  	_ =	shalt  }
0x6c: {  	_ =	shalt  }
0x6d: {  	_ =	shalt  }
0x6e: {  	_ =	shalt  }
0x6f: {  	_ =	shalt  }
0x70: {  	_ =	shalt  }
0x71: {  	_ =	shalt  }
0x72: {  	_ =	shalt  }
0x73: {  	_ =	shalt  }
0x74: {  	_ =	shalt  }
0x75: {  	_ =	shalt  }
0x76: {  	_ =	shalt  }
0x77: {  	_ =	shalt  }
0x78: {  	_ =	shalt  }
0x79: {  	_ =	shalt  }
0x7a: {  	_ =	shalt  }
0x7b: {  	_ =	shalt  }
0x7c: {  	_ =	shalt  }
0x7d: {  	_ =	shalt  }
0x7e: {  	_ =	shalt  }
0x7f: {  	_ =	shalt  }
0x80: {  	_ =	shalt  }
0x81: {  	_ =	shalt  }
0x82: {  	_ =	shalt  }
0x83: {  	_ =	shalt  }
0x84: {  	_ =	shalt  }
0x85: {  	_ =	shalt  }
0x86: {  	_ =	shalt  }
0x87: {  	_ =	shalt  }
.Lfunc_end0:
.L_simem_size_0:
called_computation.1_lowered:
.L_overlay_start_0:
0x88: {  	s2 =	sld [smem:$0x3FD9]  }
0x89: {  	s3 =	sld [smem:$0x3FFE];
	_ =	sdelay $0x1  }
0x8a: {  	s1 =	srdreg.scid  }
0x8b: {  	s0 =	sand.u32 $0x1, s1  }
0x8c: {  	s16 =	sshll.u32 s0, $0xA;
	s2 =	sadd.s32 s3, s2  }
0x8d: {  	s2 =	sadd.s32 s2, s16  }
0x8e: {  	[smem:$0x3FBD] =	sst s2  }
0x8f: {  	_ = 	snop  }
0x90: {  	(tm) =	ssettm $0x1  }
0x91: {  	s17 =	sld [smem:$0x3FFB];
	_ =	sdelay $0x3  }
0x92: {  	_ =	strace s17  }
0x93: {  	s2 =	sld [smem:$0x3FFC];
	_ =	sdelay $0x3  }
0x94: {  	_ =	strace s2  }
0x95: {  	s2 =	sld [smem:$0x3FFD];
	_ =	sdelay $0x3  }
0x96: {  	_ =	strace s2  }
0x97: {  	_ =	strace $0x8FFFFFFF  }
0x98: {  	s18 =	sld [smem:$0x3FDB];
	_ =	sdelay $0x1  }
0x99: {  	s19 =	simm.s32 $_scs_section_size  }
0x9a: {  	s4 =	simm.s32 $_size__tile_overlayer_lowered;
	s5 =	simm.s32 $_tile_overlayer_lowered  }
0x9b: {  	s22 =	simm.s32 $0x1BFF;
	s21 =	sshll.u32 s5, $0x1;
	s2 =	sadd.s32 s19, s18  }
0x9c: {  	s6 =	simm.s32 $0x0;
	s20 =	sshll.u32 s4, $0x1;
	s4 =	sadd.s32 s21, s2  }
0x9d: {  	[timem:s6], [sflag:s22] =	dma.local [hbm:s4], s20  }
0x9e: {  	_ =	swait.ge [sflag:s22], s20  }
0x9f: {  	s3 =	ssub.s32 $0x0, s20;
	[sflag:s22] =	ssyncset.done $0x0  }
0xa0: {  	[sflag:s22] =	ssyncadd.s32 s3;
	_ =	sdelay $0x1  }
0xa1: {  	s23 =	simm.s32 $0x1B8B  }
0xa2: {  	_ =	swait.ge [sflag:s23], $0x1  }
0xa3: {  	[sflag:s23] =	ssyncset.done $0x0  }
0xa4: {  	s25 =	simm.s32 $0x1B8E;
	s24 =	sld [smem:$0x3FFE];
	[sflag:s23] =	ssyncadd.s32 $0xFFFFFFFF  }
0xa5: {  	s26 =	simm.s32 $execute0_lowered;
	[smem:$0x3FD2] =	sst s25  }
0xa6: {  	s4 =	sshll.u32 s26, $0x1;
	_ =	strace $0x80000049;
	[dreg:$0x1] =	wrdreg $0xFFFFFFFF  }
0xa7: {  	s28 =	simm.s32 $_size_execute0_lowered;
	s2 =	sadd.s32 s2, s4;
	[dreg:$0x0] =	wrdreg $0x0  }
0xa8: {  	s4 =	sshll.u32 s28, $0x1;
	[dreg:$0x2] =	wrdreg s2  }
0xa9: {  	[dreg:$0x3] =	wrdreg s4  }
0xaa: {  	[dreg:$0x4] =	wrdreg $0xC0  }
0xab: {  	_ =	task [dreg:s6], $0x5FFFF  }
0xac: {  	[dreg:$0x1] =	wrdreg $0xFFFFFFFF  }
0xad: {  	[dreg:$0x0] =	wrdreg $0x60  }
0xae: {  	[dreg:$0x2] =	wrdreg s24  }
0xaf: {  	[dreg:$0x3] =	wrdreg $0x9  }
0xb0: {  	_ =	task.clear_ibuf [dreg:s6], $0x4FFFF;
	_ =	strace $0x90000049  }
0xb1: {  	s29 =	simm.s32 $0x9;
	_ =	strace $0x8000004B  }
0xb2: {  	_ =	swait.ge [sflag:s29], $0x1  }
0xb3: {  	[sflag:s29] =	ssyncadd.s32 $0xFFFFFFFF  }
0xb4: {  	_ =	strace $0x9000004B  }
0xb5: {  	_ =	sfence  }
0xb6: {  	s30 =	sld [smem:$0x0];
	_ =	sdelay $0x2  }
0xb7: {  	s31 =	sshll.u32 s1, $0xD;
	s1 =	sshrl.u32 s1, $0x2  }
0xb8: {  	s3 =	sand.u32 $0x4000, s31;
	s1 =	sadd.s32 s1, s30  }
0xb9: {  	s0 =	sor.u32 s3, s0;
	s1 =	sshll.u32 s1, $0x11  }
0xba: {  	s0 =	sor.u32 s1, s0  }
0xbb: {  	s0 =	sadd.s32 $0x8F2B, s0  }
0xbc: {  	[sflag:s0] =	ssyncadd.remote.s32 $0x1  }
0xbd: {  	_ =	sfence.sel $0xFFFF  }
0xbe: {  	[dreg:$0x0] =	wrdreg $0xFFFFFFFF;
	(pc) =	sbr.abs _section_cstart, $3  }
0xbf: {  	[dreg:$0x1] =	wrdreg $0xFFFFFFFF  }
0xc0: {  	_ =	task.clear_ibuf [dreg:s6], $0x2FFFF;
	_ =	strace $0x9FFFFFFF  }
0xc1: {  	(tm) =	ssettm $0x7FFFFFFF  }
tec
execute0_lowered:
.L_overlay_start_1:
0x0: {  	(tag) =	ssettag $0x1  }
0x1: {  	s0 =	rddreg [dreg:$0x0]  }
0x2: {  	s2 =	simm.s32 $0x0;
	s1 =	srdreg.scid;
	s3 =	stileid.u32  }
0x3: {  	s18 =	simm.s32 $0x80;
	s19 =	simm.s32 $0x200;
	s20 =	simm.s32 $0x3  }
0x4: {  	s28 =	simm.s32 $0x11800;
	s31 =	simm.s32 $0x1;
	s29 =	simm.s32 $0x2  }
0x5: {  	s30 =	simm.s32 $0x0;
	[smem:$0x7FF] =	sst s2;
	s1 =	sand.u32 $0x1, s1  }
0x6: {  	s6 =	sadd.s32 $0xDA00, s0;
	s7 =	smul.u32 $0xA000, s3;
	s12 =	sadd.s32 $0x49A00, s0  }
0x7: {  	s3 =	sadd.s32 $0x3FA00, s0;
	s5 =	smul.u32 $0xA0000, s1;
	s1 =	ssub.s32 $0x2, s1  }
0x8: {  	s4 =	sadd.s32 $0x3A00, s0;
	s0 =	sadd.s32 $0x99A00, s0;
	s8 =	sshrl.u32 s1, $0x1  }
0x9: {  	_ =	strace $0x8000004A;
	s5 =	sadd.s32 s7, s5;
	s1 =	ssub.s32 s1, s8  }
0xa: {  	s5 =	sshrl.u32 s5, $0x3;
	s17 =	smax.u32 s1, $0x1;
	s1 =	simm.s32 $0x17000  }
0xb: {  	s21 =	sadd.s32 s6, s5;
	s22 =	sadd.s32 s12, s5;
	s23 =	sor.u32 $0x10, s5  }
0xc: {  	s15 =	sor.u32 $0x20, s5;
	s16 =	sor.u32 $0x30, s5;
	[dreg:$0x2] =	wrdreg s21  }
0xd: {  	s13 =	sadd.s32 s0, s5;
	[dreg:$0x3] =	wrdreg s22;
	s24 =	sadd.s32 s6, s23  }
0xe: {  	s25 =	sadd.s32 s12, s23;
	s26 =	sadd.s32 s6, s15;
	s10 =	sadd.s32 s12, s15  }
0xf: {  	s11 =	sadd.s32 s6, s16;
	s12 =	sadd.s32 s12, s16;
	s14 =	sadd.s32 s0, s23  }
0x10: {  	s15 =	sadd.s32 s0, s15;
	s16 =	sadd.s32 s0, s16;
	[dreg:$0x4] =	wrdreg s24  }
0x11: {  	s21 =	simm.s32 $0xA000;
	s22 =	simm.s32 $0x2800;
	[dreg:$0x5] =	wrdreg s25  }
0x12: {  	s23 =	simm.s32 $0xC800;
	s0 =	simm.s32 $0x16000;
	[dreg:$0x6] =	wrdreg s26  }
0x13: {  	s24 =	simm.s32 $0x5000;
	s25 =	simm.s32 $0xF000;
	s26 =	simm.s32 $0x7800  }
.LBB2_1:
0x14: {  	s5 =	rddreg [dreg:$0x2]  }
0x15: {  	[tilespmem:s2], [sflag:$0x3] =	stream.strided.gather [hbm4b:s5+s18], $0x2800, s19, s18, $0x38;
	[tilespmem:$0x18000] =	vst v63  }
0x16: {  	_ =	swait.ge [sflag:s20], $0x2800  }
0x17: {  	[sflag:s20] =	ssyncset.done $0x0  }
0x18: {  	s8 =	rddreg [dreg:$0x3];
	[sflag:s20] =	ssyncadd.s32 $0xFFFFD800  }
0x19: {  	[tilespmem:s21], [sflag:$0x3] =	stream.strided.gather [hbm4b:s8+s18], $0x2800, s19, s18, $0x38;
	[tilespmem:$0x18000] =	vst v63  }
0x1a: {  	_ =	swait.ge [sflag:s20], $0x2800  }
0x1b: {  	[sflag:s20] =	ssyncset.done $0x0  }
0x1c: {  	s9 =	rddreg [dreg:$0x4];
	[sflag:s20] =	ssyncadd.s32 $0xFFFFD800  }
0x1d: {  	[tilespmem:s22], [sflag:$0x3] =	stream.strided.gather [hbm4b:s9+s18], $0x2800, s19, s18, $0x38;
	[tilespmem:$0x18000] =	vst v63  }
0x1e: {  	_ =	swait.ge [sflag:s20], $0x2800  }
0x1f: {  	[sflag:s20] =	ssyncset.done $0x0  }
0x20: {  	s6 =	rddreg [dreg:$0x5];
	[sflag:s20] =	ssyncadd.s32 $0xFFFFD800  }
0x21: {  	[tilespmem:s23], [sflag:$0x3] =	stream.strided.gather [hbm4b:s6+s18], $0x2800, s19, s18, $0x38;
	[tilespmem:$0x18000] =	vst v63  }
0x22: {  	_ =	swait.ge [sflag:s20], $0x2800  }
0x23: {  	[sflag:s20] =	ssyncset.done $0x0  }
0x24: {  	s7 =	rddreg [dreg:$0x6];
	[sflag:s20] =	ssyncadd.s32 $0xFFFFD800  }
0x25: {  	[tilespmem:s24], [sflag:$0x3] =	stream.strided.gather [hbm4b:s7+s18], $0x2800, s19, s18, $0x38;
	[tilespmem:$0x18000] =	vst v63  }
0x26: {  	_ =	swait.ge [sflag:s20], $0x2800  }
0x27: {  	[sflag:s20] =	ssyncset.done $0x0  }
0x28: {  	[sflag:s20] =	ssyncadd.s32 $0xFFFFD800  }
0x29: {  	[tilespmem:s25], [sflag:$0x3] =	stream.strided.gather [hbm4b:s10+s18], $0x2800, s19, s18, $0x38;
	[tilespmem:$0x18000] =	vst v63  }
0x2a: {  	_ =	swait.ge [sflag:s20], $0x2800  }
0x2b: {  	[sflag:s20] =	ssyncset.done $0x0  }
0x2c: {  	[sflag:s20] =	ssyncadd.s32 $0xFFFFD800  }
0x2d: {  	[tilespmem:s26], [sflag:$0x3] =	stream.strided.gather [hbm4b:s11+s18], $0x2800, s19, s18, $0x38;
	[tilespmem:$0x18000] =	vst v63  }
0x2e: {  	_ =	swait.ge [sflag:s20], $0x2800  }
0x2f: {  	[sflag:s20] =	ssyncset.done $0x0  }
0x30: {  	[sflag:s20] =	ssyncadd.s32 $0xFFFFD800  }
0x31: {  	[tilespmem:s28], [sflag:$0x3] =	stream.strided.gather [hbm4b:s12+s18], $0x2800, s19, s18, $0x38;
	[tilespmem:$0x18000] =	vst v63  }
0x32: {  	_ =	swait.ge [sflag:s20], $0x2800  }
0x33: {  	[sflag:s20] =	ssyncset.done $0x0  }
0x34: {  	s8 =	simm.s32 $0x14000;
	[sflag:s20] =	ssyncadd.s32 $0xFFFFD800  }
0x35: {  	[tilespmem:s8], [sflag:$0x1] =	stream.linear.gather [hbm4b:s3+s2], $0x1000, $0x38;
	[tilespmem:$0x18000] =	vst v63  }
0x36: {  	s5 =	simm.s32 $0x0;
	s9 =	simm.s32 $0x15000  }
0x37: {  	[tilespmem:s9], [sflag:$0x1] =	stream.linear.gather [hbm4b:s4+s2], $0x1000, $0x38;
	[tilespmem:$0x18000] =	vst v63  }
.LBB2_2:
0x38: {  	_ =	swait.ge [sflag:s31], $0x1000  }
0x39: {  	[sflag:s31] =	ssyncset.done $0x0  }
0x3a: {  	[sflag:s31] =	ssyncadd.s32 $0xFFFFF000  }
0x3b: {  	s6 =	sshll.u32 s5, $0xA;
	_ =	swait.ge [sflag:s31], $0x1000  }
0x3c: {  	s8 =	sor.u32 $0x200, s6;
	[sflag:s31] =	ssyncset.done $0x0  }
0x3d: {  	s7 =	simm.s32 $0x0;
	s9 =	sadd.s32 s3, s8;
	[sflag:s31] =	ssyncadd.s32 $0xFFFFF000  }
0x3e: {  	[tilespmem:s0], [sflag:$0x2] =	stream.linear.gather [hbm4b:s9+s7], $0x1000, $0x38;
	[tilespmem:$0x18000] =	vst v63  }
0x3f: {  	s8 =	sadd.s32 s4, s8  }
0x40: {  	[tilespmem:s1], [sflag:$0x2] =	stream.linear.gather [hbm4b:s8+s7], $0x1000, $0x38;
	[tilespmem:$0x18000] =	vst v63  }
.LBB2_3:
0x41: {  	s8 =	sshra.s32 s7, $0x2  }
0x42: {  	v0 =	vld [tilespmem:s8+$0x14000];
	_ =	sdelay $0x4  }
0x43: {  	v1 =	vld [tilespmem:s8+$0x15000];
	_ =	sdelay $0x2  }
0x44: {  	v2 =	vld.idx.msk [tilespmem:v0+s2+$0x0], $0xffff;
	_ =	sdelay $0x4  }
0x45: {  	[tilespmem:v1+s21+$0x0] =	vst.idx.add.f32.msk $0xffff, v2  }
0x46: {  	v2 =	vld.idx.msk [tilespmem:v0+s22+$0x0], $0xffff;
	_ =	sdelay $0x4  }
0x47: {  	[tilespmem:v1+s23+$0x0] =	vst.idx.add.f32.msk $0xffff, v2  }
0x48: {  	v2 =	vld.idx.msk [tilespmem:v0+s24+$0x0], $0xffff;
	_ =	sdelay $0x4  }
0x49: {  	[tilespmem:v1+s25+$0x0] =	vst.idx.add.f32.msk $0xffff, v2  }
0x4a: {  	v0 =	vld.idx.msk [tilespmem:v0+s26+$0x0], $0xffff;
	_ =	sdelay $0x4  }
0x4b: {  	[tilespmem:v1+s28+$0x0] =	vst.idx.add.f32.msk $0xffff, v0  }
0x4c: {  	v0 =	vld [tilespmem:s8+$0x14010];
	_ =	sdelay $0x4  }
0x4d: {  	v1 =	vld [tilespmem:s8+$0x15010];
	_ =	sdelay $0x2  }
0x4e: {  	v2 =	vld.idx.msk [tilespmem:v0+s2+$0x0], $0xffff;
	_ =	sdelay $0x4  }
0x4f: {  	[tilespmem:v1+s21+$0x0] =	vst.idx.add.f32.msk $0xffff, v2  }
0x50: {  	v2 =	vld.idx.msk [tilespmem:v0+s22+$0x0], $0xffff;
	_ =	sdelay $0x4  }
0x51: {  	[tilespmem:v1+s23+$0x0] =	vst.idx.add.f32.msk $0xffff, v2  }
0x52: {  	v2 =	vld.idx.msk [tilespmem:v0+s24+$0x0], $0xffff;
	_ =	sdelay $0x4  }
0x53: {  	[tilespmem:v1+s25+$0x0] =	vst.idx.add.f32.msk $0xffff, v2  }
0x54: {  	v0 =	vld.idx.msk [tilespmem:v0+s26+$0x0], $0xffff;
	_ =	sdelay $0x4  }
0x55: {  	[tilespmem:v1+s28+$0x0] =	vst.idx.add.f32.msk $0xffff, v0  }
0x56: {  	v0 =	vld [tilespmem:s8+$0x14020];
	_ =	sdelay $0x4  }
0x57: {  	v1 =	vld [tilespmem:s8+$0x15020];
	_ =	sdelay $0x2  }
0x58: {  	v2 =	vld.idx.msk [tilespmem:v0+s2+$0x0], $0xffff;
	_ =	sdelay $0x4  }
0x59: {  	[tilespmem:v1+s21+$0x0] =	vst.idx.add.f32.msk $0xffff, v2  }
0x5a: {  	v2 =	vld.idx.msk [tilespmem:v0+s22+$0x0], $0xffff;
	_ =	sdelay $0x4  }
0x5b: {  	[tilespmem:v1+s23+$0x0] =	vst.idx.add.f32.msk $0xffff, v2  }
0x5c: {  	v2 =	vld.idx.msk [tilespmem:v0+s24+$0x0], $0xffff;
	_ =	sdelay $0x4  }
0x5d: {  	[tilespmem:v1+s25+$0x0] =	vst.idx.add.f32.msk $0xffff, v2  }
0x5e: {  	v0 =	vld.idx.msk [tilespmem:v0+s26+$0x0], $0xffff;
	_ =	sdelay $0x4  }
0x5f: {  	[tilespmem:v1+s28+$0x0] =	vst.idx.add.f32.msk $0xffff, v0  }
0x60: {  	v0 =	vld [tilespmem:s8+$0x14030];
	_ =	sdelay $0x4  }
0x61: {  	v1 =	vld [tilespmem:s8+$0x15030];
	_ =	sdelay $0x2  }
0x62: {  	v2 =	vld.idx.msk [tilespmem:v0+s2+$0x0], $0xffff;
	_ =	sdelay $0x4  }
0x63: {  	[tilespmem:v1+s21+$0x0] =	vst.idx.add.f32.msk $0xffff, v2  }
0x64: {  	v2 =	vld.idx.msk [tilespmem:v0+s22+$0x0], $0xffff;
	_ =	sdelay $0x4  }
0x65: {  	[tilespmem:v1+s23+$0x0] =	vst.idx.add.f32.msk $0xffff, v2  }
0x66: {  	v2 =	vld.idx.msk [tilespmem:v0+s24+$0x0], $0xffff;
	_ =	sdelay $0x4  }
0x67: {  	[tilespmem:v1+s25+$0x0] =	vst.idx.add.f32.msk $0xffff, v2  }
0x68: {  	p0 =	sne.s32 s7, $0x3F00;
	v0 =	vld.idx.msk [tilespmem:v0+s26+$0x0], $0xffff  }
.Ltmp0:
0x69: {  	_ = 	snop;
	(pc) =	sbr.rel @p0 .LBB2_3-.Ltmp0, $2  }
0x6a: {  	_ =	sdelay $0x2  }
0x6b: {  	s7 =	sadd.s32 $0x100, s7;
	[tilespmem:v1+s28+$0x0] =	vst.idx.add.f32.msk $0xffff, v0  }
0x6c: {  	_ =	swait.ge [sflag:s29], $0x1000  }
0x6d: {  	[sflag:s29] =	ssyncset.done $0x0  }
0x6e: {  	[sflag:s29] =	ssyncadd.s32 $0xFFFFF000  }
0x6f: {  	p0 =	seq.s32 s5, $0x27;
	_ =	swait.ge [sflag:s29], $0x1000  }
0x70: {  	s6 =	sadd.s32 @!p0 $0x400, s6;
	s8 =	simm.s32 @!p0 $0x0;
	[sflag:s29] =	ssyncset.done $0x0  }
0x71: {  	s9 =	simm.s32 @!p0 $0x14000;
	s7 =	sadd.s32 @!p0 s3, s6;
	[sflag:s29] =	ssyncadd.s32 $0xFFFFF000  }
0x72: {  	[tilespmem:s9], [sflag:$0x1] =	stream.linear.gather @!p0 [hbm4b:s7+s8], $0x1000, $0x38;
	[tilespmem:$0x18000] =	vst v63  }
0x73: {  	s6 =	sadd.s32 @!p0 s4, s6;
	s7 =	simm.s32 @!p0 $0x15000  }
0x74: {  	[tilespmem:s7], [sflag:$0x1] =	stream.linear.gather @!p0 [hbm4b:s6+s8], $0x1000, $0x38;
	[tilespmem:$0x18000] =	vst v63  }
0x75: {  	s6 =	simm.s32 $0x0  }
.LBB2_5:
0x76: {  	s7 =	sshra.s32 s6, $0x2  }
0x77: {  	v0 =	vld [tilespmem:s7+$0x16000];
	_ =	sdelay $0x4  }
0x78: {  	v1 =	vld [tilespmem:s7+$0x17000];
	_ =	sdelay $0x2  }
0x79: {  	v2 =	vld.idx.msk [tilespmem:v0+s2+$0x0], $0xffff;
	_ =	sdelay $0x4  }
0x7a: {  	[tilespmem:v1+s21+$0x0] =	vst.idx.add.f32.msk $0xffff, v2  }
0x7b: {  	v2 =	vld.idx.msk [tilespmem:v0+s22+$0x0], $0xffff;
	_ =	sdelay $0x4  }
0x7c: {  	[tilespmem:v1+s23+$0x0] =	vst.idx.add.f32.msk $0xffff, v2  }
0x7d: {  	v2 =	vld.idx.msk [tilespmem:v0+s24+$0x0], $0xffff;
	_ =	sdelay $0x4  }
0x7e: {  	[tilespmem:v1+s25+$0x0] =	vst.idx.add.f32.msk $0xffff, v2  }
0x7f: {  	v0 =	vld.idx.msk [tilespmem:v0+s26+$0x0], $0xffff;
	_ =	sdelay $0x4  }
0x80: {  	[tilespmem:v1+s28+$0x0] =	vst.idx.add.f32.msk $0xffff, v0  }
0x81: {  	v0 =	vld [tilespmem:s7+$0x16010];
	_ =	sdelay $0x4  }
0x82: {  	v1 =	vld [tilespmem:s7+$0x17010];
	_ =	sdelay $0x2  }
0x83: {  	v2 =	vld.idx.msk [tilespmem:v0+s2+$0x0], $0xffff;
	_ =	sdelay $0x4  }
0x84: {  	[tilespmem:v1+s21+$0x0] =	vst.idx.add.f32.msk $0xffff, v2  }
0x85: {  	v2 =	vld.idx.msk [tilespmem:v0+s22+$0x0], $0xffff;
	_ =	sdelay $0x4  }
0x86: {  	[tilespmem:v1+s23+$0x0] =	vst.idx.add.f32.msk $0xffff, v2  }
0x87: {  	v2 =	vld.idx.msk [tilespmem:v0+s24+$0x0], $0xffff;
	_ =	sdelay $0x4  }
0x88: {  	[tilespmem:v1+s25+$0x0] =	vst.idx.add.f32.msk $0xffff, v2  }
0x89: {  	v0 =	vld.idx.msk [tilespmem:v0+s26+$0x0], $0xffff;
	_ =	sdelay $0x4  }
0x8a: {  	[tilespmem:v1+s28+$0x0] =	vst.idx.add.f32.msk $0xffff, v0  }
0x8b: {  	v0 =	vld [tilespmem:s7+$0x16020];
	_ =	sdelay $0x4  }
0x8c: {  	v1 =	vld [tilespmem:s7+$0x17020];
	_ =	sdelay $0x2  }
0x8d: {  	v2 =	vld.idx.msk [tilespmem:v0+s2+$0x0], $0xffff;
	_ =	sdelay $0x4  }
0x8e: {  	[tilespmem:v1+s21+$0x0] =	vst.idx.add.f32.msk $0xffff, v2  }
0x8f: {  	v2 =	vld.idx.msk [tilespmem:v0+s22+$0x0], $0xffff;
	_ =	sdelay $0x4  }
0x90: {  	[tilespmem:v1+s23+$0x0] =	vst.idx.add.f32.msk $0xffff, v2  }
0x91: {  	v2 =	vld.idx.msk [tilespmem:v0+s24+$0x0], $0xffff;
	_ =	sdelay $0x4  }
0x92: {  	[tilespmem:v1+s25+$0x0] =	vst.idx.add.f32.msk $0xffff, v2  }
0x93: {  	v0 =	vld.idx.msk [tilespmem:v0+s26+$0x0], $0xffff;
	_ =	sdelay $0x4  }
0x94: {  	[tilespmem:v1+s28+$0x0] =	vst.idx.add.f32.msk $0xffff, v0  }
0x95: {  	v0 =	vld [tilespmem:s7+$0x16030];
	_ =	sdelay $0x4  }
0x96: {  	v1 =	vld [tilespmem:s7+$0x17030];
	_ =	sdelay $0x2  }
0x97: {  	v2 =	vld.idx.msk [tilespmem:v0+s2+$0x0], $0xffff;
	_ =	sdelay $0x4  }
0x98: {  	[tilespmem:v1+s21+$0x0] =	vst.idx.add.f32.msk $0xffff, v2  }
0x99: {  	v2 =	vld.idx.msk [tilespmem:v0+s22+$0x0], $0xffff;
	_ =	sdelay $0x4  }
0x9a: {  	[tilespmem:v1+s23+$0x0] =	vst.idx.add.f32.msk $0xffff, v2  }
0x9b: {  	v2 =	vld.idx.msk [tilespmem:v0+s24+$0x0], $0xffff;
	_ =	sdelay $0x4  }
0x9c: {  	[tilespmem:v1+s25+$0x0] =	vst.idx.add.f32.msk $0xffff, v2  }
0x9d: {  	p0 =	sne.s32 s6, $0x3F00;
	v0 =	vld.idx.msk [tilespmem:v0+s26+$0x0], $0xffff  }
.Ltmp1:
0x9e: {  	_ = 	snop;
	(pc) =	sbr.rel @p0 .LBB2_5-.Ltmp1, $2  }
0x9f: {  	_ =	sdelay $0x2  }
0xa0: {  	s6 =	sadd.s32 $0x100, s6;
	[tilespmem:v1+s28+$0x0] =	vst.idx.add.f32.msk $0xffff, v0  }
0xa1: {  	s5 =	sadd.s32 $0x1, s5  }
0xa2: {  	p0 =	sne.s32 s5, $0x28  }
.Ltmp2:
0xa3: {  	_ = 	snop;
	(pc) =	sbr.rel @p0 .LBB2_2-.Ltmp2, $1  }
0xa4: {  	_ =	sdelay $0x3  }
0xa5: {  	[hbm4b:s13+s18] =	stream.strided.scatter [tilespmem:s21], [sflag:$0x3], $0x2800, s19, s18, $0x38;
	[tilespmem:$0x18000] =	vst v63  }
0xa6: {  	_ =	swait.ge [sflag:s20], $0x2800  }
0xa7: {  	[sflag:s20] =	ssyncset.done $0x0  }
0xa8: {  	[sflag:s20] =	ssyncadd.s32 $0xFFFFD800  }
0xa9: {  	[hbm4b:s14+s18] =	stream.strided.scatter [tilespmem:s23], [sflag:$0x3], $0x2800, s19, s18, $0x38;
	[tilespmem:$0x18000] =	vst v63  }
0xaa: {  	_ =	swait.ge [sflag:s20], $0x2800  }
0xab: {  	[sflag:s20] =	ssyncset.done $0x0  }
0xac: {  	[sflag:s20] =	ssyncadd.s32 $0xFFFFD800  }
0xad: {  	[hbm4b:s15+s18] =	stream.strided.scatter [tilespmem:s25], [sflag:$0x3], $0x2800, s19, s18, $0x38;
	[tilespmem:$0x18000] =	vst v63  }
0xae: {  	s30 =	sadd.s32 $0x1, s30;
	_ =	swait.ge [sflag:s20], $0x2800  }
0xaf: {  	p0 =	sne.s32 s30, s17;
	[sflag:s20] =	ssyncset.done $0x0  }
.Ltmp3:
0xb0: {  	[sflag:s20] =	ssyncadd.s32 $0xFFFFD800;
	(pc) =	sbr.rel @p0 .LBB2_1-.Ltmp3, $4  }
0xb1: {  	[hbm4b:s16+s18] =	stream.strided.scatter [tilespmem:s28], [sflag:$0x3], $0x2800, s19, s18, $0x38;
	[tilespmem:$0x18000] =	vst v63  }
0xb2: {  	_ =	swait.ge [sflag:s20], $0x2800  }
0xb3: {  	[sflag:s20] =	ssyncset.done $0x0  }
0xb4: {  	[sflag:s20] =	ssyncadd.s32 $0xFFFFD800  }
0xb5: {  	_ =	sfence.sel $0x180000  }
0xb6: {  	[bflag:$0x0] =	sbarrier.arrive $0xFFFF  }
0xb7: {  	_ =	strace $0x9000004A  }
0xb8: {  	s0 =	stileid.u32;
	[bflag:$0x2] =	sbarrier.arrive $0xFFFF  }
0xb9: {  	p0 =	sne.s32 s0, $0x0;
	s0 =	rddreg [dreg:$0x1]  }
0xba: {  	s0 =	sadd.s32 @!p0 $0x100000, s0  }
0xbb: {  	[sflag:s0] =	ssyncadd.tile.s32 @!p0 $0x1;
	_ =	shalt  }
.Lfunc_end2:
_tile_overlayer_lowered:
.L_overlay_start_2:
0xbc: {  	(tag) =	ssettag $0x2  }
0xbd: {  	s0 =	rddreg [dreg:$0x0];
	s2 =	stileid.u32  }
0xbe: {  	s1 =	rddreg [dreg:$0x1];
	p0 =	sne.s32 s2, $0x0  }
0xbf: {  	s3 =	rddreg [dreg:$0x2];
	[bflag:$0x3] =	sbarrier.arrive $0xFFFF;
	s2 =	simm.s32 @!p0 $0x1C03  }
0xc0: {  	[timem:s3], [sflag:s2] =	dma.local @!p0 [hbm:s0], s1  }
0xc1: {  	s0 =	simm.s32 @!p0 $0x3  }
0xc2: {  	_ =	swait.ge @!p0 [sflag:s0], s1  }
0xc3: {  	s1 =	ssub.s32 @!p0 $0x0, s1;
	[sflag:s0] =	ssyncset.done @!p0 $0x0  }
0xc4: {  	[sflag:s0] =	ssyncadd.s32 @!p0 s1  }
0xc5: {  	[bflag:$0x3] =	sbarrier.arrive $0xFFFF  }
0xc6: {  	_ =	shalt  }

// kernel: kernel.14.cloned.1.call-start
scs
__scs_entry_jumppad:
0x0: {  	(pc) =	sbr.rel $0x88, $3  }
0x1: {  	(tag) =	ssettag $0x0;
	lr =	simm.s32 $0x1  }
0x2: {  	[smem:$0x3F96] =	sst lr;
	_ =	strace $0xD0000000  }
0x3: {  	_ = 	snop  }
0x4: {  	_ = 	snop  }
0x5: {  	_ = 	snop  }
0x6: {  	_ = 	snop  }
0x7: {  	_ = 	snop  }
__scs_overlays_trampoline_lowered:
0x8: {  	[smem:$0x3FA5] =	sst s0  }
0x9: {  	[smem:$0x3FA6] =	sst s1  }
0xa: {  	[smem:$0x3FA7] =	sst s2  }
0xb: {  	[smem:$0x3FA8] =	sst s3  }
0xc: {  	[smem:$0x3FA9] =	sst s4  }
0xd: {  	[smem:$0x3FAA] =	sst s5  }
0xe: {  	[smem:$0x3FAB] =	sst s6  }
0xf: {  	[smem:$0x3FAC] =	sst s7  }
0x10: {  	[smem:$0x3FAD] =	sst s8  }
0x11: {  	[smem:$0x3FAE] =	sst s9;
	s0 =	simm.s32 @!p0 $0x0  }
0x12: {  	s1 =	sld [smem:$0x3F94];
	s0 =	simm.s32 @p0 $0x1  }
0x13: {  	[smem:$0x3FAF] =	sst s0;
	s0 =	simm.s32 @!p1 $0x0  }
0x14: {  	s2 =	sld [smem:$0x3F93];
	s0 =	simm.s32 @p1 $0x1  }
0x15: {  	[smem:$0x3FB0] =	sst s0;
	s0 =	simm.s32 @!p2 $0x0  }
0x16: {  	s3 =	sld [smem:$0x3FDB];
	s0 =	simm.s32 @p2 $0x1  }
0x17: {  	s4 =	simm.s32 $0x1BF5;
	[smem:$0x3FB2] =	sst s0  }
0x18: {  	s0 =	sld [smem:$0x3F95];
	_ =	swait.ge [sflag:s4], $0x0  }
0x19: {  	s7 =	sld [smem:$0x3F96]  }
0x1a: {  	s8 =	sadd.s32 $0xFFFFE003, lr  }
0x1b: {  	s9 =	sadd.s32 $0xFFFFFEF7, lr;
	s5 =	simm.s32 $0xFFFFFFFF;
	p2 =	slt.u32 s8, $0xFFFFF086  }
0x1c: {  	p1 =	slt.u32 s9, $0xF7A;
	s5 =	simm.s32 @!p2 $0x0  }
0x1d: {  	s5 =	simm.s32 @p1 $0x1;
	p0 =	seq.s32 s7, s2  }
0x1e: {  	s7 =	smul.u32 @!p0 $0xF7A, s2;
	p2 =	seq.s32 @!p0 s5, $0x0  }
0x1f: {  	s9 =	smul.u32 $0xF7A, s1;
	s8 =	simm.s32 @!p0 $0x1BF5;
	p2 =	por !p2, p0  }
0x20: {  	[sflag:s8] =	ssyncset.s32 @!p0 $0xFFFFF086;
	s6 =	sadd.s32 @!p0 s3, s7;
	s7 =	simm.s32 @!p0 $0x108  }
0x21: {  	s3 =	sadd.s32 s3, s9;
	s6 =	sadd.s32 @!p0 $0x88, s6;
	s7 =	simm.s32 @p2 $0x1082  }
0x22: {  	[simem:s7], [sflag:s8] =	dma.local @!p0 [hbm:s6], $0xF7A  }
0x23: {  	s9 =	sor.u32 $0xD0000000, s2;
	s6 =	simm.s32 $0x108;
	_ =	swait.ge @!p0 [sflag:s8], $0x0  }
0x24: {  	s3 =	sadd.s32 $0x88, s3;
	s6 =	simm.s32 @!p1 $0x1082;
	[sflag:s4] =	ssyncset.s32 $0xFFFFF086  }
0x25: {  	[simem:s6], [sflag:s4] =	dma.local [hbm:s3], $0xF7A  }
0x26: {  	[smem:$0x3F96] =	sst s1;
	(tag) =	ssettag s2;
	_ =	strace s9  }
0x27: {  	s1 =	sld [smem:$0x3FA6]  }
0x28: {  	s2 =	sld [smem:$0x3FA7]  }
0x29: {  	s4 =	sld [smem:$0x3FA9]  }
0x2a: {  	p0 =	seq.s32 s5, $0x0;
	s5 =	sld [smem:$0x3FAA]  }
0x2b: {  	s6 =	sld [smem:$0x3FAB]  }
0x2c: {  	s7 =	sld [smem:$0x3FAC]  }
0x2d: {  	s3 =	simm.s32 $0x108;
	s8 =	sld [smem:$0x3FAD]  }
0x2e: {  	s3 =	simm.s32 @!p0 $0x1082;
	s9 =	sld [smem:$0x3FAE]  }
0x2f: {  	lr =	sadd.s32 s0, s3;
	s0 =	sld [smem:$0x3FA5]  }
0x30: {  	s3 =	sld [smem:$0x3FA8]  }
0x31: {  	[smem:$0x3FB1] =	sst s10  }
0x32: {  	s10 =	sld [smem:$0x3FAF];
	_ =	sdelay $0x3  }
0x33: {  	p0 =	seq.s32 s10, $0x1;
	s10 =	sld [smem:$0x3FB1];
	_ =	sdelay $0x3  }
0x34: {  	[smem:$0x3FB1] =	sst s10  }
0x35: {  	s10 =	sld [smem:$0x3FB0];
	_ =	sdelay $0x3  }
0x36: {  	p1 =	seq.s32 s10, $0x1;
	s10 =	sld [smem:$0x3FB1];
	_ =	sdelay $0x3  }
0x37: {  	[smem:$0x3FB1] =	sst s10  }
0x38: {  	s10 =	sld [smem:$0x3FB2]  }
0x39: {  	_ = 	snop;
	(pc) =	sbr.ind lr, $3  }
0x3a: {  	_ = 	snop  }
0x3b: {  	_ = 	snop  }
0x3c: {  	p2 =	seq.s32 s10, $0x1;
	s10 =	sld [smem:$0x3FB1]  }
0x3d: {  	_ =	shalt  }
0x3e: {  	_ =	shalt  }
0x3f: {  	_ =	shalt  }
0x40: {  	_ =	shalt  }
0x41: {  	_ =	shalt  }
0x42: {  	_ =	shalt  }
0x43: {  	_ =	shalt  }
0x44: {  	_ =	shalt  }
0x45: {  	_ =	shalt  }
0x46: {  	_ =	shalt  }
0x47: {  	_ =	shalt  }
0x48: {  	_ =	shalt  }
0x49: {  	_ =	shalt  }
0x4a: {  	_ =	shalt  }
0x4b: {  	_ =	shalt  }
0x4c: {  	_ =	shalt  }
0x4d: {  	_ =	shalt  }
0x4e: {  	_ =	shalt  }
0x4f: {  	_ =	shalt  }
0x50: {  	_ =	shalt  }
0x51: {  	_ =	shalt  }
0x52: {  	_ =	shalt  }
0x53: {  	_ =	shalt  }
0x54: {  	_ =	shalt  }
0x55: {  	_ =	shalt  }
0x56: {  	_ =	shalt  }
0x57: {  	_ =	shalt  }
0x58: {  	_ =	shalt  }
0x59: {  	_ =	shalt  }
0x5a: {  	_ =	shalt  }
0x5b: {  	_ =	shalt  }
0x5c: {  	_ =	shalt  }
0x5d: {  	_ =	shalt  }
0x5e: {  	_ =	shalt  }
0x5f: {  	_ =	shalt  }
0x60: {  	_ =	shalt  }
0x61: {  	_ =	shalt  }
0x62: {  	_ =	shalt  }
0x63: {  	_ =	shalt  }
0x64: {  	_ =	shalt  }
0x65: {  	_ =	shalt  }
0x66: {  	_ =	shalt  }
0x67: {  	_ =	shalt  }
0x68: {  	_ =	shalt  }
0x69: {  	_ =	shalt  }
0x6a: {  	_ =	shalt  }
0x6b: {  	_ =	shalt  }
0x6c: {  	_ =	shalt  }
0x6d: {  	_ =	shalt  }
0x6e: {  	_ =	shalt  }
0x6f: {  	_ =	shalt  }
0x70: {  	_ =	shalt  }
0x71: {  	_ =	shalt  }
0x72: {  	_ =	shalt  }
0x73: {  	_ =	shalt  }
0x74: {  	_ =	shalt  }
0x75: {  	_ =	shalt  }
0x76: {  	_ =	shalt  }
0x77: {  	_ =	shalt  }
0x78: {  	_ =	shalt  }
0x79: {  	_ =	shalt  }
0x7a: {  	_ =	shalt  }
0x7b: {  	_ =	shalt  }
0x7c: {  	_ =	shalt  }
0x7d: {  	_ =	shalt  }
0x7e: {  	_ =	shalt  }
0x7f: {  	_ =	shalt  }
0x80: {  	_ =	shalt  }
0x81: {  	_ =	shalt  }
0x82: {  	_ =	shalt  }
0x83: {  	_ =	shalt  }
0x84: {  	_ =	shalt  }
0x85: {  	_ =	shalt  }
0x86: {  	_ =	shalt  }
0x87: {  	_ =	shalt  }
.Lfunc_end0:
.L_simem_size_0:
called_computation.2_lowered:
.L_overlay_start_0:
0x88: {  	s2 =	sld [smem:$0x3FD9]  }
0x89: {  	s3 =	sld [smem:$0x3FFE];
	_ =	sdelay $0x1  }
0x8a: {  	s1 =	srdreg.scid  }
0x8b: {  	s0 =	sand.u32 $0x1, s1  }
0x8c: {  	s16 =	sshll.u32 s0, $0xA;
	s2 =	sadd.s32 s3, s2  }
0x8d: {  	s2 =	sadd.s32 s2, s16  }
0x8e: {  	[smem:$0x3FBD] =	sst s2  }
0x8f: {  	_ = 	snop  }
0x90: {  	(tm) =	ssettm $0x1  }
0x91: {  	s17 =	sld [smem:$0x3FFB];
	_ =	sdelay $0x3  }
0x92: {  	_ =	strace s17  }
0x93: {  	s2 =	sld [smem:$0x3FFC];
	_ =	sdelay $0x3  }
0x94: {  	_ =	strace s2  }
0x95: {  	s2 =	sld [smem:$0x3FFD];
	_ =	sdelay $0x3  }
0x96: {  	_ =	strace s2  }
0x97: {  	_ =	strace $0x8FFFFFFF  }
0x98: {  	s18 =	sld [smem:$0x3FDB];
	_ =	sdelay $0x1  }
0x99: {  	s19 =	simm.s32 $_scs_section_size  }
0x9a: {  	s4 =	simm.s32 $_size__tile_overlayer_lowered;
	s5 =	simm.s32 $_tile_overlayer_lowered  }
0x9b: {  	s22 =	simm.s32 $0x1BFF;
	s21 =	sshll.u32 s5, $0x1;
	s2 =	sadd.s32 s19, s18  }
0x9c: {  	s6 =	simm.s32 $0x0;
	s20 =	sshll.u32 s4, $0x1;
	s4 =	sadd.s32 s21, s2  }
0x9d: {  	[timem:s6], [sflag:s22] =	dma.local [hbm:s4], s20  }
0x9e: {  	_ =	swait.ge [sflag:s22], s20  }
0x9f: {  	s3 =	ssub.s32 $0x0, s20;
	[sflag:s22] =	ssyncset.done $0x0  }
0xa0: {  	[sflag:s22] =	ssyncadd.s32 s3;
	_ =	sdelay $0x1  }
0xa1: {  	s23 =	simm.s32 $0x1B8B  }
0xa2: {  	_ =	swait.ge [sflag:s23], $0x1  }
0xa3: {  	[sflag:s23] =	ssyncset.done $0x0  }
0xa4: {  	s25 =	simm.s32 $0x1B8E;
	s24 =	sld [smem:$0x3FFE];
	[sflag:s23] =	ssyncadd.s32 $0xFFFFFFFF  }
0xa5: {  	s26 =	simm.s32 $execute0_lowered;
	[smem:$0x3FD2] =	sst s25  }
0xa6: {  	s4 =	sshll.u32 s26, $0x1;
	_ =	strace $0x8000004C;
	[dreg:$0x1] =	wrdreg $0xFFFFFFFF  }
0xa7: {  	s28 =	simm.s32 $_size_execute0_lowered;
	s2 =	sadd.s32 s2, s4;
	[dreg:$0x0] =	wrdreg $0x0  }
0xa8: {  	s4 =	sshll.u32 s28, $0x1;
	[dreg:$0x2] =	wrdreg s2  }
0xa9: {  	[dreg:$0x3] =	wrdreg s4  }
0xaa: {  	[dreg:$0x4] =	wrdreg $0xC0  }
0xab: {  	_ =	task [dreg:s6], $0x5FFFF  }
0xac: {  	[dreg:$0x1] =	wrdreg $0xFFFFFFFF  }
0xad: {  	[dreg:$0x0] =	wrdreg $0x60  }
0xae: {  	[dreg:$0x2] =	wrdreg s24  }
0xaf: {  	[dreg:$0x3] =	wrdreg $0x9  }
0xb0: {  	_ =	task.clear_ibuf [dreg:s6], $0x4FFFF;
	_ =	strace $0x9000004C  }
0xb1: {  	s29 =	simm.s32 $0x9;
	_ =	strace $0x8000004E  }
0xb2: {  	_ =	swait.ge [sflag:s29], $0x1  }
0xb3: {  	[sflag:s29] =	ssyncadd.s32 $0xFFFFFFFF  }
0xb4: {  	_ =	strace $0x9000004E  }
0xb5: {  	_ =	sfence  }
0xb6: {  	s30 =	sld [smem:$0x0];
	_ =	sdelay $0x2  }
0xb7: {  	s31 =	sshll.u32 s1, $0xD;
	s1 =	sshrl.u32 s1, $0x2  }
0xb8: {  	s3 =	sand.u32 $0x4000, s31;
	s1 =	sadd.s32 s1, s30  }
0xb9: {  	s0 =	sor.u32 s3, s0;
	s1 =	sshll.u32 s1, $0x11  }
0xba: {  	s0 =	sor.u32 s1, s0  }
0xbb: {  	s0 =	sadd.s32 $0x8F2B, s0  }
0xbc: {  	[sflag:s0] =	ssyncadd.remote.s32 $0x1  }
0xbd: {  	_ =	sfence.sel $0xFFFF  }
0xbe: {  	[dreg:$0x0] =	wrdreg $0xFFFFFFFF;
	(pc) =	sbr.abs _section_cstart, $3  }
0xbf: {  	[dreg:$0x1] =	wrdreg $0xFFFFFFFF  }
0xc0: {  	_ =	task.clear_ibuf [dreg:s6], $0x2FFFF;
	_ =	strace $0x9FFFFFFF  }
0xc1: {  	(tm) =	ssettm $0x7FFFFFFF  }
tec
execute0_lowered:
.L_overlay_start_1:
0x0: {  	(tag) =	ssettag $0x1  }
0x1: {  	s0 =	rddreg [dreg:$0x0]  }
0x2: {  	s2 =	simm.s32 $0x0;
	s1 =	srdreg.scid;
	s3 =	stileid.u32  }
0x3: {  	s18 =	simm.s32 $0x80;
	s19 =	simm.s32 $0x200;
	s20 =	simm.s32 $0x3  }
0x4: {  	s28 =	simm.s32 $0x11800;
	s31 =	simm.s32 $0x1;
	s29 =	simm.s32 $0x2  }
0x5: {  	s30 =	simm.s32 $0x0;
	[smem:$0x7FF] =	sst s2;
	s1 =	sand.u32 $0x1, s1  }
0x6: {  	s6 =	sadd.s32 $0x49A00, s0;
	s7 =	smul.u32 $0xA000, s3;
	s12 =	sadd.s32 $0xDA00, s0  }
0x7: {  	s3 =	sadd.s32 $0x3FA00, s0;
	s5 =	smul.u32 $0xA0000, s1;
	s1 =	ssub.s32 $0x2, s1  }
0x8: {  	s4 =	sadd.s32 $0x3A00, s0;
	s0 =	sadd.s32 $0x99A00, s0;
	s8 =	sshrl.u32 s1, $0x1  }
0x9: {  	_ =	strace $0x8000004D;
	s5 =	sadd.s32 s7, s5;
	s1 =	ssub.s32 s1, s8  }
0xa: {  	s5 =	sshrl.u32 s5, $0x3;
	s17 =	smax.u32 s1, $0x1;
	s1 =	simm.s32 $0x17000  }
0xb: {  	s21 =	sadd.s32 s6, s5;
	s22 =	sadd.s32 s12, s5;
	s23 =	sor.u32 $0x10, s5  }
0xc: {  	s15 =	sor.u32 $0x20, s5;
	s16 =	sor.u32 $0x30, s5;
	[dreg:$0x2] =	wrdreg s21  }
0xd: {  	s13 =	sadd.s32 s0, s5;
	[dreg:$0x3] =	wrdreg s22;
	s24 =	sadd.s32 s6, s23  }
0xe: {  	s25 =	sadd.s32 s12, s23;
	s26 =	sadd.s32 s6, s15;
	s10 =	sadd.s32 s12, s15  }
0xf: {  	s11 =	sadd.s32 s6, s16;
	s12 =	sadd.s32 s12, s16;
	s14 =	sadd.s32 s0, s23  }
0x10: {  	s15 =	sadd.s32 s0, s15;
	s16 =	sadd.s32 s0, s16;
	[dreg:$0x4] =	wrdreg s24  }
0x11: {  	s21 =	simm.s32 $0xA000;
	s22 =	simm.s32 $0x2800;
	[dreg:$0x5] =	wrdreg s25  }
0x12: {  	s23 =	simm.s32 $0xC800;
	s0 =	simm.s32 $0x16000;
	[dreg:$0x6] =	wrdreg s26  }
0x13: {  	s24 =	simm.s32 $0x5000;
	s25 =	simm.s32 $0xF000;
	s26 =	simm.s32 $0x7800  }
.LBB2_1:
0x14: {  	s5 =	rddreg [dreg:$0x2]  }
0x15: {  	[tilespmem:s2], [sflag:$0x3] =	stream.strided.gather [hbm4b:s5+s18], $0x2800, s19, s18, $0x38;
	[tilespmem:$0x18000] =	vst v63  }
0x16: {  	_ =	swait.ge [sflag:s20], $0x2800  }
0x17: {  	[sflag:s20] =	ssyncset.done $0x0  }
0x18: {  	s8 =	rddreg [dreg:$0x3];
	[sflag:s20] =	ssyncadd.s32 $0xFFFFD800  }
0x19: {  	[tilespmem:s21], [sflag:$0x3] =	stream.strided.gather [hbm4b:s8+s18], $0x2800, s19, s18, $0x38;
	[tilespmem:$0x18000] =	vst v63  }
0x1a: {  	_ =	swait.ge [sflag:s20], $0x2800  }
0x1b: {  	[sflag:s20] =	ssyncset.done $0x0  }
0x1c: {  	s9 =	rddreg [dreg:$0x4];
	[sflag:s20] =	ssyncadd.s32 $0xFFFFD800  }
0x1d: {  	[tilespmem:s22], [sflag:$0x3] =	stream.strided.gather [hbm4b:s9+s18], $0x2800, s19, s18, $0x38;
	[tilespmem:$0x18000] =	vst v63  }
0x1e: {  	_ =	swait.ge [sflag:s20], $0x2800  }
0x1f: {  	[sflag:s20] =	ssyncset.done $0x0  }
0x20: {  	s6 =	rddreg [dreg:$0x5];
	[sflag:s20] =	ssyncadd.s32 $0xFFFFD800  }
0x21: {  	[tilespmem:s23], [sflag:$0x3] =	stream.strided.gather [hbm4b:s6+s18], $0x2800, s19, s18, $0x38;
	[tilespmem:$0x18000] =	vst v63  }
0x22: {  	_ =	swait.ge [sflag:s20], $0x2800  }
0x23: {  	[sflag:s20] =	ssyncset.done $0x0  }
0x24: {  	s7 =	rddreg [dreg:$0x6];
	[sflag:s20] =	ssyncadd.s32 $0xFFFFD800  }
0x25: {  	[tilespmem:s24], [sflag:$0x3] =	stream.strided.gather [hbm4b:s7+s18], $0x2800, s19, s18, $0x38;
	[tilespmem:$0x18000] =	vst v63  }
0x26: {  	_ =	swait.ge [sflag:s20], $0x2800  }
0x27: {  	[sflag:s20] =	ssyncset.done $0x0  }
0x28: {  	[sflag:s20] =	ssyncadd.s32 $0xFFFFD800  }
0x29: {  	[tilespmem:s25], [sflag:$0x3] =	stream.strided.gather [hbm4b:s10+s18], $0x2800, s19, s18, $0x38;
	[tilespmem:$0x18000] =	vst v63  }
0x2a: {  	_ =	swait.ge [sflag:s20], $0x2800  }
0x2b: {  	[sflag:s20] =	ssyncset.done $0x0  }
0x2c: {  	[sflag:s20] =	ssyncadd.s32 $0xFFFFD800  }
0x2d: {  	[tilespmem:s26], [sflag:$0x3] =	stream.strided.gather [hbm4b:s11+s18], $0x2800, s19, s18, $0x38;
	[tilespmem:$0x18000] =	vst v63  }
0x2e: {  	_ =	swait.ge [sflag:s20], $0x2800  }
0x2f: {  	[sflag:s20] =	ssyncset.done $0x0  }
0x30: {  	[sflag:s20] =	ssyncadd.s32 $0xFFFFD800  }
0x31: {  	[tilespmem:s28], [sflag:$0x3] =	stream.strided.gather [hbm4b:s12+s18], $0x2800, s19, s18, $0x38;
	[tilespmem:$0x18000] =	vst v63  }
0x32: {  	_ =	swait.ge [sflag:s20], $0x2800  }
0x33: {  	[sflag:s20] =	ssyncset.done $0x0  }
0x34: {  	s8 =	simm.s32 $0x14000;
	[sflag:s20] =	ssyncadd.s32 $0xFFFFD800  }
0x35: {  	[tilespmem:s8], [sflag:$0x1] =	stream.linear.gather [hbm4b:s3+s2], $0x1000, $0x38;
	[tilespmem:$0x18000] =	vst v63  }
0x36: {  	s5 =	simm.s32 $0x0;
	s9 =	simm.s32 $0x15000  }
0x37: {  	[tilespmem:s9], [sflag:$0x1] =	stream.linear.gather [hbm4b:s4+s2], $0x1000, $0x38;
	[tilespmem:$0x18000] =	vst v63  }
.LBB2_2:
0x38: {  	_ =	swait.ge [sflag:s31], $0x1000  }
0x39: {  	[sflag:s31] =	ssyncset.done $0x0  }
0x3a: {  	[sflag:s31] =	ssyncadd.s32 $0xFFFFF000  }
0x3b: {  	s6 =	sshll.u32 s5, $0xA;
	_ =	swait.ge [sflag:s31], $0x1000  }
0x3c: {  	s8 =	sor.u32 $0x200, s6;
	[sflag:s31] =	ssyncset.done $0x0  }
0x3d: {  	s7 =	simm.s32 $0x0;
	s9 =	sadd.s32 s3, s8;
	[sflag:s31] =	ssyncadd.s32 $0xFFFFF000  }
0x3e: {  	[tilespmem:s0], [sflag:$0x2] =	stream.linear.gather [hbm4b:s9+s7], $0x1000, $0x38;
	[tilespmem:$0x18000] =	vst v63  }
0x3f: {  	s8 =	sadd.s32 s4, s8  }
0x40: {  	[tilespmem:s1], [sflag:$0x2] =	stream.linear.gather [hbm4b:s8+s7], $0x1000, $0x38;
	[tilespmem:$0x18000] =	vst v63  }
.LBB2_3:
0x41: {  	s8 =	sshra.s32 s7, $0x2  }
0x42: {  	v0 =	vld [tilespmem:s8+$0x14000];
	_ =	sdelay $0x4  }
0x43: {  	v1 =	vld [tilespmem:s8+$0x15000];
	_ =	sdelay $0x2  }
0x44: {  	v2 =	vld.idx.msk [tilespmem:v0+s2+$0x0], $0xffff;
	_ =	sdelay $0x4  }
0x45: {  	[tilespmem:v1+s21+$0x0] =	vst.idx.add.f32.msk $0xffff, v2  }
0x46: {  	v2 =	vld.idx.msk [tilespmem:v0+s22+$0x0], $0xffff;
	_ =	sdelay $0x4  }
0x47: {  	[tilespmem:v1+s23+$0x0] =	vst.idx.add.f32.msk $0xffff, v2  }
0x48: {  	v2 =	vld.idx.msk [tilespmem:v0+s24+$0x0], $0xffff;
	_ =	sdelay $0x4  }
0x49: {  	[tilespmem:v1+s25+$0x0] =	vst.idx.add.f32.msk $0xffff, v2  }
0x4a: {  	v0 =	vld.idx.msk [tilespmem:v0+s26+$0x0], $0xffff;
	_ =	sdelay $0x4  }
0x4b: {  	[tilespmem:v1+s28+$0x0] =	vst.idx.add.f32.msk $0xffff, v0  }
0x4c: {  	v0 =	vld [tilespmem:s8+$0x14010];
	_ =	sdelay $0x4  }
0x4d: {  	v1 =	vld [tilespmem:s8+$0x15010];
	_ =	sdelay $0x2  }
0x4e: {  	v2 =	vld.idx.msk [tilespmem:v0+s2+$0x0], $0xffff;
	_ =	sdelay $0x4  }
0x4f: {  	[tilespmem:v1+s21+$0x0] =	vst.idx.add.f32.msk $0xffff, v2  }
0x50: {  	v2 =	vld.idx.msk [tilespmem:v0+s22+$0x0], $0xffff;
	_ =	sdelay $0x4  }
0x51: {  	[tilespmem:v1+s23+$0x0] =	vst.idx.add.f32.msk $0xffff, v2  }
0x52: {  	v2 =	vld.idx.msk [tilespmem:v0+s24+$0x0], $0xffff;
	_ =	sdelay $0x4  }
0x53: {  	[tilespmem:v1+s25+$0x0] =	vst.idx.add.f32.msk $0xffff, v2  }
0x54: {  	v0 =	vld.idx.msk [tilespmem:v0+s26+$0x0], $0xffff;
	_ =	sdelay $0x4  }
0x55: {  	[tilespmem:v1+s28+$0x0] =	vst.idx.add.f32.msk $0xffff, v0  }
0x56: {  	v0 =	vld [tilespmem:s8+$0x14020];
	_ =	sdelay $0x4  }
0x57: {  	v1 =	vld [tilespmem:s8+$0x15020];
	_ =	sdelay $0x2  }
0x58: {  	v2 =	vld.idx.msk [tilespmem:v0+s2+$0x0], $0xffff;
	_ =	sdelay $0x4  }
0x59: {  	[tilespmem:v1+s21+$0x0] =	vst.idx.add.f32.msk $0xffff, v2  }
0x5a: {  	v2 =	vld.idx.msk [tilespmem:v0+s22+$0x0], $0xffff;
	_ =	sdelay $0x4  }
0x5b: {  	[tilespmem:v1+s23+$0x0] =	vst.idx.add.f32.msk $0xffff, v2  }
0x5c: {  	v2 =	vld.idx.msk [tilespmem:v0+s24+$0x0], $0xffff;
	_ =	sdelay $0x4  }
0x5d: {  	[tilespmem:v1+s25+$0x0] =	vst.idx.add.f32.msk $0xffff, v2  }
0x5e: {  	v0 =	vld.idx.msk [tilespmem:v0+s26+$0x0], $0xffff;
	_ =	sdelay $0x4  }
0x5f: {  	[tilespmem:v1+s28+$0x0] =	vst.idx.add.f32.msk $0xffff, v0  }
0x60: {  	v0 =	vld [tilespmem:s8+$0x14030];
	_ =	sdelay $0x4  }
0x61: {  	v1 =	vld [tilespmem:s8+$0x15030];
	_ =	sdelay $0x2  }
0x62: {  	v2 =	vld.idx.msk [tilespmem:v0+s2+$0x0], $0xffff;
	_ =	sdelay $0x4  }
0x63: {  	[tilespmem:v1+s21+$0x0] =	vst.idx.add.f32.msk $0xffff, v2  }
0x64: {  	v2 =	vld.idx.msk [tilespmem:v0+s22+$0x0], $0xffff;
	_ =	sdelay $0x4  }
0x65: {  	[tilespmem:v1+s23+$0x0] =	vst.idx.add.f32.msk $0xffff, v2  }
0x66: {  	v2 =	vld.idx.msk [tilespmem:v0+s24+$0x0], $0xffff;
	_ =	sdelay $0x4  }
0x67: {  	[tilespmem:v1+s25+$0x0] =	vst.idx.add.f32.msk $0xffff, v2  }
0x68: {  	p0 =	sne.s32 s7, $0x3F00;
	v0 =	vld.idx.msk [tilespmem:v0+s26+$0x0], $0xffff  }
.Ltmp0:
0x69: {  	_ = 	snop;
	(pc) =	sbr.rel @p0 .LBB2_3-.Ltmp0, $2  }
0x6a: {  	_ =	sdelay $0x2  }
0x6b: {  	s7 =	sadd.s32 $0x100, s7;
	[tilespmem:v1+s28+$0x0] =	vst.idx.add.f32.msk $0xffff, v0  }
0x6c: {  	_ =	swait.ge [sflag:s29], $0x1000  }
0x6d: {  	[sflag:s29] =	ssyncset.done $0x0  }
0x6e: {  	[sflag:s29] =	ssyncadd.s32 $0xFFFFF000  }
0x6f: {  	p0 =	seq.s32 s5, $0x27;
	_ =	swait.ge [sflag:s29], $0x1000  }
0x70: {  	s6 =	sadd.s32 @!p0 $0x400, s6;
	s8 =	simm.s32 @!p0 $0x0;
	[sflag:s29] =	ssyncset.done $0x0  }
0x71: {  	s9 =	simm.s32 @!p0 $0x14000;
	s7 =	sadd.s32 @!p0 s3, s6;
	[sflag:s29] =	ssyncadd.s32 $0xFFFFF000  }
0x72: {  	[tilespmem:s9], [sflag:$0x1] =	stream.linear.gather @!p0 [hbm4b:s7+s8], $0x1000, $0x38;
	[tilespmem:$0x18000] =	vst v63  }
0x73: {  	s6 =	sadd.s32 @!p0 s4, s6;
	s7 =	simm.s32 @!p0 $0x15000  }
0x74: {  	[tilespmem:s7], [sflag:$0x1] =	stream.linear.gather @!p0 [hbm4b:s6+s8], $0x1000, $0x38;
	[tilespmem:$0x18000] =	vst v63  }
0x75: {  	s6 =	simm.s32 $0x0  }
.LBB2_5:
0x76: {  	s7 =	sshra.s32 s6, $0x2  }
0x77: {  	v0 =	vld [tilespmem:s7+$0x16000];
	_ =	sdelay $0x4  }
0x78: {  	v1 =	vld [tilespmem:s7+$0x17000];
	_ =	sdelay $0x2  }
0x79: {  	v2 =	vld.idx.msk [tilespmem:v0+s2+$0x0], $0xffff;
	_ =	sdelay $0x4  }
0x7a: {  	[tilespmem:v1+s21+$0x0] =	vst.idx.add.f32.msk $0xffff, v2  }
0x7b: {  	v2 =	vld.idx.msk [tilespmem:v0+s22+$0x0], $0xffff;
	_ =	sdelay $0x4  }
0x7c: {  	[tilespmem:v1+s23+$0x0] =	vst.idx.add.f32.msk $0xffff, v2  }
0x7d: {  	v2 =	vld.idx.msk [tilespmem:v0+s24+$0x0], $0xffff;
	_ =	sdelay $0x4  }
0x7e: {  	[tilespmem:v1+s25+$0x0] =	vst.idx.add.f32.msk $0xffff, v2  }
0x7f: {  	v0 =	vld.idx.msk [tilespmem:v0+s26+$0x0], $0xffff;
	_ =	sdelay $0x4  }
0x80: {  	[tilespmem:v1+s28+$0x0] =	vst.idx.add.f32.msk $0xffff, v0  }
0x81: {  	v0 =	vld [tilespmem:s7+$0x16010];
	_ =	sdelay $0x4  }
0x82: {  	v1 =	vld [tilespmem:s7+$0x17010];
	_ =	sdelay $0x2  }
0x83: {  	v2 =	vld.idx.msk [tilespmem:v0+s2+$0x0], $0xffff;
	_ =	sdelay $0x4  }
0x84: {  	[tilespmem:v1+s21+$0x0] =	vst.idx.add.f32.msk $0xffff, v2  }
0x85: {  	v2 =	vld.idx.msk [tilespmem:v0+s22+$0x0], $0xffff;
	_ =	sdelay $0x4  }
0x86: {  	[tilespmem:v1+s23+$0x0] =	vst.idx.add.f32.msk $0xffff, v2  }
0x87: {  	v2 =	vld.idx.msk [tilespmem:v0+s24+$0x0], $0xffff;
	_ =	sdelay $0x4  }
0x88: {  	[tilespmem:v1+s25+$0x0] =	vst.idx.add.f32.msk $0xffff, v2  }
0x89: {  	v0 =	vld.idx.msk [tilespmem:v0+s26+$0x0], $0xffff;
	_ =	sdelay $0x4  }
0x8a: {  	[tilespmem:v1+s28+$0x0] =	vst.idx.add.f32.msk $0xffff, v0  }
0x8b: {  	v0 =	vld [tilespmem:s7+$0x16020];
	_ =	sdelay $0x4  }
0x8c: {  	v1 =	vld [tilespmem:s7+$0x17020];
	_ =	sdelay $0x2  }
0x8d: {  	v2 =	vld.idx.msk [tilespmem:v0+s2+$0x0], $0xffff;
	_ =	sdelay $0x4  }
0x8e: {  	[tilespmem:v1+s21+$0x0] =	vst.idx.add.f32.msk $0xffff, v2  }
0x8f: {  	v2 =	vld.idx.msk [tilespmem:v0+s22+$0x0], $0xffff;
	_ =	sdelay $0x4  }
0x90: {  	[tilespmem:v1+s23+$0x0] =	vst.idx.add.f32.msk $0xffff, v2  }
0x91: {  	v2 =	vld.idx.msk [tilespmem:v0+s24+$0x0], $0xffff;
	_ =	sdelay $0x4  }
0x92: {  	[tilespmem:v1+s25+$0x0] =	vst.idx.add.f32.msk $0xffff, v2  }
0x93: {  	v0 =	vld.idx.msk [tilespmem:v0+s26+$0x0], $0xffff;
	_ =	sdelay $0x4  }
0x94: {  	[tilespmem:v1+s28+$0x0] =	vst.idx.add.f32.msk $0xffff, v0  }
0x95: {  	v0 =	vld [tilespmem:s7+$0x16030];
	_ =	sdelay $0x4  }
0x96: {  	v1 =	vld [tilespmem:s7+$0x17030];
	_ =	sdelay $0x2  }
0x97: {  	v2 =	vld.idx.msk [tilespmem:v0+s2+$0x0], $0xffff;
	_ =	sdelay $0x4  }
0x98: {  	[tilespmem:v1+s21+$0x0] =	vst.idx.add.f32.msk $0xffff, v2  }
0x99: {  	v2 =	vld.idx.msk [tilespmem:v0+s22+$0x0], $0xffff;
	_ =	sdelay $0x4  }
0x9a: {  	[tilespmem:v1+s23+$0x0] =	vst.idx.add.f32.msk $0xffff, v2  }
0x9b: {  	v2 =	vld.idx.msk [tilespmem:v0+s24+$0x0], $0xffff;
	_ =	sdelay $0x4  }
0x9c: {  	[tilespmem:v1+s25+$0x0] =	vst.idx.add.f32.msk $0xffff, v2  }
0x9d: {  	p0 =	sne.s32 s6, $0x3F00;
	v0 =	vld.idx.msk [tilespmem:v0+s26+$0x0], $0xffff  }
.Ltmp1:
0x9e: {  	_ = 	snop;
	(pc) =	sbr.rel @p0 .LBB2_5-.Ltmp1, $2  }
0x9f: {  	_ =	sdelay $0x2  }
0xa0: {  	s6 =	sadd.s32 $0x100, s6;
	[tilespmem:v1+s28+$0x0] =	vst.idx.add.f32.msk $0xffff, v0  }
0xa1: {  	s5 =	sadd.s32 $0x1, s5  }
0xa2: {  	p0 =	sne.s32 s5, $0x28  }
.Ltmp2:
0xa3: {  	_ = 	snop;
	(pc) =	sbr.rel @p0 .LBB2_2-.Ltmp2, $1  }
0xa4: {  	_ =	sdelay $0x3  }
0xa5: {  	[hbm4b:s13+s18] =	stream.strided.scatter [tilespmem:s21], [sflag:$0x3], $0x2800, s19, s18, $0x38;
	[tilespmem:$0x18000] =	vst v63  }
0xa6: {  	_ =	swait.ge [sflag:s20], $0x2800  }
0xa7: {  	[sflag:s20] =	ssyncset.done $0x0  }
0xa8: {  	[sflag:s20] =	ssyncadd.s32 $0xFFFFD800  }
0xa9: {  	[hbm4b:s14+s18] =	stream.strided.scatter [tilespmem:s23], [sflag:$0x3], $0x2800, s19, s18, $0x38;
	[tilespmem:$0x18000] =	vst v63  }
0xaa: {  	_ =	swait.ge [sflag:s20], $0x2800  }
0xab: {  	[sflag:s20] =	ssyncset.done $0x0  }
0xac: {  	[sflag:s20] =	ssyncadd.s32 $0xFFFFD800  }
0xad: {  	[hbm4b:s15+s18] =	stream.strided.scatter [tilespmem:s25], [sflag:$0x3], $0x2800, s19, s18, $0x38;
	[tilespmem:$0x18000] =	vst v63  }
0xae: {  	s30 =	sadd.s32 $0x1, s30;
	_ =	swait.ge [sflag:s20], $0x2800  }
0xaf: {  	p0 =	sne.s32 s30, s17;
	[sflag:s20] =	ssyncset.done $0x0  }
.Ltmp3:
0xb0: {  	[sflag:s20] =	ssyncadd.s32 $0xFFFFD800;
	(pc) =	sbr.rel @p0 .LBB2_1-.Ltmp3, $4  }
0xb1: {  	[hbm4b:s16+s18] =	stream.strided.scatter [tilespmem:s28], [sflag:$0x3], $0x2800, s19, s18, $0x38;
	[tilespmem:$0x18000] =	vst v63  }
0xb2: {  	_ =	swait.ge [sflag:s20], $0x2800  }
0xb3: {  	[sflag:s20] =	ssyncset.done $0x0  }
0xb4: {  	[sflag:s20] =	ssyncadd.s32 $0xFFFFD800  }
0xb5: {  	_ =	sfence.sel $0x180000  }
0xb6: {  	[bflag:$0x0] =	sbarrier.arrive $0xFFFF  }
0xb7: {  	_ =	strace $0x9000004D  }
0xb8: {  	s0 =	stileid.u32;
	[bflag:$0x2] =	sbarrier.arrive $0xFFFF  }
0xb9: {  	p0 =	sne.s32 s0, $0x0;
	s0 =	rddreg [dreg:$0x1]  }
0xba: {  	s0 =	sadd.s32 @!p0 $0x100000, s0  }
0xbb: {  	[sflag:s0] =	ssyncadd.tile.s32 @!p0 $0x1;
	_ =	shalt  }
.Lfunc_end2:
_tile_overlayer_lowered:
.L_overlay_start_2:
0xbc: {  	(tag) =	ssettag $0x2  }
0xbd: {  	s0 =	rddreg [dreg:$0x0];
	s2 =	stileid.u32  }
0xbe: {  	s1 =	rddreg [dreg:$0x1];
	p0 =	sne.s32 s2, $0x0  }
0xbf: {  	s3 =	rddreg [dreg:$0x2];
	[bflag:$0x3] =	sbarrier.arrive $0xFFFF;
	s2 =	simm.s32 @!p0 $0x1C03  }
0xc0: {  	[timem:s3], [sflag:s2] =	dma.local @!p0 [hbm:s0], s1  }
0xc1: {  	s0 =	simm.s32 @!p0 $0x3  }
0xc2: {  	_ =	swait.ge @!p0 [sflag:s0], s1  }
0xc3: {  	s1 =	ssub.s32 @!p0 $0x0, s1;
	[sflag:s0] =	ssyncset.done @!p0 $0x0  }
0xc4: {  	[sflag:s0] =	ssyncadd.s32 @!p0 s1  }
0xc5: {  	[bflag:$0x3] =	sbarrier.arrive $0xFFFF  }
0xc6: {  	_ =	shalt  }

// kernel: kernel.8.cloned.1.call-start
scs
__scs_entry_jumppad:
0x0: {  	(pc) =	sbr.rel $0x88, $3  }
0x1: {  	(tag) =	ssettag $0x0;
	lr =	simm.s32 $0x1  }
0x2: {  	[smem:$0x3F96] =	sst lr;
	_ =	strace $0xD0000000  }
0x3: {  	_ = 	snop  }
0x4: {  	_ = 	snop  }
0x5: {  	_ = 	snop  }
0x6: {  	_ = 	snop  }
0x7: {  	_ = 	snop  }
__scs_overlays_trampoline_lowered:
0x8: {  	[smem:$0x3FA5] =	sst s0  }
0x9: {  	[smem:$0x3FA6] =	sst s1  }
0xa: {  	[smem:$0x3FA7] =	sst s2  }
0xb: {  	[smem:$0x3FA8] =	sst s3  }
0xc: {  	[smem:$0x3FA9] =	sst s4  }
0xd: {  	[smem:$0x3FAA] =	sst s5  }
0xe: {  	[smem:$0x3FAB] =	sst s6  }
0xf: {  	[smem:$0x3FAC] =	sst s7  }
0x10: {  	[smem:$0x3FAD] =	sst s8  }
0x11: {  	[smem:$0x3FAE] =	sst s9;
	s0 =	simm.s32 @!p0 $0x0  }
0x12: {  	s1 =	sld [smem:$0x3F94];
	s0 =	simm.s32 @p0 $0x1  }
0x13: {  	[smem:$0x3FAF] =	sst s0;
	s0 =	simm.s32 @!p1 $0x0  }
0x14: {  	s2 =	sld [smem:$0x3F93];
	s0 =	simm.s32 @p1 $0x1  }
0x15: {  	[smem:$0x3FB0] =	sst s0;
	s0 =	simm.s32 @!p2 $0x0  }
0x16: {  	s3 =	sld [smem:$0x3FDB];
	s0 =	simm.s32 @p2 $0x1  }
0x17: {  	s4 =	simm.s32 $0x1BF5;
	[smem:$0x3FB2] =	sst s0  }
0x18: {  	s0 =	sld [smem:$0x3F95];
	_ =	swait.ge [sflag:s4], $0x0  }
0x19: {  	s7 =	sld [smem:$0x3F96]  }
0x1a: {  	s8 =	sadd.s32 $0xFFFFE003, lr  }
0x1b: {  	s9 =	sadd.s32 $0xFFFFFEF7, lr;
	s5 =	simm.s32 $0xFFFFFFFF;
	p2 =	slt.u32 s8, $0xFFFFF086  }
0x1c: {  	p1 =	slt.u32 s9, $0xF7A;
	s5 =	simm.s32 @!p2 $0x0  }
0x1d: {  	s5 =	simm.s32 @p1 $0x1;
	p0 =	seq.s32 s7, s2  }
0x1e: {  	s7 =	smul.u32 @!p0 $0xF7A, s2;
	p2 =	seq.s32 @!p0 s5, $0x0  }
0x1f: {  	s9 =	smul.u32 $0xF7A, s1;
	s8 =	simm.s32 @!p0 $0x1BF5;
	p2 =	por !p2, p0  }
0x20: {  	[sflag:s8] =	ssyncset.s32 @!p0 $0xFFFFF086;
	s6 =	sadd.s32 @!p0 s3, s7;
	s7 =	simm.s32 @!p0 $0x108  }
0x21: {  	s3 =	sadd.s32 s3, s9;
	s6 =	sadd.s32 @!p0 $0x88, s6;
	s7 =	simm.s32 @p2 $0x1082  }
0x22: {  	[simem:s7], [sflag:s8] =	dma.local @!p0 [hbm:s6], $0xF7A  }
0x23: {  	s9 =	sor.u32 $0xD0000000, s2;
	s6 =	simm.s32 $0x108;
	_ =	swait.ge @!p0 [sflag:s8], $0x0  }
0x24: {  	s3 =	sadd.s32 $0x88, s3;
	s6 =	simm.s32 @!p1 $0x1082;
	[sflag:s4] =	ssyncset.s32 $0xFFFFF086  }
0x25: {  	[simem:s6], [sflag:s4] =	dma.local [hbm:s3], $0xF7A  }
0x26: {  	[smem:$0x3F96] =	sst s1;
	(tag) =	ssettag s2;
	_ =	strace s9  }
0x27: {  	s1 =	sld [smem:$0x3FA6]  }
0x28: {  	s2 =	sld [smem:$0x3FA7]  }
0x29: {  	s4 =	sld [smem:$0x3FA9]  }
0x2a: {  	p0 =	seq.s32 s5, $0x0;
	s5 =	sld [smem:$0x3FAA]  }
0x2b: {  	s6 =	sld [smem:$0x3FAB]  }
0x2c: {  	s7 =	sld [smem:$0x3FAC]  }
0x2d: {  	s3 =	simm.s32 $0x108;
	s8 =	sld [smem:$0x3FAD]  }
0x2e: {  	s3 =	simm.s32 @!p0 $0x1082;
	s9 =	sld [smem:$0x3FAE]  }
0x2f: {  	lr =	sadd.s32 s0, s3;
	s0 =	sld [smem:$0x3FA5]  }
0x30: {  	s3 =	sld [smem:$0x3FA8]  }
0x31: {  	[smem:$0x3FB1] =	sst s10  }
0x32: {  	s10 =	sld [smem:$0x3FAF];
	_ =	sdelay $0x3  }
0x33: {  	p0 =	seq.s32 s10, $0x1;
	s10 =	sld [smem:$0x3FB1];
	_ =	sdelay $0x3  }
0x34: {  	[smem:$0x3FB1] =	sst s10  }
0x35: {  	s10 =	sld [smem:$0x3FB0];
	_ =	sdelay $0x3  }
0x36: {  	p1 =	seq.s32 s10, $0x1;
	s10 =	sld [smem:$0x3FB1];
	_ =	sdelay $0x3  }
0x37: {  	[smem:$0x3FB1] =	sst s10  }
0x38: {  	s10 =	sld [smem:$0x3FB2]  }
0x39: {  	_ = 	snop;
	(pc) =	sbr.ind lr, $3  }
0x3a: {  	_ = 	snop  }
0x3b: {  	_ = 	snop  }
0x3c: {  	p2 =	seq.s32 s10, $0x1;
	s10 =	sld [smem:$0x3FB1]  }
0x3d: {  	_ =	shalt  }
0x3e: {  	_ =	shalt  }
0x3f: {  	_ =	shalt  }
0x40: {  	_ =	shalt  }
0x41: {  	_ =	shalt  }
0x42: {  	_ =	shalt  }
0x43: {  	_ =	shalt  }
0x44: {  	_ =	shalt  }
0x45: {  	_ =	shalt  }
0x46: {  	_ =	shalt  }
0x47: {  	_ =	shalt  }
0x48: {  	_ =	shalt  }
0x49: {  	_ =	shalt  }
0x4a: {  	_ =	shalt  }
0x4b: {  	_ =	shalt  }
0x4c: {  	_ =	shalt  }
0x4d: {  	_ =	shalt  }
0x4e: {  	_ =	shalt  }
0x4f: {  	_ =	shalt  }
0x50: {  	_ =	shalt  }
0x51: {  	_ =	shalt  }
0x52: {  	_ =	shalt  }
0x53: {  	_ =	shalt  }
0x54: {  	_ =	shalt  }
0x55: {  	_ =	shalt  }
0x56: {  	_ =	shalt  }
0x57: {  	_ =	shalt  }
0x58: {  	_ =	shalt  }
0x59: {  	_ =	shalt  }
0x5a: {  	_ =	shalt  }
0x5b: {  	_ =	shalt  }
0x5c: {  	_ =	shalt  }
0x5d: {  	_ =	shalt  }
0x5e: {  	_ =	shalt  }
0x5f: {  	_ =	shalt  }
0x60: {  	_ =	shalt  }
0x61: {  	_ =	shalt  }
0x62: {  	_ =	shalt  }
0x63: {  	_ =	shalt  }
0x64: {  	_ =	shalt  }
0x65: {  	_ =	shalt  }
0x66: {  	_ =	shalt  }
0x67: {  	_ =	shalt  }
0x68: {  	_ =	shalt  }
0x69: {  	_ =	shalt  }
0x6a: {  	_ =	shalt  }
0x6b: {  	_ =	shalt  }
0x6c: {  	_ =	shalt  }
0x6d: {  	_ =	shalt  }
0x6e: {  	_ =	shalt  }
0x6f: {  	_ =	shalt  }
0x70: {  	_ =	shalt  }
0x71: {  	_ =	shalt  }
0x72: {  	_ =	shalt  }
0x73: {  	_ =	shalt  }
0x74: {  	_ =	shalt  }
0x75: {  	_ =	shalt  }
0x76: {  	_ =	shalt  }
0x77: {  	_ =	shalt  }
0x78: {  	_ =	shalt  }
0x79: {  	_ =	shalt  }
0x7a: {  	_ =	shalt  }
0x7b: {  	_ =	shalt  }
0x7c: {  	_ =	shalt  }
0x7d: {  	_ =	shalt  }
0x7e: {  	_ =	shalt  }
0x7f: {  	_ =	shalt  }
0x80: {  	_ =	shalt  }
0x81: {  	_ =	shalt  }
0x82: {  	_ =	shalt  }
0x83: {  	_ =	shalt  }
0x84: {  	_ =	shalt  }
0x85: {  	_ =	shalt  }
0x86: {  	_ =	shalt  }
0x87: {  	_ =	shalt  }
.Lfunc_end0:
.L_simem_size_0:
called_computation_lowered:
.L_overlay_start_0:
0x88: {  	s2 =	sld [smem:$0x3FD9]  }
0x89: {  	s3 =	sld [smem:$0x3FFE];
	_ =	sdelay $0x1  }
0x8a: {  	s1 =	srdreg.scid  }
0x8b: {  	s0 =	sand.u32 $0x1, s1  }
0x8c: {  	s16 =	sshll.u32 s0, $0xA;
	s2 =	sadd.s32 s3, s2  }
0x8d: {  	s2 =	sadd.s32 s2, s16  }
0x8e: {  	[smem:$0x3FBD] =	sst s2  }
0x8f: {  	_ = 	snop  }
0x90: {  	(tm) =	ssettm $0x1  }
0x91: {  	s17 =	sld [smem:$0x3FFB];
	_ =	sdelay $0x3  }
0x92: {  	_ =	strace s17  }
0x93: {  	s2 =	sld [smem:$0x3FFC];
	_ =	sdelay $0x3  }
0x94: {  	_ =	strace s2  }
0x95: {  	s2 =	sld [smem:$0x3FFD];
	_ =	sdelay $0x3  }
0x96: {  	_ =	strace s2  }
0x97: {  	_ =	strace $0x8FFFFFFF  }
0x98: {  	s18 =	sld [smem:$0x3FDB];
	_ =	sdelay $0x1  }
0x99: {  	s19 =	simm.s32 $_scs_section_size  }
0x9a: {  	s4 =	simm.s32 $_size__tile_overlayer_lowered;
	s5 =	simm.s32 $_tile_overlayer_lowered  }
0x9b: {  	s22 =	simm.s32 $0x1BFF;
	s21 =	sshll.u32 s5, $0x1;
	s2 =	sadd.s32 s19, s18  }
0x9c: {  	s6 =	simm.s32 $0x0;
	s20 =	sshll.u32 s4, $0x1;
	s4 =	sadd.s32 s21, s2  }
0x9d: {  	[timem:s6], [sflag:s22] =	dma.local [hbm:s4], s20  }
0x9e: {  	_ =	swait.ge [sflag:s22], s20  }
0x9f: {  	s3 =	ssub.s32 $0x0, s20;
	[sflag:s22] =	ssyncset.done $0x0  }
0xa0: {  	[sflag:s22] =	ssyncadd.s32 s3;
	_ =	sdelay $0x1  }
0xa1: {  	s23 =	simm.s32 $0x1B8B  }
0xa2: {  	_ =	swait.ge [sflag:s23], $0x1  }
0xa3: {  	[sflag:s23] =	ssyncset.done $0x0  }
0xa4: {  	s25 =	simm.s32 $0x1B8E;
	s24 =	sld [smem:$0x3FFE];
	[sflag:s23] =	ssyncadd.s32 $0xFFFFFFFF  }
0xa5: {  	s26 =	simm.s32 $execute0_lowered;
	[smem:$0x3FD2] =	sst s25  }
0xa6: {  	s4 =	sshll.u32 s26, $0x1;
	_ =	strace $0x80000046;
	[dreg:$0x1] =	wrdreg $0xFFFFFFFF  }
0xa7: {  	s28 =	simm.s32 $_size_execute0_lowered;
	s2 =	sadd.s32 s2, s4;
	[dreg:$0x0] =	wrdreg $0x0  }
0xa8: {  	s4 =	sshll.u32 s28, $0x1;
	[dreg:$0x2] =	wrdreg s2  }
0xa9: {  	[dreg:$0x3] =	wrdreg s4  }
0xaa: {  	[dreg:$0x4] =	wrdreg $0xC0  }
0xab: {  	_ =	task [dreg:s6], $0x5FFFF  }
0xac: {  	[dreg:$0x1] =	wrdreg $0xFFFFFFFF  }
0xad: {  	[dreg:$0x0] =	wrdreg $0x60  }
0xae: {  	[dreg:$0x2] =	wrdreg s24  }
0xaf: {  	[dreg:$0x3] =	wrdreg $0x9  }
0xb0: {  	_ =	task.clear_ibuf [dreg:s6], $0x4FFFF;
	_ =	strace $0x90000046  }
0xb1: {  	s29 =	simm.s32 $0x9;
	_ =	strace $0x80000048  }
0xb2: {  	_ =	swait.ge [sflag:s29], $0x1  }
0xb3: {  	[sflag:s29] =	ssyncadd.s32 $0xFFFFFFFF  }
0xb4: {  	_ =	strace $0x90000048  }
0xb5: {  	_ =	sfence  }
0xb6: {  	s30 =	sld [smem:$0x0];
	_ =	sdelay $0x2  }
0xb7: {  	s31 =	sshll.u32 s1, $0xD;
	s1 =	sshrl.u32 s1, $0x2  }
0xb8: {  	s3 =	sand.u32 $0x4000, s31;
	s1 =	sadd.s32 s1, s30  }
0xb9: {  	s0 =	sor.u32 s3, s0;
	s1 =	sshll.u32 s1, $0x11  }
0xba: {  	s0 =	sor.u32 s1, s0  }
0xbb: {  	s0 =	sadd.s32 $0x8F2B, s0  }
0xbc: {  	[sflag:s0] =	ssyncadd.remote.s32 $0x1  }
0xbd: {  	_ =	sfence.sel $0xFFFF  }
0xbe: {  	[dreg:$0x0] =	wrdreg $0xFFFFFFFF;
	(pc) =	sbr.abs _section_cstart, $3  }
0xbf: {  	[dreg:$0x1] =	wrdreg $0xFFFFFFFF  }
0xc0: {  	_ =	task.clear_ibuf [dreg:s6], $0x2FFFF;
	_ =	strace $0x9FFFFFFF  }
0xc1: {  	(tm) =	ssettm $0x7FFFFFFF  }
tec
execute0_lowered:
.L_overlay_start_1:
0x0: {  	(tag) =	ssettag $0x1  }
0x1: {  	s1 =	srdreg.scid  }
0x2: {  	s0 =	stileid.u32;
	s5 =	rddreg [dreg:$0x0];
	s2 =	simm.s32 $0x0  }
0x3: {  	s8 =	simm.s32 $0x1;
	s9 =	simm.s32 $0x80;
	s4 =	sand.u32 $0x1, s1  }
0x4: {  	s10 =	simm.s32 $0x400;
	s29 =	sshrl.u32 s0, $0x3;
	s3 =	smul.u32 $0x28000, s4  }
0x5: {  	s1 =	rddreg [dreg:$0x1];
	s7 =	sshll.u32 s0, $0x7;
	s6 =	smul.u32 $0x14000, s29  }
0x6: {  	s11 =	simm.s32 $0x0;
	[smem:$0x7FF] =	sst s2;
	s7 =	sand.u32 $0x380, s7  }
0x7: {  	_ =	strace $0x80000047;
	s30 =	ssub.s32 $0x2, s4;
	s6 =	sadd.s32 s3, s6  }
0x8: {  	s4 =	sshll.u32 s4, $0x4;
	s31 =	sshrl.u32 s30, $0x1;
	s6 =	sor.u32 s7, s6  }
0x9: {  	s4 =	sor.u32 s0, s4;
	s3 =	sadd.s32 $0x3A00, s5;
	s6 =	sshrl.u32 s6, $0x3  }
0xa: {  	s4 =	smul.u32 $0x2800, s4;
	s5 =	sadd.s32 s6, s5;
	s6 =	ssub.s32 s30, s31  }
0xb: {  	v0 =	vimm.f32 $0.0e+00;
	v1 =	vimm.f32 $1.000000000e+00;
	s7 =	simm.s32 $0x2800;
	s5 =	sadd.s32 $0xDA00, s5;
	s6 =	smax.u32 s6, $0x1  }
.LBB2_1:
0xc: {  	s12 =	simm.s32 $0x40;
	s13 =	simm.s32 $0x0  }
.LBB2_2:
0xd: {  	p0 =	sne.s32 s12, $0x9FC0;
	[tilespmem:s13+$0x0] =	vst v0;
	s13 =	smov.u32 s12;
	s12 =	sadd.s32 $0x40, s12  }
.Ltmp0:
0xe: {  	(pc) =	sbr.rel @p0 .LBB2_2-.Ltmp0, $2  }
0xf: {  	_ =	sdelay $0x2  }
0x10: {  	s13 =	sshra.s32 s13, $0x2  }
0x11: {  	[tilespmem:s13+$0x0] =	vst v0;
	s12 =	simm.s32 $0x0;
	s13 =	simm.s32 $0x0  }
.LBB2_4:
0x12: {  	s14 =	sshll.u32 s13, $0xA  }
0x13: {  	s14 =	sadd.s32 s4, s14  }
0x14: {  	s14 =	sshrl.u32 s14, $0x3  }
0x15: {  	s14 =	sadd.s32 s3, s14  }
0x16: {  	[tilespmem:s7], [sflag:$0x1] =	stream.linear.gather [hbm4b:s14+s12], $0x400, $0x38;
	[tilespmem:$0x2C00] =	vst v63  }
0x17: {  	_ =	swait.ge [sflag:s8], $0x400  }
0x18: {  	[sflag:s8] =	ssyncset.done $0x0  }
0x19: {  	s15 =	simm.s32 $0x0;
	s14 =	simm.s32 $0x40;
	[sflag:s8] =	ssyncadd.s32 $0xFFFFFC00  }
.LBB2_5:
0x1a: {  	p0 =	sne.s32 s14, $0xFC0;
	v2 =	vld [tilespmem:s15+$0x2800];
	_ =	sdelay $0x3  }
.Ltmp1:
0x1b: {  	(pc) =	sbr.rel @p0 .LBB2_5-.Ltmp1, $2  }
0x1c: {  	_ =	sdelay $0x2  }
0x1d: {  	s15 =	sshra.s32 s14, $0x2;
	s14 =	sadd.s32 $0x40, s14;
	[tilespmem:v2+s2+$0x0] =	vst.idx.add.f32.msk $0xffff, v1  }
0x1e: {  	v2 =	vld [tilespmem:s15+$0x2800];
	_ =	sdelay $0x1  }
0x1f: {  	s13 =	sadd.s32 $0x1, s13  }
0x20: {  	p0 =	sne.s32 s13, $0xA  }
.Ltmp2:
0x21: {  	_ = 	snop;
	(pc) =	sbr.rel @p0 .LBB2_4-.Ltmp2, $2  }
0x22: {  	_ =	sdelay $0x2  }
0x23: {  	[tilespmem:v2+s2+$0x0] =	vst.idx.add.f32.msk $0xffff, v1  }
0x24: {  	s11 =	sadd.s32 $0x1, s11  }
0x25: {  	p0 =	sne.s32 s11, s6  }
.Ltmp3:
0x26: {  	_ = 	snop;
	(pc) =	sbr.rel @p0 .LBB2_1-.Ltmp3, $4  }
0x27: {  	[hbm4b:s5+s9] =	stream.strided.scatter [tilespmem:s2], [sflag:$0x1], $0x2800, s10, s9, $0x38;
	[tilespmem:$0x2C00] =	vst v63  }
0x28: {  	_ =	swait.ge [sflag:s8], $0x2800  }
0x29: {  	[sflag:s8] =	ssyncset.done $0x0  }
0x2a: {  	[sflag:s8] =	ssyncadd.s32 $0xFFFFD800  }
0x2b: {  	_ =	sfence.sel $0x180000  }
0x2c: {  	[bflag:$0x0] =	sbarrier.arrive $0xFFFF  }
0x2d: {  	p0 =	sne.s32 s0, $0x0;
	_ =	strace $0x90000047  }
0x2e: {  	s0 =	sadd.s32 @!p0 $0x100000, s1;
	[bflag:$0x2] =	sbarrier.arrive $0xFFFF  }
0x2f: {  	[sflag:s0] =	ssyncadd.tile.s32 @!p0 $0x1;
	_ =	shalt  }
.Lfunc_end2:
_tile_overlayer_lowered:
.L_overlay_start_2:
0x30: {  	(tag) =	ssettag $0x2  }
0x31: {  	s0 =	rddreg [dreg:$0x0];
	s2 =	stileid.u32  }
0x32: {  	s1 =	rddreg [dreg:$0x1];
	p0 =	sne.s32 s2, $0x0  }
0x33: {  	s3 =	rddreg [dreg:$0x2];
	[bflag:$0x3] =	sbarrier.arrive $0xFFFF;
	s2 =	simm.s32 @!p0 $0x1C01  }
0x34: {  	[timem:s3], [sflag:s2] =	dma.local @!p0 [hbm:s0], s1  }
0x35: {  	s0 =	simm.s32 @!p0 $0x1  }
0x36: {  	_ =	swait.ge @!p0 [sflag:s0], s1  }
0x37: {  	s1 =	ssub.s32 @!p0 $0x0, s1;
	[sflag:s0] =	ssyncset.done @!p0 $0x0  }
0x38: {  	[sflag:s0] =	ssyncadd.s32 @!p0 s1  }
0x39: {  	[bflag:$0x3] =	sbarrier.arrive $0xFFFF  }
0x3a: {  	_ =	shalt  }

</sc_bundles>
